<compile_context>
chip_gen: v7x
topology: tpu7x:2x2x1
jax: 0.10.2.dev20260603
libtpu: 0.0.44.dev20260713+nightly
codegen_flags: <defaults>
</compile_context>

<pallas_src>
import functools

import jax
import jax.numpy as jnp
from jax import lax
from jax.experimental import pallas as pl
from jax.experimental.pallas import tpu as pltpu
from jax.experimental.pallas import tpu_sc as plsc

NC = 2
NS = 16
LANES = 16



def _make_seg_sum(n, dh, nblk, kb, c, with_counts, nbuf):
  rpt = 8 * (n // (8 * NS))
  tail = n - rpt * NS

  mesh = plsc.VectorSubcoreMesh(core_axis_name="c", subcore_axis_name="s",
                                num_cores=NC)

  p_type = jax.ShapeDtypeStruct((NC, n, dh), jnp.float32)
  if with_counts:
    out_type = [p_type, jax.ShapeDtypeStruct((NC, n, LANES), jnp.float32)]
  else:
    out_type = p_type

  scratch = (
      [pltpu.VMEM((kb, c), jnp.int32)] * 2
      + [pltpu.VMEM((c, dh), jnp.float32)] * nbuf
      + ([pltpu.VMEM((c, LANES), jnp.float32),
          pltpu.VMEM_SHARED((n, dh), jnp.float32),
          pltpu.VMEM_SHARED((n, LANES), jnp.float32)]
         if with_counts else
         [pltpu.VMEM_SHARED((n, dh), jnp.float32)])
      + [pltpu.SemaphoreType.DMA] * (2 * nbuf + 2 + (1 if with_counts else 0))
  )

  @functools.partial(
      pl.kernel, out_type=out_type, mesh=mesh, scratch_types=scratch,
      compiler_params=pltpu.CompilerParams(use_tc_tiling_on_sc=False))
  def seg_sum(h_hbm, src_hbm, dst_hbm, zrows_hbm, zcnt_hbm, ones_hbm,
              *out_and_scratch):
    if with_counts:
      p_hbm, cnt_hbm = out_and_scratch[0], out_and_scratch[1]
      (src_v, dst_v, *rest) = out_and_scratch[2:]
      rows = rest[:nbuf]
      ones_v, acc_sh, cnt_sh = rest[nbuf:nbuf + 3]
      sems = rest[nbuf + 3:]
    else:
      p_hbm = out_and_scratch[0]
      cnt_hbm = cnt_sh = ones_v = None
      (src_v, dst_v, *rest) = out_and_scratch[1:]
      rows = rest[:nbuf]
      acc_sh = rest[nbuf]
      sems = rest[nbuf + 1:]
    gsem = sems[:nbuf]
    ssem = sems[nbuf:2 * nbuf]
    isem_s, isem_d = sems[2 * nbuf:2 * nbuf + 2]
    csem = sems[2 * nbuf + 2] if with_counts else None

    cid = lax.axis_index("c")
    sid = lax.axis_index("s")
    htab = h_hbm.at[cid]

    pltpu.sync_copy(zrows_hbm, acc_sh.at[pl.ds(sid * rpt, rpt)])
    if with_counts:
      pltpu.sync_copy(zcnt_hbm, cnt_sh.at[pl.ds(sid * rpt, rpt)])
      pltpu.sync_copy(ones_hbm, ones_v)
    if tail:
      @pl.when(sid == 0)
      def _():
        pltpu.sync_copy(zrows_hbm.at[pl.ds(0, tail)],
                        acc_sh.at[pl.ds(NS * rpt, tail)])
        if with_counts:
          pltpu.sync_copy(zcnt_hbm.at[pl.ds(0, tail)],
                          cnt_sh.at[pl.ds(NS * rpt, tail)])
    plsc.subcore_barrier()

    def block(j, carry):
      if with_counts:
        do_cnt = jnp.logical_or(
            jnp.logical_and(cid == 0, j < nblk // 2),
            jnp.logical_and(cid == 1, j >= nblk // 2))

      pltpu.async_copy(src_hbm.at[sid, j], src_v, isem_s)
      pltpu.async_copy(dst_hbm.at[sid, j], dst_v, isem_d)
      pltpu.make_async_copy(src_hbm.at[sid, j], src_v, isem_s).wait()

      for b in range(nbuf):
        pltpu.async_copy(htab.at[src_v.at[b]], rows[b], gsem[b])
      pltpu.make_async_copy(dst_hbm.at[sid, j], dst_v, isem_d).wait()

      def chunk(k, b, prefetch):
        pltpu.make_async_copy(htab.at[src_v.at[k]], rows[b],
                              gsem[b]).wait()
        pltpu.async_copy(rows[b], acc_sh.at[dst_v.at[k]], ssem[b],
                         add=True)
        if with_counts:
          @pl.when(do_cnt)
          def _():
            pltpu.async_copy(ones_v, cnt_sh.at[dst_v.at[k]], csem,
                             add=True)
        pltpu.make_async_copy(rows[b], acc_sh.at[dst_v.at[k]],
                              ssem[b]).wait()
        if prefetch:
          pltpu.async_copy(htab.at[src_v.at[k + nbuf]], rows[b], gsem[b])

      def step(i2, carry2):
        for b in range(nbuf):
          chunk(i2 * nbuf + b, b, prefetch=True)
        return carry2

      lax.fori_loop(0, kb // nbuf - 1, step, 0)
      for b in range(nbuf):
        chunk(kb - nbuf + b, b, prefetch=False)

      if with_counts:
        @pl.when(do_cnt)
        def _():
          def drain(k, carry3):
            pltpu.make_async_copy(ones_v, cnt_sh.at[dst_v.at[0]],
                                  csem).wait()
            return carry3
          lax.fori_loop(0, kb, drain, 0)
      return carry

    lax.fori_loop(0, nblk, block, 0)

    plsc.subcore_barrier()
    pltpu.sync_copy(acc_sh.at[pl.ds(sid * rpt, rpt)],
                    p_hbm.at[cid, pl.ds(sid * rpt, rpt)])
    if with_counts:
      pltpu.sync_copy(cnt_sh.at[pl.ds(sid * rpt, rpt)],
                      cnt_hbm.at[cid, pl.ds(sid * rpt, rpt)])
    if tail:
      @pl.when(sid == 0)
      def _():
        pltpu.sync_copy(acc_sh.at[pl.ds(NS * rpt, tail)],
                        p_hbm.at[cid, pl.ds(NS * rpt, tail)])
        if with_counts:
          pltpu.sync_copy(cnt_sh.at[pl.ds(NS * rpt, tail)],
                          cnt_hbm.at[cid, pl.ds(NS * rpt, tail)])

    return None

  return seg_sum



def _relu_split_body(x_ref, o_ref, *, dh):
  h = jnp.maximum(x_ref[...], 0.0)
  o_ref[0] = h[:, :dh]
  o_ref[1] = h[:, dh:]


def _relu_split_tc(x, dh):
  n, d = x.shape
  bn = 2000
  return pl.pallas_call(
      functools.partial(_relu_split_body, dh=dh),
      grid=(n // bn,),
      in_specs=[pl.BlockSpec((bn, d), lambda i: (i, 0))],
      out_specs=pl.BlockSpec((NC, bn, dh), lambda i: (0, i, 0)),
      out_shape=jax.ShapeDtypeStruct((NC, n, dh), jnp.float32),
  )(x)


def _combine_body(p_ref, cnt_ref, h_ref, wna_ref, wnb_ref, bn_ref,
                  wsa_ref, wsb_ref, bs_ref, wuna_ref, wunb_ref,
                  wusa_ref, wusb_ref, bua_ref, bub_ref, o_ref, *, relu):
  dot = functools.partial(jnp.dot, preferred_element_type=jnp.float32)
  cden = jnp.maximum(cnt_ref[0, :, 0] + cnt_ref[1, :, 0], 1.0)[:, None]
  m0 = p_ref[0] / cden
  m1 = p_ref[1] / cden
  hn = dot(m0, wna_ref[...]) + dot(m1, wnb_ref[...]) + bn_ref[0]
  hs = dot(h_ref[0], wsa_ref[...]) + dot(h_ref[1], wsb_ref[...]) + bs_ref[0]
  ua = dot(hn, wuna_ref[...]) + dot(hs, wusa_ref[...]) + bua_ref[0]
  ub = dot(hn, wunb_ref[...]) + dot(hs, wusb_ref[...]) + bub_ref[0]
  if relu:
    o_ref[0] = jnp.maximum(ua, 0.0)
    o_ref[1] = jnp.maximum(ub, 0.0)
  else:
    o_ref[...] = jnp.concatenate([ua, ub], axis=1)


def _combine_tc(p, cnt, h2, wn, bn, ws, bs, wu, bu, relu):
  _, n, dh = h2.shape
  d = 2 * dh
  hdim = wn.shape[1]
  bn_ = bn.reshape(1, hdim)
  bs_ = bs.reshape(1, hdim)
  wna, wnb = wn[:dh], wn[dh:]
  wsa, wsb = ws[:dh], ws[dh:]
  wun, wus = wu[:hdim], wu[hdim:]
  wuna, wunb = wun[:, :dh], wun[:, dh:]
  wusa, wusb = wus[:, :dh], wus[:, dh:]
  bua = bu[:dh].reshape(1, dh)
  bub = bu[dh:].reshape(1, dh)
  bnrows = 2000
  grid = (n // bnrows,)
  if relu:
    out_shape = jax.ShapeDtypeStruct((NC, n, dh), jnp.float32)
    out_spec = pl.BlockSpec((NC, bnrows, dh), lambda i: (0, i, 0))
  else:
    out_shape = jax.ShapeDtypeStruct((n, hdim), jnp.float32)
    out_spec = pl.BlockSpec((bnrows, hdim), lambda i: (i, 0))
  full = lambda a: pl.BlockSpec(a.shape, lambda i: (0,) * a.ndim)
  return pl.pallas_call(
      functools.partial(_combine_body, relu=relu),
      grid=grid,
      in_specs=[
          pl.BlockSpec((NC, bnrows, dh), lambda i: (0, i, 0)),
          pl.BlockSpec((NC, bnrows, LANES), lambda i: (0, i, 0)),
          pl.BlockSpec((NC, bnrows, dh), lambda i: (0, i, 0)),
          full(wna), full(wnb), full(bn_),
          full(wsa), full(wsb), full(bs_),
          full(wuna), full(wunb), full(wusa), full(wusb),
          full(bua), full(bub),
      ],
      out_specs=out_spec,
      out_shape=out_shape,
  )(p, cnt, h2, wna, wnb, bn_, wsa, wsb, bs_, wuna, wunb, wusa, wusb,
    bua, bub)



def kernel(x, edge_index, Wn1, bn1, Ws1, bs1, Wu1, bu1,
           Wn2, bn2, Ws2, bs2, Wu2, bu2):
  n, d = x.shape
  e = edge_index.shape[1]
  dh = d // NC
  ept = e // NS
  c1, kb1, r1 = 40, 50, 5
  c2, kb2, r2 = 40, 100, 5
  nblk1 = ept // (kb1 * c1)
  nblk2 = ept // (kb2 * c2)
  assert dh * NC == d and ept * NS == e
  assert nblk1 * kb1 * c1 == ept and nblk2 * kb2 * c2 == ept
  assert n % NS == 0

  src1 = edge_index[0].reshape(NS, nblk1, kb1, c1)
  dst1 = edge_index[1].reshape(NS, nblk1, kb1, c1)
  src2 = edge_index[0].reshape(NS, nblk2, kb2, c2)
  dst2 = edge_index[1].reshape(NS, nblk2, kb2, c2)
  rpt = 8 * (n // (8 * NS))
  assert 0 <= n - rpt * NS <= rpt
  zrows = jnp.zeros((rpt, dh), jnp.float32)
  zcnt = jnp.zeros((rpt, LANES), jnp.float32)
  ones = jnp.ones((c1, LANES), jnp.float32)

  seg1 = _make_seg_sum(n, dh, nblk1, kb1, c1, with_counts=True, nbuf=r1)
  seg2 = _make_seg_sum(n, dh, nblk2, kb2, c2, with_counts=False, nbuf=r2)

  h1 = _relu_split_tc(x, dh)
  p1, cnt = seg1(h1, src1, dst1, zrows, zcnt, ones)
  h2 = _combine_tc(p1, cnt, h1, Wn1, bn1, Ws1, bs1, Wu1, bu1, relu=True)
  p2 = seg2(h2, src2, dst2, zrows, zcnt, ones)
  out = _combine_tc(p2, cnt, h2, Wn2, bn2, Ws2, bs2, Wu2, bu2, relu=False)
  return out

# --- scband reference (transcript-rebuilt; emitter-appended) ---
"""Pipeline reference for scband-hetero-net-24988119728306 (READ-ONLY COPY).

The authoritative reference and input builder live on the scoring server;
editing this copy changes nothing except your own understanding.
"""

import jax, jax.numpy as jnp
import numpy as np

N, E, D, H = 10000, 320000, 128, 128

def setup_inputs(seed: int = 0):
    key = jax.random.key(seed)
    ks = jax.random.split(key, 16)
    x = jax.random.normal(ks[0], (N, D), dtype=jnp.float32)
    edge_index = jax.random.randint(ks[1], (2, E), 0, N, dtype=jnp.int32)
    s1 = 1.0 / np.sqrt(D)
    s2 = 1.0 / np.sqrt(H)
    su = 1.0 / np.sqrt(2 * H)
    inp = {
        'x': x,
        'edge_index': edge_index,
        'Wn1': jax.random.normal(ks[2], (D, H), dtype=jnp.float32) * s1,
        'bn1': jnp.zeros((H,), dtype=jnp.float32),
        'Ws1': jax.random.normal(ks[3], (D, H), dtype=jnp.float32) * s1,
        'bs1': jnp.zeros((H,), dtype=jnp.float32),
        'Wu1': jax.random.normal(ks[4], (2 * H, H), dtype=jnp.float32) * su,
        'bu1': jnp.zeros((H,), dtype=jnp.float32),
        'Wn2': jax.random.normal(ks[5], (H, H), dtype=jnp.float32) * s2,
        'bn2': jnp.zeros((H,), dtype=jnp.float32),
        'Ws2': jax.random.normal(ks[6], (H, H), dtype=jnp.float32) * s2,
        'bs2': jnp.zeros((H,), dtype=jnp.float32),
        'Wu2': jax.random.normal(ks[7], (2 * H, H), dtype=jnp.float32) * su,
        'bu2': jnp.zeros((H,), dtype=jnp.float32),
    }
    return inp

def _sage_conv(h, edge_index, Wn, bn, Ws, bs, Wu, bu, num_nodes):
    # deepsnap HeteroSAGEConv: mean-aggregate neighbor features (src -> dst),
    # then lin_neigh(agg), lin_self(x), concat, lin_update.
    src = edge_index[0]
    dst = edge_index[1]
    msgs = jnp.take(h, src, axis=0)
    summed = jax.ops.segment_sum(msgs, dst, num_segments=num_nodes)
    counts = jax.ops.segment_sum(jnp.ones((src.shape[0],), dtype=h.dtype), dst, num_segments=num_nodes)
    mean = summed / jnp.maximum(counts, 1.0)[:, None]
    h_n = mean @ Wn + bn
    h_s = h @ Ws + bs
    cat = jnp.concatenate([h_n, h_s], axis=-1)
    return cat @ Wu + bu

def reference(x, edge_index, Wn1, bn1, Ws1, bs1, Wu1, bu1, Wn2, bn2, Ws2, bs2, Wu2, bu2):
    num_nodes = x.shape[0]
    # dropout is identity at inference; relu applied pre-conv
    h = jax.nn.relu(x)
    h = _sage_conv(h, edge_index, Wn1, bn1, Ws1, bs1, Wu1, bu1, num_nodes)
    h = jax.nn.relu(h)
    h = _sage_conv(h, edge_index, Wn2, bn2, Ws2, bs2, Wu2, bu2, num_nodes)
    return h

if __name__ == "__main__":
    import jax
    _d = setup_inputs()
    print(jax.jit(kernel)(*tuple(_d.values())))

</pallas_src>

<mosaic_0001>
#map = affine_map<(d0, d1) -> (0, 0, 0)>
#map1 = affine_map<(d0, d1) -> (0, 0, 0, 0)>
#map2 = affine_map<(d0, d1) -> (0, 0)>
module attributes {stable_mosaic.version = 14 : i64} {
  func.func @seg_sum(%arg0: i32, %arg1: i32, %arg2: memref<2x10000x64xf32, #tpu.memory_space<hbm>>, %arg3: memref<16x10x50x40xi32, #tpu.memory_space<hbm>>, %arg4: memref<16x10x50x40xi32, #tpu.memory_space<hbm>>, %arg5: memref<624x64xf32, #tpu.memory_space<hbm>>, %arg6: memref<624x16xf32, #tpu.memory_space<hbm>>, %arg7: memref<40x16xf32, #tpu.memory_space<hbm>>, %arg8: memref<2x10000x64xf32, #tpu.memory_space<hbm>>, %arg9: memref<2x10000x16xf32, #tpu.memory_space<hbm>>, %arg10: memref<50x40xi32, #tpu.memory_space<vmem>>, %arg11: memref<50x40xi32, #tpu.memory_space<vmem>>, %arg12: memref<40x64xf32, #tpu.memory_space<vmem>>, %arg13: memref<40x64xf32, #tpu.memory_space<vmem>>, %arg14: memref<40x64xf32, #tpu.memory_space<vmem>>, %arg15: memref<40x64xf32, #tpu.memory_space<vmem>>, %arg16: memref<40x64xf32, #tpu.memory_space<vmem>>, %arg17: memref<40x16xf32, #tpu.memory_space<vmem>>, %arg18: memref<10000x64xf32, #tpu.memory_space<vmem_shared>>, %arg19: memref<10000x16xf32, #tpu.memory_space<vmem_shared>>, %arg20: memref<!tpu.dma_semaphore, #tpu.memory_space<semaphore_mem>>, %arg21: memref<!tpu.dma_semaphore, #tpu.memory_space<semaphore_mem>>, %arg22: memref<!tpu.dma_semaphore, #tpu.memory_space<semaphore_mem>>, %arg23: memref<!tpu.dma_semaphore, #tpu.memory_space<semaphore_mem>>, %arg24: memref<!tpu.dma_semaphore, #tpu.memory_space<semaphore_mem>>, %arg25: memref<!tpu.dma_semaphore, #tpu.memory_space<semaphore_mem>>, %arg26: memref<!tpu.dma_semaphore, #tpu.memory_space<semaphore_mem>>, %arg27: memref<!tpu.dma_semaphore, #tpu.memory_space<semaphore_mem>>, %arg28: memref<!tpu.dma_semaphore, #tpu.memory_space<semaphore_mem>>, %arg29: memref<!tpu.dma_semaphore, #tpu.memory_space<semaphore_mem>>, %arg30: memref<!tpu.dma_semaphore, #tpu.memory_space<semaphore_mem>>, %arg31: memref<!tpu.dma_semaphore, #tpu.memory_space<semaphore_mem>>, %arg32: memref<!tpu.dma_semaphore, #tpu.memory_space<semaphore_mem>>) attributes {dimension_semantics = [#tpu.dimension_semantics<core_parallel>, #tpu.dimension_semantics<subcore_parallel>], iteration_bounds = array<i64: 2, 16>, scalar_prefetch = 0 : i64, scratch_operands = 23 : i64, tpu.core_type = #tpu.core_type<sc_vector_subcore>, window_params = [{transform_indices = #map}, {transform_indices = #map1}, {transform_indices = #map1}, {transform_indices = #map2}, {transform_indices = #map2}, {transform_indices = #map2}, {transform_indices = #map}, {transform_indices = #map}]} {
    %mul3A = arith.constant 624 : i32
    %mul3A_0 = arith.muli %arg1, %mul3A : i32
    "tpu.region"() ({
      %run_scoped3A = tpu.sem_alloc : memref<!tpu.dma_semaphore, #tpu.memory_space<semaphore_mem>>
      %dma_start3A = arith.constant 0 : i32
      %dma_start3A_24 = tpu.memref_slice %arg18[%mul3A_0, %dma_start3A] : memref<10000x64xf32, #tpu.memory_space<vmem_shared>> -> memref<624x64xf32, #tpu.memory_space<vmem_shared>>
      tpu.enqueue_dma source(%arg5 : memref<624x64xf32, #tpu.memory_space<hbm>>) target(%dma_start3A_24 : memref<624x64xf32, #tpu.memory_space<vmem_shared>>) target_semaphore(%run_scoped3A : memref<!tpu.dma_semaphore, #tpu.memory_space<semaphore_mem>>)
      %dma_wait3A = arith.constant 0 : i32
      %dma_wait3A_25 = tpu.memref_slice %arg18[%mul3A_0, %dma_wait3A] : memref<10000x64xf32, #tpu.memory_space<vmem_shared>> -> memref<624x64xf32, #tpu.memory_space<vmem_shared>>
      tpu.wait_dma2 semaphore(%run_scoped3A : memref<!tpu.dma_semaphore, #tpu.memory_space<semaphore_mem>>) src(%arg5 : memref<624x64xf32, #tpu.memory_space<hbm>>) dst(%dma_wait3A_25 : memref<624x64xf32, #tpu.memory_space<vmem_shared>>)
      tpu.yield
    }) : () -> ()
    %mul3A_1 = arith.constant 624 : i32
    %mul3A_2 = arith.muli %arg1, %mul3A_1 : i32
    "tpu.region"() ({
      %run_scoped3A = tpu.sem_alloc : memref<!tpu.dma_semaphore, #tpu.memory_space<semaphore_mem>>
      %dma_start3A = arith.constant 0 : i32
      %dma_start3A_24 = tpu.memref_slice %arg19[%mul3A_2, %dma_start3A] : memref<10000x16xf32, #tpu.memory_space<vmem_shared>> -> memref<624x16xf32, #tpu.memory_space<vmem_shared>>
      tpu.enqueue_dma source(%arg6 : memref<624x16xf32, #tpu.memory_space<hbm>>) target(%dma_start3A_24 : memref<624x16xf32, #tpu.memory_space<vmem_shared>>) target_semaphore(%run_scoped3A : memref<!tpu.dma_semaphore, #tpu.memory_space<semaphore_mem>>)
      %dma_wait3A = arith.constant 0 : i32
      %dma_wait3A_25 = tpu.memref_slice %arg19[%mul3A_2, %dma_wait3A] : memref<10000x16xf32, #tpu.memory_space<vmem_shared>> -> memref<624x16xf32, #tpu.memory_space<vmem_shared>>
      tpu.wait_dma2 semaphore(%run_scoped3A : memref<!tpu.dma_semaphore, #tpu.memory_space<semaphore_mem>>) src(%arg6 : memref<624x16xf32, #tpu.memory_space<hbm>>) dst(%dma_wait3A_25 : memref<624x16xf32, #tpu.memory_space<vmem_shared>>)
      tpu.yield
    }) : () -> ()
    "tpu.region"() ({
      %run_scoped3A = tpu.sem_alloc : memref<!tpu.dma_semaphore, #tpu.memory_space<semaphore_mem>>
      tpu.enqueue_dma source(%arg7 : memref<40x16xf32, #tpu.memory_space<hbm>>) target(%arg17 : memref<40x16xf32, #tpu.memory_space<vmem>>) target_semaphore(%run_scoped3A : memref<!tpu.dma_semaphore, #tpu.memory_space<semaphore_mem>>)
      tpu.wait_dma2 semaphore(%run_scoped3A : memref<!tpu.dma_semaphore, #tpu.memory_space<semaphore_mem>>) src(%arg7 : memref<40x16xf32, #tpu.memory_space<hbm>>) dst(%arg17 : memref<40x16xf32, #tpu.memory_space<vmem>>)
      tpu.yield
    }) : () -> ()
    %eq3A = arith.constant 0 : i32
    %eq3A_3 = arith.cmpi eq, %arg1, %eq3A : i32
    %convert_element_type3A = arith.extui %eq3A_3 : i1 to i32
    %cond3A = arith.constant 0 : i32
    %cond3A_4 = arith.cmpi ne, %convert_element_type3A, %cond3A : i32
    scf.if %cond3A_4 {
      "tpu.region"() ({
        %run_scoped3A = tpu.sem_alloc : memref<!tpu.dma_semaphore, #tpu.memory_space<semaphore_mem>>
        %dma_start3A = arith.constant 9984 : i32
        %dma_start3A_24 = arith.constant 0 : i32
        %dma_start3A_25 = tpu.memref_slice %arg18[%dma_start3A, %dma_start3A_24] : memref<10000x64xf32, #tpu.memory_space<vmem_shared>> -> memref<16x64xf32, #tpu.memory_space<vmem_shared>>
        %dma_start3A_26 = arith.constant 0 : i32
        %dma_start3A_27 = arith.constant 0 : i32
        %dma_start3A_28 = tpu.memref_slice %arg5[%dma_start3A_26, %dma_start3A_27] : memref<624x64xf32, #tpu.memory_space<hbm>> -> memref<16x64xf32, #tpu.memory_space<hbm>>
        tpu.enqueue_dma source(%dma_start3A_28 : memref<16x64xf32, #tpu.memory_space<hbm>>) target(%dma_start3A_25 : memref<16x64xf32, #tpu.memory_space<vmem_shared>>) target_semaphore(%run_scoped3A : memref<!tpu.dma_semaphore, #tpu.memory_space<semaphore_mem>>)
        %dma_wait3A = arith.constant 9984 : i32
        %dma_wait3A_29 = arith.constant 0 : i32
        %dma_wait3A_30 = tpu.memref_slice %arg18[%dma_wait3A, %dma_wait3A_29] : memref<10000x64xf32, #tpu.memory_space<vmem_shared>> -> memref<16x64xf32, #tpu.memory_space<vmem_shared>>
        %dma_wait3A_31 = arith.constant 0 : i32
        %dma_wait3A_32 = arith.constant 0 : i32
        %dma_wait3A_33 = tpu.memref_slice %arg5[%dma_wait3A_31, %dma_wait3A_32] : memref<624x64xf32, #tpu.memory_space<hbm>> -> memref<16x64xf32, #tpu.memory_space<hbm>>
        tpu.wait_dma2 semaphore(%run_scoped3A : memref<!tpu.dma_semaphore, #tpu.memory_space<semaphore_mem>>) src(%dma_wait3A_33 : memref<16x64xf32, #tpu.memory_space<hbm>>) dst(%dma_wait3A_30 : memref<16x64xf32, #tpu.memory_space<vmem_shared>>)
        tpu.yield
      }) : () -> ()
      "tpu.region"() ({
        %run_scoped3A = tpu.sem_alloc : memref<!tpu.dma_semaphore, #tpu.memory_space<semaphore_mem>>
        %dma_start3A = arith.constant 9984 : i32
        %dma_start3A_24 = arith.constant 0 : i32
        %dma_start3A_25 = tpu.memref_slice %arg19[%dma_start3A, %dma_start3A_24] : memref<10000x16xf32, #tpu.memory_space<vmem_shared>> -> memref<16x16xf32, #tpu.memory_space<vmem_shared>>
        %dma_start3A_26 = arith.constant 0 : i32
        %dma_start3A_27 = arith.constant 0 : i32
        %dma_start3A_28 = tpu.memref_slice %arg6[%dma_start3A_26, %dma_start3A_27] : memref<624x16xf32, #tpu.memory_space<hbm>> -> memref<16x16xf32, #tpu.memory_space<hbm>>
        tpu.enqueue_dma source(%dma_start3A_28 : memref<16x16xf32, #tpu.memory_space<hbm>>) target(%dma_start3A_25 : memref<16x16xf32, #tpu.memory_space<vmem_shared>>) target_semaphore(%run_scoped3A : memref<!tpu.dma_semaphore, #tpu.memory_space<semaphore_mem>>)
        %dma_wait3A = arith.constant 9984 : i32
        %dma_wait3A_29 = arith.constant 0 : i32
        %dma_wait3A_30 = tpu.memref_slice %arg19[%dma_wait3A, %dma_wait3A_29] : memref<10000x16xf32, #tpu.memory_space<vmem_shared>> -> memref<16x16xf32, #tpu.memory_space<vmem_shared>>
        %dma_wait3A_31 = arith.constant 0 : i32
        %dma_wait3A_32 = arith.constant 0 : i32
        %dma_wait3A_33 = tpu.memref_slice %arg6[%dma_wait3A_31, %dma_wait3A_32] : memref<624x16xf32, #tpu.memory_space<hbm>> -> memref<16x16xf32, #tpu.memory_space<hbm>>
        tpu.wait_dma2 semaphore(%run_scoped3A : memref<!tpu.dma_semaphore, #tpu.memory_space<semaphore_mem>>) src(%dma_wait3A_33 : memref<16x16xf32, #tpu.memory_space<hbm>>) dst(%dma_wait3A_30 : memref<16x16xf32, #tpu.memory_space<vmem_shared>>)
        tpu.yield
      }) : () -> ()
    } else {
    }
    %barrier3A = arith.constant 0 : index
    tpu.barrier barrier_id(%barrier3A)
    %scan3A = arith.constant 0 : i32
    %scan3A_5 = arith.constant 0 : i32
    %scan3A_6 = arith.constant 10 : i32
    %scan3A_7 = arith.addi %scan3A_5, %scan3A_6 : i32
    %scan3A_8 = arith.constant 1 : i32
    scf.for %scan3A_24 = %scan3A_5 to %scan3A_7 step %scan3A_8  : i32 {
      %eq3A_25 = arith.constant 0 : i32
      %eq3A_26 = arith.cmpi eq, %arg0, %eq3A_25 : i32
      %lt3A = arith.constant 5 : i32
      %lt3A_27 = arith.cmpi slt, %scan3A_24, %lt3A : i32
      %and3A = arith.andi %eq3A_26, %lt3A_27 : i1
      %eq3A_28 = arith.constant 1 : i32
      %eq3A_29 = arith.cmpi eq, %arg0, %eq3A_28 : i32
      %ge3A = arith.constant 5 : i32
      %ge3A_30 = arith.cmpi sge, %scan3A_24, %ge3A : i32
      %and3A_31 = arith.andi %eq3A_29, %ge3A_30 : i1
      %or3A = arith.ori %and3A, %and3A_31 : i1
      %dma_start3A = arith.constant 0 : i32
      %dma_start3A_32 = arith.constant 0 : i32
      %dma_start3A_33 = tpu.memref_slice %arg3[%arg1, %scan3A_24, %dma_start3A, %dma_start3A_32] : memref<16x10x50x40xi32, #tpu.memory_space<hbm>> -> memref<1x1x50x40xi32, #tpu.memory_space<hbm>>
      %dma_start3A_34 = tpu.memref_squeeze %dma_start3A_33 : memref<1x1x50x40xi32, #tpu.memory_space<hbm>> -> memref<50x40xi32, #tpu.memory_space<hbm>>
      %dma_start3A_35 = arith.constant 0 : i32
      %dma_start3A_36 = arith.constant 0 : i32
      %dma_start3A_37 = tpu.memref_slice %arg3[%arg1, %scan3A_24, %dma_start3A_35, %dma_start3A_36] : memref<16x10x50x40xi32, #tpu.memory_space<hbm>> -> memref<1x1x50x40xi32, #tpu.memory_space<hbm>>
      %dma_start3A_38 = tpu.memref_squeeze %dma_start3A_37 : memref<1x1x50x40xi32, #tpu.memory_space<hbm>> -> memref<50x40xi32, #tpu.memory_space<hbm>>
      tpu.enqueue_dma source(%dma_start3A_38 : memref<50x40xi32, #tpu.memory_space<hbm>>) target(%arg10 : memref<50x40xi32, #tpu.memory_space<vmem>>) target_semaphore(%arg30 : memref<!tpu.dma_semaphore, #tpu.memory_space<semaphore_mem>>)
      %dma_start3A_39 = arith.constant 0 : i32
      %dma_start3A_40 = arith.constant 0 : i32
      %dma_start3A_41 = tpu.memref_slice %arg4[%arg1, %scan3A_24, %dma_start3A_39, %dma_start3A_40] : memref<16x10x50x40xi32, #tpu.memory_space<hbm>> -> memref<1x1x50x40xi32, #tpu.memory_space<hbm>>
      %dma_start3A_42 = tpu.memref_squeeze %dma_start3A_41 : memref<1x1x50x40xi32, #tpu.memory_space<hbm>> -> memref<50x40xi32, #tpu.memory_space<hbm>>
      %dma_start3A_43 = arith.constant 0 : i32
      %dma_start3A_44 = arith.constant 0 : i32
      %dma_start3A_45 = tpu.memref_slice %arg4[%arg1, %scan3A_24, %dma_start3A_43, %dma_start3A_44] : memref<16x10x50x40xi32, #tpu.memory_space<hbm>> -> memref<1x1x50x40xi32, #tpu.memory_space<hbm>>
      %dma_start3A_46 = tpu.memref_squeeze %dma_start3A_45 : memref<1x1x50x40xi32, #tpu.memory_space<hbm>> -> memref<50x40xi32, #tpu.memory_space<hbm>>
      tpu.enqueue_dma source(%dma_start3A_46 : memref<50x40xi32, #tpu.memory_space<hbm>>) target(%arg11 : memref<50x40xi32, #tpu.memory_space<vmem>>) target_semaphore(%arg31 : memref<!tpu.dma_semaphore, #tpu.memory_space<semaphore_mem>>)
      %dma_wait3A = arith.constant 0 : i32
      %dma_wait3A_47 = arith.constant 0 : i32
      %dma_wait3A_48 = tpu.memref_slice %arg3[%arg1, %scan3A_24, %dma_wait3A, %dma_wait3A_47] : memref<16x10x50x40xi32, #tpu.memory_space<hbm>> -> memref<1x1x50x40xi32, #tpu.memory_space<hbm>>
      %dma_wait3A_49 = tpu.memref_squeeze %dma_wait3A_48 : memref<1x1x50x40xi32, #tpu.memory_space<hbm>> -> memref<50x40xi32, #tpu.memory_space<hbm>>
      %dma_wait3A_50 = arith.constant 0 : i32
      %dma_wait3A_51 = arith.constant 0 : i32
      %dma_wait3A_52 = tpu.memref_slice %arg3[%arg1, %scan3A_24, %dma_wait3A_50, %dma_wait3A_51] : memref<16x10x50x40xi32, #tpu.memory_space<hbm>> -> memref<1x1x50x40xi32, #tpu.memory_space<hbm>>
      %dma_wait3A_53 = tpu.memref_squeeze %dma_wait3A_52 : memref<1x1x50x40xi32, #tpu.memory_space<hbm>> -> memref<50x40xi32, #tpu.memory_space<hbm>>
      tpu.wait_dma2 semaphore(%arg30 : memref<!tpu.dma_semaphore, #tpu.memory_space<semaphore_mem>>) src(%dma_wait3A_53 : memref<50x40xi32, #tpu.memory_space<hbm>>) dst(%arg10 : memref<50x40xi32, #tpu.memory_space<vmem>>)
      %dma_start3A_54 = arith.constant 0 : i32
      %dma_start3A_55 = arith.constant 0 : i32
      %dma_start3A_56 = tpu.memref_slice %arg10[%dma_start3A_54, %dma_start3A_55] : memref<50x40xi32, #tpu.memory_space<vmem>> -> memref<1x40xi32, #tpu.memory_space<vmem>>
      %dma_start3A_57 = tpu.memref_squeeze %dma_start3A_56 : memref<1x40xi32, #tpu.memory_space<vmem>> -> memref<40xi32, #tpu.memory_space<vmem>>
      %dma_start3A_58 = arith.constant 0 : i32
      %dma_start3A_59 = arith.constant 0 : i32
      %dma_start3A_60 = tpu.memref_slice %arg2[%arg0, %dma_start3A_58, %dma_start3A_59] : memref<2x10000x64xf32, #tpu.memory_space<hbm>> -> memref<1x10000x64xf32, #tpu.memory_space<hbm>>
      %dma_start3A_61 = tpu.memref_squeeze %dma_start3A_60 : memref<1x10000x64xf32, #tpu.memory_space<hbm>> -> memref<10000x64xf32, #tpu.memory_space<hbm>>
      %dma_start3A_62 = arith.constant 0 : i32
      %dma_start3A_63 = arith.constant 0 : i32
      %dma_start3A_64 = tpu.memref_slice %dma_start3A_61[%dma_start3A_62, %dma_start3A_63] : memref<10000x64xf32, #tpu.memory_space<hbm>> -> memref<10000x64xf32, #tpu.memory_space<hbm>>
      tpu.enqueue_indirect_dma source(%dma_start3A_64 : memref<10000x64xf32, #tpu.memory_space<hbm>>) target(%arg12 : memref<40x64xf32, #tpu.memory_space<vmem>>) offsets(%dma_start3A_57 : memref<40xi32, #tpu.memory_space<vmem>>) semaphore(%arg20 : memref<!tpu.dma_semaphore, #tpu.memory_space<semaphore_mem>>)
      %dma_start3A_65 = arith.constant 1 : i32
      %dma_start3A_66 = arith.constant 0 : i32
      %dma_start3A_67 = tpu.memref_slice %arg10[%dma_start3A_65, %dma_start3A_66] : memref<50x40xi32, #tpu.memory_space<vmem>> -> memref<1x40xi32, #tpu.memory_space<vmem>>
      %dma_start3A_68 = tpu.memref_squeeze %dma_start3A_67 : memref<1x40xi32, #tpu.memory_space<vmem>> -> memref<40xi32, #tpu.memory_space<vmem>>
      %dma_start3A_69 = arith.constant 0 : i32
      %dma_start3A_70 = arith.constant 0 : i32
      %dma_start3A_71 = tpu.memref_slice %arg2[%arg0, %dma_start3A_69, %dma_start3A_70] : memref<2x10000x64xf32, #tpu.memory_space<hbm>> -> memref<1x10000x64xf32, #tpu.memory_space<hbm>>
      %dma_start3A_72 = tpu.memref_squeeze %dma_start3A_71 : memref<1x10000x64xf32, #tpu.memory_space<hbm>> -> memref<10000x64xf32, #tpu.memory_space<hbm>>
      %dma_start3A_73 = arith.constant 0 : i32
      %dma_start3A_74 = arith.constant 0 : i32
      %dma_start3A_75 = tpu.memref_slice %dma_start3A_72[%dma_start3A_73, %dma_start3A_74] : memref<10000x64xf32, #tpu.memory_space<hbm>> -> memref<10000x64xf32, #tpu.memory_space<hbm>>
      tpu.enqueue_indirect_dma source(%dma_start3A_75 : memref<10000x64xf32, #tpu.memory_space<hbm>>) target(%arg13 : memref<40x64xf32, #tpu.memory_space<vmem>>) offsets(%dma_start3A_68 : memref<40xi32, #tpu.memory_space<vmem>>) semaphore(%arg21 : memref<!tpu.dma_semaphore, #tpu.memory_space<semaphore_mem>>)
      %dma_start3A_76 = arith.constant 2 : i32
      %dma_start3A_77 = arith.constant 0 : i32
      %dma_start3A_78 = tpu.memref_slice %arg10[%dma_start3A_76, %dma_start3A_77] : memref<50x40xi32, #tpu.memory_space<vmem>> -> memref<1x40xi32, #tpu.memory_space<vmem>>
      %dma_start3A_79 = tpu.memref_squeeze %dma_start3A_78 : memref<1x40xi32, #tpu.memory_space<vmem>> -> memref<40xi32, #tpu.memory_space<vmem>>
      %dma_start3A_80 = arith.constant 0 : i32
      %dma_start3A_81 = arith.constant 0 : i32
      %dma_start3A_82 = tpu.memref_slice %arg2[%arg0, %dma_start3A_80, %dma_start3A_81] : memref<2x10000x64xf32, #tpu.memory_space<hbm>> -> memref<1x10000x64xf32, #tpu.memory_space<hbm>>
      %dma_start3A_83 = tpu.memref_squeeze %dma_start3A_82 : memref<1x10000x64xf32, #tpu.memory_space<hbm>> -> memref<10000x64xf32, #tpu.memory_space<hbm>>
      %dma_start3A_84 = arith.constant 0 : i32
      %dma_start3A_85 = arith.constant 0 : i32
      %dma_start3A_86 = tpu.memref_slice %dma_start3A_83[%dma_start3A_84, %dma_start3A_85] : memref<10000x64xf32, #tpu.memory_space<hbm>> -> memref<10000x64xf32, #tpu.memory_space<hbm>>
      tpu.enqueue_indirect_dma source(%dma_start3A_86 : memref<10000x64xf32, #tpu.memory_space<hbm>>) target(%arg14 : memref<40x64xf32, #tpu.memory_space<vmem>>) offsets(%dma_start3A_79 : memref<40xi32, #tpu.memory_space<vmem>>) semaphore(%arg22 : memref<!tpu.dma_semaphore, #tpu.memory_space<semaphore_mem>>)
      %dma_start3A_87 = arith.constant 3 : i32
      %dma_start3A_88 = arith.constant 0 : i32
      %dma_start3A_89 = tpu.memref_slice %arg10[%dma_start3A_87, %dma_start3A_88] : memref<50x40xi32, #tpu.memory_space<vmem>> -> memref<1x40xi32, #tpu.memory_space<vmem>>
      %dma_start3A_90 = tpu.memref_squeeze %dma_start3A_89 : memref<1x40xi32, #tpu.memory_space<vmem>> -> memref<40xi32, #tpu.memory_space<vmem>>
      %dma_start3A_91 = arith.constant 0 : i32
      %dma_start3A_92 = arith.constant 0 : i32
      %dma_start3A_93 = tpu.memref_slice %arg2[%arg0, %dma_start3A_91, %dma_start3A_92] : memref<2x10000x64xf32, #tpu.memory_space<hbm>> -> memref<1x10000x64xf32, #tpu.memory_space<hbm>>
      %dma_start3A_94 = tpu.memref_squeeze %dma_start3A_93 : memref<1x10000x64xf32, #tpu.memory_space<hbm>> -> memref<10000x64xf32, #tpu.memory_space<hbm>>
      %dma_start3A_95 = arith.constant 0 : i32
      %dma_start3A_96 = arith.constant 0 : i32
      %dma_start3A_97 = tpu.memref_slice %dma_start3A_94[%dma_start3A_95, %dma_start3A_96] : memref<10000x64xf32, #tpu.memory_space<hbm>> -> memref<10000x64xf32, #tpu.memory_space<hbm>>
      tpu.enqueue_indirect_dma source(%dma_start3A_97 : memref<10000x64xf32, #tpu.memory_space<hbm>>) target(%arg15 : memref<40x64xf32, #tpu.memory_space<vmem>>) offsets(%dma_start3A_90 : memref<40xi32, #tpu.memory_space<vmem>>) semaphore(%arg23 : memref<!tpu.dma_semaphore, #tpu.memory_space<semaphore_mem>>)
      %dma_start3A_98 = arith.constant 4 : i32
      %dma_start3A_99 = arith.constant 0 : i32
      %dma_start3A_100 = tpu.memref_slice %arg10[%dma_start3A_98, %dma_start3A_99] : memref<50x40xi32, #tpu.memory_space<vmem>> -> memref<1x40xi32, #tpu.memory_space<vmem>>
      %dma_start3A_101 = tpu.memref_squeeze %dma_start3A_100 : memref<1x40xi32, #tpu.memory_space<vmem>> -> memref<40xi32, #tpu.memory_space<vmem>>
      %dma_start3A_102 = arith.constant 0 : i32
      %dma_start3A_103 = arith.constant 0 : i32
      %dma_start3A_104 = tpu.memref_slice %arg2[%arg0, %dma_start3A_102, %dma_start3A_103] : memref<2x10000x64xf32, #tpu.memory_space<hbm>> -> memref<1x10000x64xf32, #tpu.memory_space<hbm>>
      %dma_start3A_105 = tpu.memref_squeeze %dma_start3A_104 : memref<1x10000x64xf32, #tpu.memory_space<hbm>> -> memref<10000x64xf32, #tpu.memory_space<hbm>>
      %dma_start3A_106 = arith.constant 0 : i32
      %dma_start3A_107 = arith.constant 0 : i32
      %dma_start3A_108 = tpu.memref_slice %dma_start3A_105[%dma_start3A_106, %dma_start3A_107] : memref<10000x64xf32, #tpu.memory_space<hbm>> -> memref<10000x64xf32, #tpu.memory_space<hbm>>
      tpu.enqueue_indirect_dma source(%dma_start3A_108 : memref<10000x64xf32, #tpu.memory_space<hbm>>) target(%arg16 : memref<40x64xf32, #tpu.memory_space<vmem>>) offsets(%dma_start3A_101 : memref<40xi32, #tpu.memory_space<vmem>>) semaphore(%arg24 : memref<!tpu.dma_semaphore, #tpu.memory_space<semaphore_mem>>)
      %dma_wait3A_109 = arith.constant 0 : i32
      %dma_wait3A_110 = arith.constant 0 : i32
      %dma_wait3A_111 = tpu.memref_slice %arg4[%arg1, %scan3A_24, %dma_wait3A_109, %dma_wait3A_110] : memref<16x10x50x40xi32, #tpu.memory_space<hbm>> -> memref<1x1x50x40xi32, #tpu.memory_space<hbm>>
      %dma_wait3A_112 = tpu.memref_squeeze %dma_wait3A_111 : memref<1x1x50x40xi32, #tpu.memory_space<hbm>> -> memref<50x40xi32, #tpu.memory_space<hbm>>
      %dma_wait3A_113 = arith.constant 0 : i32
      %dma_wait3A_114 = arith.constant 0 : i32
      %dma_wait3A_115 = tpu.memref_slice %arg4[%arg1, %scan3A_24, %dma_wait3A_113, %dma_wait3A_114] : memref<16x10x50x40xi32, #tpu.memory_space<hbm>> -> memref<1x1x50x40xi32, #tpu.memory_space<hbm>>
      %dma_wait3A_116 = tpu.memref_squeeze %dma_wait3A_115 : memref<1x1x50x40xi32, #tpu.memory_space<hbm>> -> memref<50x40xi32, #tpu.memory_space<hbm>>
      tpu.wait_dma2 semaphore(%arg31 : memref<!tpu.dma_semaphore, #tpu.memory_space<semaphore_mem>>) src(%dma_wait3A_116 : memref<50x40xi32, #tpu.memory_space<hbm>>) dst(%arg11 : memref<50x40xi32, #tpu.memory_space<vmem>>)
      %scan3A_117 = arith.constant 0 : i32
      %scan3A_118 = arith.constant 0 : i32
      %scan3A_119 = arith.constant 9 : i32
      %scan3A_120 = arith.addi %scan3A_118, %scan3A_119 : i32
      %scan3A_121 = arith.constant 1 : i32
      scf.for %scan3A_266 = %scan3A_118 to %scan3A_120 step %scan3A_121  : i32 {
        %mul3A_267 = arith.constant 5 : i32
        %mul3A_268 = arith.muli %scan3A_266, %mul3A_267 : i32
        %add3A = arith.constant 0 : i32
        %add3A_269 = arith.addi %mul3A_268, %add3A : i32
        %dma_wait3A_270 = arith.constant 0 : i32
        %dma_wait3A_271 = tpu.memref_slice %arg10[%add3A_269, %dma_wait3A_270] : memref<50x40xi32, #tpu.memory_space<vmem>> -> memref<1x40xi32, #tpu.memory_space<vmem>>
        %dma_wait3A_272 = tpu.memref_squeeze %dma_wait3A_271 : memref<1x40xi32, #tpu.memory_space<vmem>> -> memref<40xi32, #tpu.memory_space<vmem>>
        %dma_wait3A_273 = arith.constant 0 : i32
        %dma_wait3A_274 = arith.constant 0 : i32
        %dma_wait3A_275 = tpu.memref_slice %arg2[%arg0, %dma_wait3A_273, %dma_wait3A_274] : memref<2x10000x64xf32, #tpu.memory_space<hbm>> -> memref<1x10000x64xf32, #tpu.memory_space<hbm>>
        %dma_wait3A_276 = tpu.memref_squeeze %dma_wait3A_275 : memref<1x10000x64xf32, #tpu.memory_space<hbm>> -> memref<10000x64xf32, #tpu.memory_space<hbm>>
        %dma_wait3A_277 = arith.constant 0 : i32
        %dma_wait3A_278 = arith.constant 0 : i32
        %dma_wait3A_279 = tpu.memref_slice %dma_wait3A_276[%dma_wait3A_277, %dma_wait3A_278] : memref<10000x64xf32, #tpu.memory_space<hbm>> -> memref<10000x64xf32, #tpu.memory_space<hbm>>
        tpu.wait_indirect_dma semaphore(%arg20 : memref<!tpu.dma_semaphore, #tpu.memory_space<semaphore_mem>>) src(%dma_wait3A_279 : memref<10000x64xf32, #tpu.memory_space<hbm>>) dst(%arg12 : memref<40x64xf32, #tpu.memory_space<vmem>>)
        %dma_start3A_280 = arith.constant 0 : i32
        %dma_start3A_281 = tpu.memref_slice %arg11[%add3A_269, %dma_start3A_280] : memref<50x40xi32, #tpu.memory_space<vmem>> -> memref<1x40xi32, #tpu.memory_space<vmem>>
        %dma_start3A_282 = tpu.memref_squeeze %dma_start3A_281 : memref<1x40xi32, #tpu.memory_space<vmem>> -> memref<40xi32, #tpu.memory_space<vmem>>
        %dma_start3A_283 = arith.constant 0 : i32
        %dma_start3A_284 = arith.constant 0 : i32
        %dma_start3A_285 = tpu.memref_slice %arg18[%dma_start3A_283, %dma_start3A_284] : memref<10000x64xf32, #tpu.memory_space<vmem_shared>> -> memref<10000x64xf32, #tpu.memory_space<vmem_shared>>
        tpu.enqueue_indirect_dma source(%arg12 : memref<40x64xf32, #tpu.memory_space<vmem>>) target(%dma_start3A_285 : memref<10000x64xf32, #tpu.memory_space<vmem_shared>>) offsets(%dma_start3A_282 : memref<40xi32, #tpu.memory_space<vmem>>) semaphore(%arg25 : memref<!tpu.dma_semaphore, #tpu.memory_space<semaphore_mem>>) {add = true}
        %convert_element_type3A_286 = arith.extui %or3A : i1 to i32
        %cond3A_287 = arith.constant 0 : i32
        %cond3A_288 = arith.cmpi ne, %convert_element_type3A_286, %cond3A_287 : i32
        scf.if %cond3A_288 {
          %dma_start3A_471 = arith.constant 0 : i32
          %dma_start3A_472 = tpu.memref_slice %arg11[%add3A_269, %dma_start3A_471] : memref<50x40xi32, #tpu.memory_space<vmem>> -> memref<1x40xi32, #tpu.memory_space<vmem>>
          %dma_start3A_473 = tpu.memref_squeeze %dma_start3A_472 : memref<1x40xi32, #tpu.memory_space<vmem>> -> memref<40xi32, #tpu.memory_space<vmem>>
          %dma_start3A_474 = arith.constant 0 : i32
          %dma_start3A_475 = arith.constant 0 : i32
          %dma_start3A_476 = tpu.memref_slice %arg19[%dma_start3A_474, %dma_start3A_475] : memref<10000x16xf32, #tpu.memory_space<vmem_shared>> -> memref<10000x16xf32, #tpu.memory_space<vmem_shared>>
          tpu.enqueue_indirect_dma source(%arg17 : memref<40x16xf32, #tpu.memory_space<vmem>>) target(%dma_start3A_476 : memref<10000x16xf32, #tpu.memory_space<vmem_shared>>) offsets(%dma_start3A_473 : memref<40xi32, #tpu.memory_space<vmem>>) semaphore(%arg32 : memref<!tpu.dma_semaphore, #tpu.memory_space<semaphore_mem>>) {add = true}
        } else {
        }
        %dma_wait3A_289 = arith.constant 0 : i32
        %dma_wait3A_290 = tpu.memref_slice %arg11[%add3A_269, %dma_wait3A_289] : memref<50x40xi32, #tpu.memory_space<vmem>> -> memref<1x40xi32, #tpu.memory_space<vmem>>
        %dma_wait3A_291 = tpu.memref_squeeze %dma_wait3A_290 : memref<1x40xi32, #tpu.memory_space<vmem>> -> memref<40xi32, #tpu.memory_space<vmem>>
        %dma_wait3A_292 = arith.constant 0 : i32
        %dma_wait3A_293 = arith.constant 0 : i32
        %dma_wait3A_294 = tpu.memref_slice %arg18[%dma_wait3A_292, %dma_wait3A_293] : memref<10000x64xf32, #tpu.memory_space<vmem_shared>> -> memref<10000x64xf32, #tpu.memory_space<vmem_shared>>
        tpu.wait_indirect_dma semaphore(%arg25 : memref<!tpu.dma_semaphore, #tpu.memory_space<semaphore_mem>>) src(%arg12 : memref<40x64xf32, #tpu.memory_space<vmem>>) dst(%dma_wait3A_294 : memref<10000x64xf32, #tpu.memory_space<vmem_shared>>)
        %add3A_295 = arith.constant 5 : i32
        %add3A_296 = arith.addi %add3A_269, %add3A_295 : i32
        %dma_start3A_297 = arith.constant 0 : i32
        %dma_start3A_298 = tpu.memref_slice %arg10[%add3A_296, %dma_start3A_297] : memref<50x40xi32, #tpu.memory_space<vmem>> -> memref<1x40xi32, #tpu.memory_space<vmem>>
        %dma_start3A_299 = tpu.memref_squeeze %dma_start3A_298 : memref<1x40xi32, #tpu.memory_space<vmem>> -> memref<40xi32, #tpu.memory_space<vmem>>
        %dma_start3A_300 = arith.constant 0 : i32
        %dma_start3A_301 = arith.constant 0 : i32
        %dma_start3A_302 = tpu.memref_slice %arg2[%arg0, %dma_start3A_300, %dma_start3A_301] : memref<2x10000x64xf32, #tpu.memory_space<hbm>> -> memref<1x10000x64xf32, #tpu.memory_space<hbm>>
        %dma_start3A_303 = tpu.memref_squeeze %dma_start3A_302 : memref<1x10000x64xf32, #tpu.memory_space<hbm>> -> memref<10000x64xf32, #tpu.memory_space<hbm>>
        %dma_start3A_304 = arith.constant 0 : i32
        %dma_start3A_305 = arith.constant 0 : i32
        %dma_start3A_306 = tpu.memref_slice %dma_start3A_303[%dma_start3A_304, %dma_start3A_305] : memref<10000x64xf32, #tpu.memory_space<hbm>> -> memref<10000x64xf32, #tpu.memory_space<hbm>>
        tpu.enqueue_indirect_dma source(%dma_start3A_306 : memref<10000x64xf32, #tpu.memory_space<hbm>>) target(%arg12 : memref<40x64xf32, #tpu.memory_space<vmem>>) offsets(%dma_start3A_299 : memref<40xi32, #tpu.memory_space<vmem>>) semaphore(%arg20 : memref<!tpu.dma_semaphore, #tpu.memory_space<semaphore_mem>>)
        %mul3A_307 = arith.constant 5 : i32
        %mul3A_308 = arith.muli %scan3A_266, %mul3A_307 : i32
        %add3A_309 = arith.constant 1 : i32
        %add3A_310 = arith.addi %mul3A_308, %add3A_309 : i32
        %dma_wait3A_311 = arith.constant 0 : i32
        %dma_wait3A_312 = tpu.memref_slice %arg10[%add3A_310, %dma_wait3A_311] : memref<50x40xi32, #tpu.memory_space<vmem>> -> memref<1x40xi32, #tpu.memory_space<vmem>>
        %dma_wait3A_313 = tpu.memref_squeeze %dma_wait3A_312 : memref<1x40xi32, #tpu.memory_space<vmem>> -> memref<40xi32, #tpu.memory_space<vmem>>
        %dma_wait3A_314 = arith.constant 0 : i32
        %dma_wait3A_315 = arith.constant 0 : i32
        %dma_wait3A_316 = tpu.memref_slice %arg2[%arg0, %dma_wait3A_314, %dma_wait3A_315] : memref<2x10000x64xf32, #tpu.memory_space<hbm>> -> memref<1x10000x64xf32, #tpu.memory_space<hbm>>
        %dma_wait3A_317 = tpu.memref_squeeze %dma_wait3A_316 : memref<1x10000x64xf32, #tpu.memory_space<hbm>> -> memref<10000x64xf32, #tpu.memory_space<hbm>>
        %dma_wait3A_318 = arith.constant 0 : i32
        %dma_wait3A_319 = arith.constant 0 : i32
        %dma_wait3A_320 = tpu.memref_slice %dma_wait3A_317[%dma_wait3A_318, %dma_wait3A_319] : memref<10000x64xf32, #tpu.memory_space<hbm>> -> memref<10000x64xf32, #tpu.memory_space<hbm>>
        tpu.wait_indirect_dma semaphore(%arg21 : memref<!tpu.dma_semaphore, #tpu.memory_space<semaphore_mem>>) src(%dma_wait3A_320 : memref<10000x64xf32, #tpu.memory_space<hbm>>) dst(%arg13 : memref<40x64xf32, #tpu.memory_space<vmem>>)
        %dma_start3A_321 = arith.constant 0 : i32
        %dma_start3A_322 = tpu.memref_slice %arg11[%add3A_310, %dma_start3A_321] : memref<50x40xi32, #tpu.memory_space<vmem>> -> memref<1x40xi32, #tpu.memory_space<vmem>>
        %dma_start3A_323 = tpu.memref_squeeze %dma_start3A_322 : memref<1x40xi32, #tpu.memory_space<vmem>> -> memref<40xi32, #tpu.memory_space<vmem>>
        %dma_start3A_324 = arith.constant 0 : i32
        %dma_start3A_325 = arith.constant 0 : i32
        %dma_start3A_326 = tpu.memref_slice %arg18[%dma_start3A_324, %dma_start3A_325] : memref<10000x64xf32, #tpu.memory_space<vmem_shared>> -> memref<10000x64xf32, #tpu.memory_space<vmem_shared>>
        tpu.enqueue_indirect_dma source(%arg13 : memref<40x64xf32, #tpu.memory_space<vmem>>) target(%dma_start3A_326 : memref<10000x64xf32, #tpu.memory_space<vmem_shared>>) offsets(%dma_start3A_323 : memref<40xi32, #tpu.memory_space<vmem>>) semaphore(%arg26 : memref<!tpu.dma_semaphore, #tpu.memory_space<semaphore_mem>>) {add = true}
        %convert_element_type3A_327 = arith.extui %or3A : i1 to i32
        %cond3A_328 = arith.constant 0 : i32
        %cond3A_329 = arith.cmpi ne, %convert_element_type3A_327, %cond3A_328 : i32
        scf.if %cond3A_329 {
          %dma_start3A_471 = arith.constant 0 : i32
          %dma_start3A_472 = tpu.memref_slice %arg11[%add3A_310, %dma_start3A_471] : memref<50x40xi32, #tpu.memory_space<vmem>> -> memref<1x40xi32, #tpu.memory_space<vmem>>
          %dma_start3A_473 = tpu.memref_squeeze %dma_start3A_472 : memref<1x40xi32, #tpu.memory_space<vmem>> -> memref<40xi32, #tpu.memory_space<vmem>>
          %dma_start3A_474 = arith.constant 0 : i32
          %dma_start3A_475 = arith.constant 0 : i32
          %dma_start3A_476 = tpu.memref_slice %arg19[%dma_start3A_474, %dma_start3A_475] : memref<10000x16xf32, #tpu.memory_space<vmem_shared>> -> memref<10000x16xf32, #tpu.memory_space<vmem_shared>>
          tpu.enqueue_indirect_dma source(%arg17 : memref<40x16xf32, #tpu.memory_space<vmem>>) target(%dma_start3A_476 : memref<10000x16xf32, #tpu.memory_space<vmem_shared>>) offsets(%dma_start3A_473 : memref<40xi32, #tpu.memory_space<vmem>>) semaphore(%arg32 : memref<!tpu.dma_semaphore, #tpu.memory_space<semaphore_mem>>) {add = true}
        } else {
        }
        %dma_wait3A_330 = arith.constant 0 : i32
        %dma_wait3A_331 = tpu.memref_slice %arg11[%add3A_310, %dma_wait3A_330] : memref<50x40xi32, #tpu.memory_space<vmem>> -> memref<1x40xi32, #tpu.memory_space<vmem>>
        %dma_wait3A_332 = tpu.memref_squeeze %dma_wait3A_331 : memref<1x40xi32, #tpu.memory_space<vmem>> -> memref<40xi32, #tpu.memory_space<vmem>>
        %dma_wait3A_333 = arith.constant 0 : i32
        %dma_wait3A_334 = arith.constant 0 : i32
        %dma_wait3A_335 = tpu.memref_slice %arg18[%dma_wait3A_333, %dma_wait3A_334] : memref<10000x64xf32, #tpu.memory_space<vmem_shared>> -> memref<10000x64xf32, #tpu.memory_space<vmem_shared>>
        tpu.wait_indirect_dma semaphore(%arg26 : memref<!tpu.dma_semaphore, #tpu.memory_space<semaphore_mem>>) src(%arg13 : memref<40x64xf32, #tpu.memory_space<vmem>>) dst(%dma_wait3A_335 : memref<10000x64xf32, #tpu.memory_space<vmem_shared>>)
        %add3A_336 = arith.constant 5 : i32
        %add3A_337 = arith.addi %add3A_310, %add3A_336 : i32
        %dma_start3A_338 = arith.constant 0 : i32
        %dma_start3A_339 = tpu.memref_slice %arg10[%add3A_337, %dma_start3A_338] : memref<50x40xi32, #tpu.memory_space<vmem>> -> memref<1x40xi32, #tpu.memory_space<vmem>>
        %dma_start3A_340 = tpu.memref_squeeze %dma_start3A_339 : memref<1x40xi32, #tpu.memory_space<vmem>> -> memref<40xi32, #tpu.memory_space<vmem>>
        %dma_start3A_341 = arith.constant 0 : i32
        %dma_start3A_342 = arith.constant 0 : i32
        %dma_start3A_343 = tpu.memref_slice %arg2[%arg0, %dma_start3A_341, %dma_start3A_342] : memref<2x10000x64xf32, #tpu.memory_space<hbm>> -> memref<1x10000x64xf32, #tpu.memory_space<hbm>>
        %dma_start3A_344 = tpu.memref_squeeze %dma_start3A_343 : memref<1x10000x64xf32, #tpu.memory_space<hbm>> -> memref<10000x64xf32, #tpu.memory_space<hbm>>
        %dma_start3A_345 = arith.constant 0 : i32
        %dma_start3A_346 = arith.constant 0 : i32
        %dma_start3A_347 = tpu.memref_slice %dma_start3A_344[%dma_start3A_345, %dma_start3A_346] : memref<10000x64xf32, #tpu.memory_space<hbm>> -> memref<10000x64xf32, #tpu.memory_space<hbm>>
        tpu.enqueue_indirect_dma source(%dma_start3A_347 : memref<10000x64xf32, #tpu.memory_space<hbm>>) target(%arg13 : memref<40x64xf32, #tpu.memory_space<vmem>>) offsets(%dma_start3A_340 : memref<40xi32, #tpu.memory_space<vmem>>) semaphore(%arg21 : memref<!tpu.dma_semaphore, #tpu.memory_space<semaphore_mem>>)
        %mul3A_348 = arith.constant 5 : i32
        %mul3A_349 = arith.muli %scan3A_266, %mul3A_348 : i32
        %add3A_350 = arith.constant 2 : i32
        %add3A_351 = arith.addi %mul3A_349, %add3A_350 : i32
        %dma_wait3A_352 = arith.constant 0 : i32
        %dma_wait3A_353 = tpu.memref_slice %arg10[%add3A_351, %dma_wait3A_352] : memref<50x40xi32, #tpu.memory_space<vmem>> -> memref<1x40xi32, #tpu.memory_space<vmem>>
        %dma_wait3A_354 = tpu.memref_squeeze %dma_wait3A_353 : memref<1x40xi32, #tpu.memory_space<vmem>> -> memref<40xi32, #tpu.memory_space<vmem>>
        %dma_wait3A_355 = arith.constant 0 : i32
        %dma_wait3A_356 = arith.constant 0 : i32
        %dma_wait3A_357 = tpu.memref_slice %arg2[%arg0, %dma_wait3A_355, %dma_wait3A_356] : memref<2x10000x64xf32, #tpu.memory_space<hbm>> -> memref<1x10000x64xf32, #tpu.memory_space<hbm>>
        %dma_wait3A_358 = tpu.memref_squeeze %dma_wait3A_357 : memref<1x10000x64xf32, #tpu.memory_space<hbm>> -> memref<10000x64xf32, #tpu.memory_space<hbm>>
        %dma_wait3A_359 = arith.constant 0 : i32
        %dma_wait3A_360 = arith.constant 0 : i32
        %dma_wait3A_361 = tpu.memref_slice %dma_wait3A_358[%dma_wait3A_359, %dma_wait3A_360] : memref<10000x64xf32, #tpu.memory_space<hbm>> -> memref<10000x64xf32, #tpu.memory_space<hbm>>
        tpu.wait_indirect_dma semaphore(%arg22 : memref<!tpu.dma_semaphore, #tpu.memory_space<semaphore_mem>>) src(%dma_wait3A_361 : memref<10000x64xf32, #tpu.memory_space<hbm>>) dst(%arg14 : memref<40x64xf32, #tpu.memory_space<vmem>>)
        %dma_start3A_362 = arith.constant 0 : i32
        %dma_start3A_363 = tpu.memref_slice %arg11[%add3A_351, %dma_start3A_362] : memref<50x40xi32, #tpu.memory_space<vmem>> -> memref<1x40xi32, #tpu.memory_space<vmem>>
        %dma_start3A_364 = tpu.memref_squeeze %dma_start3A_363 : memref<1x40xi32, #tpu.memory_space<vmem>> -> memref<40xi32, #tpu.memory_space<vmem>>
        %dma_start3A_365 = arith.constant 0 : i32
        %dma_start3A_366 = arith.constant 0 : i32
        %dma_start3A_367 = tpu.memref_slice %arg18[%dma_start3A_365, %dma_start3A_366] : memref<10000x64xf32, #tpu.memory_space<vmem_shared>> -> memref<10000x64xf32, #tpu.memory_space<vmem_shared>>
        tpu.enqueue_indirect_dma source(%arg14 : memref<40x64xf32, #tpu.memory_space<vmem>>) target(%dma_start3A_367 : memref<10000x64xf32, #tpu.memory_space<vmem_shared>>) offsets(%dma_start3A_364 : memref<40xi32, #tpu.memory_space<vmem>>) semaphore(%arg27 : memref<!tpu.dma_semaphore, #tpu.memory_space<semaphore_mem>>) {add = true}
        %convert_element_type3A_368 = arith.extui %or3A : i1 to i32
        %cond3A_369 = arith.constant 0 : i32
        %cond3A_370 = arith.cmpi ne, %convert_element_type3A_368, %cond3A_369 : i32
        scf.if %cond3A_370 {
          %dma_start3A_471 = arith.constant 0 : i32
          %dma_start3A_472 = tpu.memref_slice %arg11[%add3A_351, %dma_start3A_471] : memref<50x40xi32, #tpu.memory_space<vmem>> -> memref<1x40xi32, #tpu.memory_space<vmem>>
          %dma_start3A_473 = tpu.memref_squeeze %dma_start3A_472 : memref<1x40xi32, #tpu.memory_space<vmem>> -> memref<40xi32, #tpu.memory_space<vmem>>
          %dma_start3A_474 = arith.constant 0 : i32
          %dma_start3A_475 = arith.constant 0 : i32
          %dma_start3A_476 = tpu.memref_slice %arg19[%dma_start3A_474, %dma_start3A_475] : memref<10000x16xf32, #tpu.memory_space<vmem_shared>> -> memref<10000x16xf32, #tpu.memory_space<vmem_shared>>
          tpu.enqueue_indirect_dma source(%arg17 : memref<40x16xf32, #tpu.memory_space<vmem>>) target(%dma_start3A_476 : memref<10000x16xf32, #tpu.memory_space<vmem_shared>>) offsets(%dma_start3A_473 : memref<40xi32, #tpu.memory_space<vmem>>) semaphore(%arg32 : memref<!tpu.dma_semaphore, #tpu.memory_space<semaphore_mem>>) {add = true}
        } else {
        }
        %dma_wait3A_371 = arith.constant 0 : i32
        %dma_wait3A_372 = tpu.memref_slice %arg11[%add3A_351, %dma_wait3A_371] : memref<50x40xi32, #tpu.memory_space<vmem>> -> memref<1x40xi32, #tpu.memory_space<vmem>>
        %dma_wait3A_373 = tpu.memref_squeeze %dma_wait3A_372 : memref<1x40xi32, #tpu.memory_space<vmem>> -> memref<40xi32, #tpu.memory_space<vmem>>
        %dma_wait3A_374 = arith.constant 0 : i32
        %dma_wait3A_375 = arith.constant 0 : i32
        %dma_wait3A_376 = tpu.memref_slice %arg18[%dma_wait3A_374, %dma_wait3A_375] : memref<10000x64xf32, #tpu.memory_space<vmem_shared>> -> memref<10000x64xf32, #tpu.memory_space<vmem_shared>>
        tpu.wait_indirect_dma semaphore(%arg27 : memref<!tpu.dma_semaphore, #tpu.memory_space<semaphore_mem>>) src(%arg14 : memref<40x64xf32, #tpu.memory_space<vmem>>) dst(%dma_wait3A_376 : memref<10000x64xf32, #tpu.memory_space<vmem_shared>>)
        %add3A_377 = arith.constant 5 : i32
        %add3A_378 = arith.addi %add3A_351, %add3A_377 : i32
        %dma_start3A_379 = arith.constant 0 : i32
        %dma_start3A_380 = tpu.memref_slice %arg10[%add3A_378, %dma_start3A_379] : memref<50x40xi32, #tpu.memory_space<vmem>> -> memref<1x40xi32, #tpu.memory_space<vmem>>
        %dma_start3A_381 = tpu.memref_squeeze %dma_start3A_380 : memref<1x40xi32, #tpu.memory_space<vmem>> -> memref<40xi32, #tpu.memory_space<vmem>>
        %dma_start3A_382 = arith.constant 0 : i32
        %dma_start3A_383 = arith.constant 0 : i32
        %dma_start3A_384 = tpu.memref_slice %arg2[%arg0, %dma_start3A_382, %dma_start3A_383] : memref<2x10000x64xf32, #tpu.memory_space<hbm>> -> memref<1x10000x64xf32, #tpu.memory_space<hbm>>
        %dma_start3A_385 = tpu.memref_squeeze %dma_start3A_384 : memref<1x10000x64xf32, #tpu.memory_space<hbm>> -> memref<10000x64xf32, #tpu.memory_space<hbm>>
        %dma_start3A_386 = arith.constant 0 : i32
        %dma_start3A_387 = arith.constant 0 : i32
        %dma_start3A_388 = tpu.memref_slice %dma_start3A_385[%dma_start3A_386, %dma_start3A_387] : memref<10000x64xf32, #tpu.memory_space<hbm>> -> memref<10000x64xf32, #tpu.memory_space<hbm>>
        tpu.enqueue_indirect_dma source(%dma_start3A_388 : memref<10000x64xf32, #tpu.memory_space<hbm>>) target(%arg14 : memref<40x64xf32, #tpu.memory_space<vmem>>) offsets(%dma_start3A_381 : memref<40xi32, #tpu.memory_space<vmem>>) semaphore(%arg22 : memref<!tpu.dma_semaphore, #tpu.memory_space<semaphore_mem>>)
        %mul3A_389 = arith.constant 5 : i32
        %mul3A_390 = arith.muli %scan3A_266, %mul3A_389 : i32
        %add3A_391 = arith.constant 3 : i32
        %add3A_392 = arith.addi %mul3A_390, %add3A_391 : i32
        %dma_wait3A_393 = arith.constant 0 : i32
        %dma_wait3A_394 = tpu.memref_slice %arg10[%add3A_392, %dma_wait3A_393] : memref<50x40xi32, #tpu.memory_space<vmem>> -> memref<1x40xi32, #tpu.memory_space<vmem>>
        %dma_wait3A_395 = tpu.memref_squeeze %dma_wait3A_394 : memref<1x40xi32, #tpu.memory_space<vmem>> -> memref<40xi32, #tpu.memory_space<vmem>>
        %dma_wait3A_396 = arith.constant 0 : i32
        %dma_wait3A_397 = arith.constant 0 : i32
        %dma_wait3A_398 = tpu.memref_slice %arg2[%arg0, %dma_wait3A_396, %dma_wait3A_397] : memref<2x10000x64xf32, #tpu.memory_space<hbm>> -> memref<1x10000x64xf32, #tpu.memory_space<hbm>>
        %dma_wait3A_399 = tpu.memref_squeeze %dma_wait3A_398 : memref<1x10000x64xf32, #tpu.memory_space<hbm>> -> memref<10000x64xf32, #tpu.memory_space<hbm>>
        %dma_wait3A_400 = arith.constant 0 : i32
        %dma_wait3A_401 = arith.constant 0 : i32
        %dma_wait3A_402 = tpu.memref_slice %dma_wait3A_399[%dma_wait3A_400, %dma_wait3A_401] : memref<10000x64xf32, #tpu.memory_space<hbm>> -> memref<10000x64xf32, #tpu.memory_space<hbm>>
        tpu.wait_indirect_dma semaphore(%arg23 : memref<!tpu.dma_semaphore, #tpu.memory_space<semaphore_mem>>) src(%dma_wait3A_402 : memref<10000x64xf32, #tpu.memory_space<hbm>>) dst(%arg15 : memref<40x64xf32, #tpu.memory_space<vmem>>)
        %dma_start3A_403 = arith.constant 0 : i32
        %dma_start3A_404 = tpu.memref_slice %arg11[%add3A_392, %dma_start3A_403] : memref<50x40xi32, #tpu.memory_space<vmem>> -> memref<1x40xi32, #tpu.memory_space<vmem>>
        %dma_start3A_405 = tpu.memref_squeeze %dma_start3A_404 : memref<1x40xi32, #tpu.memory_space<vmem>> -> memref<40xi32, #tpu.memory_space<vmem>>
        %dma_start3A_406 = arith.constant 0 : i32
        %dma_start3A_407 = arith.constant 0 : i32
        %dma_start3A_408 = tpu.memref_slice %arg18[%dma_start3A_406, %dma_start3A_407] : memref<10000x64xf32, #tpu.memory_space<vmem_shared>> -> memref<10000x64xf32, #tpu.memory_space<vmem_shared>>
        tpu.enqueue_indirect_dma source(%arg15 : memref<40x64xf32, #tpu.memory_space<vmem>>) target(%dma_start3A_408 : memref<10000x64xf32, #tpu.memory_space<vmem_shared>>) offsets(%dma_start3A_405 : memref<40xi32, #tpu.memory_space<vmem>>) semaphore(%arg28 : memref<!tpu.dma_semaphore, #tpu.memory_space<semaphore_mem>>) {add = true}
        %convert_element_type3A_409 = arith.extui %or3A : i1 to i32
        %cond3A_410 = arith.constant 0 : i32
        %cond3A_411 = arith.cmpi ne, %convert_element_type3A_409, %cond3A_410 : i32
        scf.if %cond3A_411 {
          %dma_start3A_471 = arith.constant 0 : i32
          %dma_start3A_472 = tpu.memref_slice %arg11[%add3A_392, %dma_start3A_471] : memref<50x40xi32, #tpu.memory_space<vmem>> -> memref<1x40xi32, #tpu.memory_space<vmem>>
          %dma_start3A_473 = tpu.memref_squeeze %dma_start3A_472 : memref<1x40xi32, #tpu.memory_space<vmem>> -> memref<40xi32, #tpu.memory_space<vmem>>
          %dma_start3A_474 = arith.constant 0 : i32
          %dma_start3A_475 = arith.constant 0 : i32
          %dma_start3A_476 = tpu.memref_slice %arg19[%dma_start3A_474, %dma_start3A_475] : memref<10000x16xf32, #tpu.memory_space<vmem_shared>> -> memref<10000x16xf32, #tpu.memory_space<vmem_shared>>
          tpu.enqueue_indirect_dma source(%arg17 : memref<40x16xf32, #tpu.memory_space<vmem>>) target(%dma_start3A_476 : memref<10000x16xf32, #tpu.memory_space<vmem_shared>>) offsets(%dma_start3A_473 : memref<40xi32, #tpu.memory_space<vmem>>) semaphore(%arg32 : memref<!tpu.dma_semaphore, #tpu.memory_space<semaphore_mem>>) {add = true}
        } else {
        }
        %dma_wait3A_412 = arith.constant 0 : i32
        %dma_wait3A_413 = tpu.memref_slice %arg11[%add3A_392, %dma_wait3A_412] : memref<50x40xi32, #tpu.memory_space<vmem>> -> memref<1x40xi32, #tpu.memory_space<vmem>>
        %dma_wait3A_414 = tpu.memref_squeeze %dma_wait3A_413 : memref<1x40xi32, #tpu.memory_space<vmem>> -> memref<40xi32, #tpu.memory_space<vmem>>
        %dma_wait3A_415 = arith.constant 0 : i32
        %dma_wait3A_416 = arith.constant 0 : i32
        %dma_wait3A_417 = tpu.memref_slice %arg18[%dma_wait3A_415, %dma_wait3A_416] : memref<10000x64xf32, #tpu.memory_space<vmem_shared>> -> memref<10000x64xf32, #tpu.memory_space<vmem_shared>>
        tpu.wait_indirect_dma semaphore(%arg28 : memref<!tpu.dma_semaphore, #tpu.memory_space<semaphore_mem>>) src(%arg15 : memref<40x64xf32, #tpu.memory_space<vmem>>) dst(%dma_wait3A_417 : memref<10000x64xf32, #tpu.memory_space<vmem_shared>>)
        %add3A_418 = arith.constant 5 : i32
        %add3A_419 = arith.addi %add3A_392, %add3A_418 : i32
        %dma_start3A_420 = arith.constant 0 : i32
        %dma_start3A_421 = tpu.memref_slice %arg10[%add3A_419, %dma_start3A_420] : memref<50x40xi32, #tpu.memory_space<vmem>> -> memref<1x40xi32, #tpu.memory_space<vmem>>
        %dma_start3A_422 = tpu.memref_squeeze %dma_start3A_421 : memref<1x40xi32, #tpu.memory_space<vmem>> -> memref<40xi32, #tpu.memory_space<vmem>>
        %dma_start3A_423 = arith.constant 0 : i32
        %dma_start3A_424 = arith.constant 0 : i32
        %dma_start3A_425 = tpu.memref_slice %arg2[%arg0, %dma_start3A_423, %dma_start3A_424] : memref<2x10000x64xf32, #tpu.memory_space<hbm>> -> memref<1x10000x64xf32, #tpu.memory_space<hbm>>
        %dma_start3A_426 = tpu.memref_squeeze %dma_start3A_425 : memref<1x10000x64xf32, #tpu.memory_space<hbm>> -> memref<10000x64xf32, #tpu.memory_space<hbm>>
        %dma_start3A_427 = arith.constant 0 : i32
        %dma_start3A_428 = arith.constant 0 : i32
        %dma_start3A_429 = tpu.memref_slice %dma_start3A_426[%dma_start3A_427, %dma_start3A_428] : memref<10000x64xf32, #tpu.memory_space<hbm>> -> memref<10000x64xf32, #tpu.memory_space<hbm>>
        tpu.enqueue_indirect_dma source(%dma_start3A_429 : memref<10000x64xf32, #tpu.memory_space<hbm>>) target(%arg15 : memref<40x64xf32, #tpu.memory_space<vmem>>) offsets(%dma_start3A_422 : memref<40xi32, #tpu.memory_space<vmem>>) semaphore(%arg23 : memref<!tpu.dma_semaphore, #tpu.memory_space<semaphore_mem>>)
        %mul3A_430 = arith.constant 5 : i32
        %mul3A_431 = arith.muli %scan3A_266, %mul3A_430 : i32
        %add3A_432 = arith.constant 4 : i32
        %add3A_433 = arith.addi %mul3A_431, %add3A_432 : i32
        %dma_wait3A_434 = arith.constant 0 : i32
        %dma_wait3A_435 = tpu.memref_slice %arg10[%add3A_433, %dma_wait3A_434] : memref<50x40xi32, #tpu.memory_space<vmem>> -> memref<1x40xi32, #tpu.memory_space<vmem>>
        %dma_wait3A_436 = tpu.memref_squeeze %dma_wait3A_435 : memref<1x40xi32, #tpu.memory_space<vmem>> -> memref<40xi32, #tpu.memory_space<vmem>>
        %dma_wait3A_437 = arith.constant 0 : i32
        %dma_wait3A_438 = arith.constant 0 : i32
        %dma_wait3A_439 = tpu.memref_slice %arg2[%arg0, %dma_wait3A_437, %dma_wait3A_438] : memref<2x10000x64xf32, #tpu.memory_space<hbm>> -> memref<1x10000x64xf32, #tpu.memory_space<hbm>>
        %dma_wait3A_440 = tpu.memref_squeeze %dma_wait3A_439 : memref<1x10000x64xf32, #tpu.memory_space<hbm>> -> memref<10000x64xf32, #tpu.memory_space<hbm>>
        %dma_wait3A_441 = arith.constant 0 : i32
        %dma_wait3A_442 = arith.constant 0 : i32
        %dma_wait3A_443 = tpu.memref_slice %dma_wait3A_440[%dma_wait3A_441, %dma_wait3A_442] : memref<10000x64xf32, #tpu.memory_space<hbm>> -> memref<10000x64xf32, #tpu.memory_space<hbm>>
        tpu.wait_indirect_dma semaphore(%arg24 : memref<!tpu.dma_semaphore, #tpu.memory_space<semaphore_mem>>) src(%dma_wait3A_443 : memref<10000x64xf32, #tpu.memory_space<hbm>>) dst(%arg16 : memref<40x64xf32, #tpu.memory_space<vmem>>)
        %dma_start3A_444 = arith.constant 0 : i32
        %dma_start3A_445 = tpu.memref_slice %arg11[%add3A_433, %dma_start3A_444] : memref<50x40xi32, #tpu.memory_space<vmem>> -> memref<1x40xi32, #tpu.memory_space<vmem>>
        %dma_start3A_446 = tpu.memref_squeeze %dma_start3A_445 : memref<1x40xi32, #tpu.memory_space<vmem>> -> memref<40xi32, #tpu.memory_space<vmem>>
        %dma_start3A_447 = arith.constant 0 : i32
        %dma_start3A_448 = arith.constant 0 : i32
        %dma_start3A_449 = tpu.memref_slice %arg18[%dma_start3A_447, %dma_start3A_448] : memref<10000x64xf32, #tpu.memory_space<vmem_shared>> -> memref<10000x64xf32, #tpu.memory_space<vmem_shared>>
        tpu.enqueue_indirect_dma source(%arg16 : memref<40x64xf32, #tpu.memory_space<vmem>>) target(%dma_start3A_449 : memref<10000x64xf32, #tpu.memory_space<vmem_shared>>) offsets(%dma_start3A_446 : memref<40xi32, #tpu.memory_space<vmem>>) semaphore(%arg29 : memref<!tpu.dma_semaphore, #tpu.memory_space<semaphore_mem>>) {add = true}
        %convert_element_type3A_450 = arith.extui %or3A : i1 to i32
        %cond3A_451 = arith.constant 0 : i32
        %cond3A_452 = arith.cmpi ne, %convert_element_type3A_450, %cond3A_451 : i32
        scf.if %cond3A_452 {
          %dma_start3A_471 = arith.constant 0 : i32
          %dma_start3A_472 = tpu.memref_slice %arg11[%add3A_433, %dma_start3A_471] : memref<50x40xi32, #tpu.memory_space<vmem>> -> memref<1x40xi32, #tpu.memory_space<vmem>>
          %dma_start3A_473 = tpu.memref_squeeze %dma_start3A_472 : memref<1x40xi32, #tpu.memory_space<vmem>> -> memref<40xi32, #tpu.memory_space<vmem>>
          %dma_start3A_474 = arith.constant 0 : i32
          %dma_start3A_475 = arith.constant 0 : i32
          %dma_start3A_476 = tpu.memref_slice %arg19[%dma_start3A_474, %dma_start3A_475] : memref<10000x16xf32, #tpu.memory_space<vmem_shared>> -> memref<10000x16xf32, #tpu.memory_space<vmem_shared>>
          tpu.enqueue_indirect_dma source(%arg17 : memref<40x16xf32, #tpu.memory_space<vmem>>) target(%dma_start3A_476 : memref<10000x16xf32, #tpu.memory_space<vmem_shared>>) offsets(%dma_start3A_473 : memref<40xi32, #tpu.memory_space<vmem>>) semaphore(%arg32 : memref<!tpu.dma_semaphore, #tpu.memory_space<semaphore_mem>>) {add = true}
        } else {
        }
        %dma_wait3A_453 = arith.constant 0 : i32
        %dma_wait3A_454 = tpu.memref_slice %arg11[%add3A_433, %dma_wait3A_453] : memref<50x40xi32, #tpu.memory_space<vmem>> -> memref<1x40xi32, #tpu.memory_space<vmem>>
        %dma_wait3A_455 = tpu.memref_squeeze %dma_wait3A_454 : memref<1x40xi32, #tpu.memory_space<vmem>> -> memref<40xi32, #tpu.memory_space<vmem>>
        %dma_wait3A_456 = arith.constant 0 : i32
        %dma_wait3A_457 = arith.constant 0 : i32
        %dma_wait3A_458 = tpu.memref_slice %arg18[%dma_wait3A_456, %dma_wait3A_457] : memref<10000x64xf32, #tpu.memory_space<vmem_shared>> -> memref<10000x64xf32, #tpu.memory_space<vmem_shared>>
        tpu.wait_indirect_dma semaphore(%arg29 : memref<!tpu.dma_semaphore, #tpu.memory_space<semaphore_mem>>) src(%arg16 : memref<40x64xf32, #tpu.memory_space<vmem>>) dst(%dma_wait3A_458 : memref<10000x64xf32, #tpu.memory_space<vmem_shared>>)
        %add3A_459 = arith.constant 5 : i32
        %add3A_460 = arith.addi %add3A_433, %add3A_459 : i32
        %dma_start3A_461 = arith.constant 0 : i32
        %dma_start3A_462 = tpu.memref_slice %arg10[%add3A_460, %dma_start3A_461] : memref<50x40xi32, #tpu.memory_space<vmem>> -> memref<1x40xi32, #tpu.memory_space<vmem>>
        %dma_start3A_463 = tpu.memref_squeeze %dma_start3A_462 : memref<1x40xi32, #tpu.memory_space<vmem>> -> memref<40xi32, #tpu.memory_space<vmem>>
        %dma_start3A_464 = arith.constant 0 : i32
        %dma_start3A_465 = arith.constant 0 : i32
        %dma_start3A_466 = tpu.memref_slice %arg2[%arg0, %dma_start3A_464, %dma_start3A_465] : memref<2x10000x64xf32, #tpu.memory_space<hbm>> -> memref<1x10000x64xf32, #tpu.memory_space<hbm>>
        %dma_start3A_467 = tpu.memref_squeeze %dma_start3A_466 : memref<1x10000x64xf32, #tpu.memory_space<hbm>> -> memref<10000x64xf32, #tpu.memory_space<hbm>>
        %dma_start3A_468 = arith.constant 0 : i32
        %dma_start3A_469 = arith.constant 0 : i32
        %dma_start3A_470 = tpu.memref_slice %dma_start3A_467[%dma_start3A_468, %dma_start3A_469] : memref<10000x64xf32, #tpu.memory_space<hbm>> -> memref<10000x64xf32, #tpu.memory_space<hbm>>
        tpu.enqueue_indirect_dma source(%dma_start3A_470 : memref<10000x64xf32, #tpu.memory_space<hbm>>) target(%arg16 : memref<40x64xf32, #tpu.memory_space<vmem>>) offsets(%dma_start3A_463 : memref<40xi32, #tpu.memory_space<vmem>>) semaphore(%arg24 : memref<!tpu.dma_semaphore, #tpu.memory_space<semaphore_mem>>)
      }
      %scan3A_122 = arith.constant 9 : i32
      %dma_wait3A_123 = arith.constant 45 : i32
      %dma_wait3A_124 = arith.constant 0 : i32
      %dma_wait3A_125 = tpu.memref_slice %arg10[%dma_wait3A_123, %dma_wait3A_124] : memref<50x40xi32, #tpu.memory_space<vmem>> -> memref<1x40xi32, #tpu.memory_space<vmem>>
      %dma_wait3A_126 = tpu.memref_squeeze %dma_wait3A_125 : memref<1x40xi32, #tpu.memory_space<vmem>> -> memref<40xi32, #tpu.memory_space<vmem>>
      %dma_wait3A_127 = arith.constant 0 : i32
      %dma_wait3A_128 = arith.constant 0 : i32
      %dma_wait3A_129 = tpu.memref_slice %arg2[%arg0, %dma_wait3A_127, %dma_wait3A_128] : memref<2x10000x64xf32, #tpu.memory_space<hbm>> -> memref<1x10000x64xf32, #tpu.memory_space<hbm>>
      %dma_wait3A_130 = tpu.memref_squeeze %dma_wait3A_129 : memref<1x10000x64xf32, #tpu.memory_space<hbm>> -> memref<10000x64xf32, #tpu.memory_space<hbm>>
      %dma_wait3A_131 = arith.constant 0 : i32
      %dma_wait3A_132 = arith.constant 0 : i32
      %dma_wait3A_133 = tpu.memref_slice %dma_wait3A_130[%dma_wait3A_131, %dma_wait3A_132] : memref<10000x64xf32, #tpu.memory_space<hbm>> -> memref<10000x64xf32, #tpu.memory_space<hbm>>
      tpu.wait_indirect_dma semaphore(%arg20 : memref<!tpu.dma_semaphore, #tpu.memory_space<semaphore_mem>>) src(%dma_wait3A_133 : memref<10000x64xf32, #tpu.memory_space<hbm>>) dst(%arg12 : memref<40x64xf32, #tpu.memory_space<vmem>>)
      %dma_start3A_134 = arith.constant 45 : i32
      %dma_start3A_135 = arith.constant 0 : i32
      %dma_start3A_136 = tpu.memref_slice %arg11[%dma_start3A_134, %dma_start3A_135] : memref<50x40xi32, #tpu.memory_space<vmem>> -> memref<1x40xi32, #tpu.memory_space<vmem>>
      %dma_start3A_137 = tpu.memref_squeeze %dma_start3A_136 : memref<1x40xi32, #tpu.memory_space<vmem>> -> memref<40xi32, #tpu.memory_space<vmem>>
      %dma_start3A_138 = arith.constant 0 : i32
      %dma_start3A_139 = arith.constant 0 : i32
      %dma_start3A_140 = tpu.memref_slice %arg18[%dma_start3A_138, %dma_start3A_139] : memref<10000x64xf32, #tpu.memory_space<vmem_shared>> -> memref<10000x64xf32, #tpu.memory_space<vmem_shared>>
      tpu.enqueue_indirect_dma source(%arg12 : memref<40x64xf32, #tpu.memory_space<vmem>>) target(%dma_start3A_140 : memref<10000x64xf32, #tpu.memory_space<vmem_shared>>) offsets(%dma_start3A_137 : memref<40xi32, #tpu.memory_space<vmem>>) semaphore(%arg25 : memref<!tpu.dma_semaphore, #tpu.memory_space<semaphore_mem>>) {add = true}
      %convert_element_type3A_141 = arith.extui %or3A : i1 to i32
      %cond3A_142 = arith.constant 0 : i32
      %cond3A_143 = arith.cmpi ne, %convert_element_type3A_141, %cond3A_142 : i32
      scf.if %cond3A_143 {
        %dma_start3A_266 = arith.constant 45 : i32
        %dma_start3A_267 = arith.constant 0 : i32
        %dma_start3A_268 = tpu.memref_slice %arg11[%dma_start3A_266, %dma_start3A_267] : memref<50x40xi32, #tpu.memory_space<vmem>> -> memref<1x40xi32, #tpu.memory_space<vmem>>
        %dma_start3A_269 = tpu.memref_squeeze %dma_start3A_268 : memref<1x40xi32, #tpu.memory_space<vmem>> -> memref<40xi32, #tpu.memory_space<vmem>>
        %dma_start3A_270 = arith.constant 0 : i32
        %dma_start3A_271 = arith.constant 0 : i32
        %dma_start3A_272 = tpu.memref_slice %arg19[%dma_start3A_270, %dma_start3A_271] : memref<10000x16xf32, #tpu.memory_space<vmem_shared>> -> memref<10000x16xf32, #tpu.memory_space<vmem_shared>>
        tpu.enqueue_indirect_dma source(%arg17 : memref<40x16xf32, #tpu.memory_space<vmem>>) target(%dma_start3A_272 : memref<10000x16xf32, #tpu.memory_space<vmem_shared>>) offsets(%dma_start3A_269 : memref<40xi32, #tpu.memory_space<vmem>>) semaphore(%arg32 : memref<!tpu.dma_semaphore, #tpu.memory_space<semaphore_mem>>) {add = true}
      } else {
      }
      %dma_wait3A_144 = arith.constant 45 : i32
      %dma_wait3A_145 = arith.constant 0 : i32
      %dma_wait3A_146 = tpu.memref_slice %arg11[%dma_wait3A_144, %dma_wait3A_145] : memref<50x40xi32, #tpu.memory_space<vmem>> -> memref<1x40xi32, #tpu.memory_space<vmem>>
      %dma_wait3A_147 = tpu.memref_squeeze %dma_wait3A_146 : memref<1x40xi32, #tpu.memory_space<vmem>> -> memref<40xi32, #tpu.memory_space<vmem>>
      %dma_wait3A_148 = arith.constant 0 : i32
      %dma_wait3A_149 = arith.constant 0 : i32
      %dma_wait3A_150 = tpu.memref_slice %arg18[%dma_wait3A_148, %dma_wait3A_149] : memref<10000x64xf32, #tpu.memory_space<vmem_shared>> -> memref<10000x64xf32, #tpu.memory_space<vmem_shared>>
      tpu.wait_indirect_dma semaphore(%arg25 : memref<!tpu.dma_semaphore, #tpu.memory_space<semaphore_mem>>) src(%arg12 : memref<40x64xf32, #tpu.memory_space<vmem>>) dst(%dma_wait3A_150 : memref<10000x64xf32, #tpu.memory_space<vmem_shared>>)
      %dma_wait3A_151 = arith.constant 46 : i32
      %dma_wait3A_152 = arith.constant 0 : i32
      %dma_wait3A_153 = tpu.memref_slice %arg10[%dma_wait3A_151, %dma_wait3A_152] : memref<50x40xi32, #tpu.memory_space<vmem>> -> memref<1x40xi32, #tpu.memory_space<vmem>>
      %dma_wait3A_154 = tpu.memref_squeeze %dma_wait3A_153 : memref<1x40xi32, #tpu.memory_space<vmem>> -> memref<40xi32, #tpu.memory_space<vmem>>
      %dma_wait3A_155 = arith.constant 0 : i32
      %dma_wait3A_156 = arith.constant 0 : i32
      %dma_wait3A_157 = tpu.memref_slice %arg2[%arg0, %dma_wait3A_155, %dma_wait3A_156] : memref<2x10000x64xf32, #tpu.memory_space<hbm>> -> memref<1x10000x64xf32, #tpu.memory_space<hbm>>
      %dma_wait3A_158 = tpu.memref_squeeze %dma_wait3A_157 : memref<1x10000x64xf32, #tpu.memory_space<hbm>> -> memref<10000x64xf32, #tpu.memory_space<hbm>>
      %dma_wait3A_159 = arith.constant 0 : i32
      %dma_wait3A_160 = arith.constant 0 : i32
      %dma_wait3A_161 = tpu.memref_slice %dma_wait3A_158[%dma_wait3A_159, %dma_wait3A_160] : memref<10000x64xf32, #tpu.memory_space<hbm>> -> memref<10000x64xf32, #tpu.memory_space<hbm>>
      tpu.wait_indirect_dma semaphore(%arg21 : memref<!tpu.dma_semaphore, #tpu.memory_space<semaphore_mem>>) src(%dma_wait3A_161 : memref<10000x64xf32, #tpu.memory_space<hbm>>) dst(%arg13 : memref<40x64xf32, #tpu.memory_space<vmem>>)
      %dma_start3A_162 = arith.constant 46 : i32
      %dma_start3A_163 = arith.constant 0 : i32
      %dma_start3A_164 = tpu.memref_slice %arg11[%dma_start3A_162, %dma_start3A_163] : memref<50x40xi32, #tpu.memory_space<vmem>> -> memref<1x40xi32, #tpu.memory_space<vmem>>
      %dma_start3A_165 = tpu.memref_squeeze %dma_start3A_164 : memref<1x40xi32, #tpu.memory_space<vmem>> -> memref<40xi32, #tpu.memory_space<vmem>>
      %dma_start3A_166 = arith.constant 0 : i32
      %dma_start3A_167 = arith.constant 0 : i32
      %dma_start3A_168 = tpu.memref_slice %arg18[%dma_start3A_166, %dma_start3A_167] : memref<10000x64xf32, #tpu.memory_space<vmem_shared>> -> memref<10000x64xf32, #tpu.memory_space<vmem_shared>>
      tpu.enqueue_indirect_dma source(%arg13 : memref<40x64xf32, #tpu.memory_space<vmem>>) target(%dma_start3A_168 : memref<10000x64xf32, #tpu.memory_space<vmem_shared>>) offsets(%dma_start3A_165 : memref<40xi32, #tpu.memory_space<vmem>>) semaphore(%arg26 : memref<!tpu.dma_semaphore, #tpu.memory_space<semaphore_mem>>) {add = true}
      %convert_element_type3A_169 = arith.extui %or3A : i1 to i32
      %cond3A_170 = arith.constant 0 : i32
      %cond3A_171 = arith.cmpi ne, %convert_element_type3A_169, %cond3A_170 : i32
      scf.if %cond3A_171 {
        %dma_start3A_266 = arith.constant 46 : i32
        %dma_start3A_267 = arith.constant 0 : i32
        %dma_start3A_268 = tpu.memref_slice %arg11[%dma_start3A_266, %dma_start3A_267] : memref<50x40xi32, #tpu.memory_space<vmem>> -> memref<1x40xi32, #tpu.memory_space<vmem>>
        %dma_start3A_269 = tpu.memref_squeeze %dma_start3A_268 : memref<1x40xi32, #tpu.memory_space<vmem>> -> memref<40xi32, #tpu.memory_space<vmem>>
        %dma_start3A_270 = arith.constant 0 : i32
        %dma_start3A_271 = arith.constant 0 : i32
        %dma_start3A_272 = tpu.memref_slice %arg19[%dma_start3A_270, %dma_start3A_271] : memref<10000x16xf32, #tpu.memory_space<vmem_shared>> -> memref<10000x16xf32, #tpu.memory_space<vmem_shared>>
        tpu.enqueue_indirect_dma source(%arg17 : memref<40x16xf32, #tpu.memory_space<vmem>>) target(%dma_start3A_272 : memref<10000x16xf32, #tpu.memory_space<vmem_shared>>) offsets(%dma_start3A_269 : memref<40xi32, #tpu.memory_space<vmem>>) semaphore(%arg32 : memref<!tpu.dma_semaphore, #tpu.memory_space<semaphore_mem>>) {add = true}
      } else {
      }
      %dma_wait3A_172 = arith.constant 46 : i32
      %dma_wait3A_173 = arith.constant 0 : i32
      %dma_wait3A_174 = tpu.memref_slice %arg11[%dma_wait3A_172, %dma_wait3A_173] : memref<50x40xi32, #tpu.memory_space<vmem>> -> memref<1x40xi32, #tpu.memory_space<vmem>>
      %dma_wait3A_175 = tpu.memref_squeeze %dma_wait3A_174 : memref<1x40xi32, #tpu.memory_space<vmem>> -> memref<40xi32, #tpu.memory_space<vmem>>
      %dma_wait3A_176 = arith.constant 0 : i32
      %dma_wait3A_177 = arith.constant 0 : i32
      %dma_wait3A_178 = tpu.memref_slice %arg18[%dma_wait3A_176, %dma_wait3A_177] : memref<10000x64xf32, #tpu.memory_space<vmem_shared>> -> memref<10000x64xf32, #tpu.memory_space<vmem_shared>>
      tpu.wait_indirect_dma semaphore(%arg26 : memref<!tpu.dma_semaphore, #tpu.memory_space<semaphore_mem>>) src(%arg13 : memref<40x64xf32, #tpu.memory_space<vmem>>) dst(%dma_wait3A_178 : memref<10000x64xf32, #tpu.memory_space<vmem_shared>>)
      %dma_wait3A_179 = arith.constant 47 : i32
      %dma_wait3A_180 = arith.constant 0 : i32
      %dma_wait3A_181 = tpu.memref_slice %arg10[%dma_wait3A_179, %dma_wait3A_180] : memref<50x40xi32, #tpu.memory_space<vmem>> -> memref<1x40xi32, #tpu.memory_space<vmem>>
      %dma_wait3A_182 = tpu.memref_squeeze %dma_wait3A_181 : memref<1x40xi32, #tpu.memory_space<vmem>> -> memref<40xi32, #tpu.memory_space<vmem>>
      %dma_wait3A_183 = arith.constant 0 : i32
      %dma_wait3A_184 = arith.constant 0 : i32
      %dma_wait3A_185 = tpu.memref_slice %arg2[%arg0, %dma_wait3A_183, %dma_wait3A_184] : memref<2x10000x64xf32, #tpu.memory_space<hbm>> -> memref<1x10000x64xf32, #tpu.memory_space<hbm>>
      %dma_wait3A_186 = tpu.memref_squeeze %dma_wait3A_185 : memref<1x10000x64xf32, #tpu.memory_space<hbm>> -> memref<10000x64xf32, #tpu.memory_space<hbm>>
      %dma_wait3A_187 = arith.constant 0 : i32
      %dma_wait3A_188 = arith.constant 0 : i32
      %dma_wait3A_189 = tpu.memref_slice %dma_wait3A_186[%dma_wait3A_187, %dma_wait3A_188] : memref<10000x64xf32, #tpu.memory_space<hbm>> -> memref<10000x64xf32, #tpu.memory_space<hbm>>
      tpu.wait_indirect_dma semaphore(%arg22 : memref<!tpu.dma_semaphore, #tpu.memory_space<semaphore_mem>>) src(%dma_wait3A_189 : memref<10000x64xf32, #tpu.memory_space<hbm>>) dst(%arg14 : memref<40x64xf32, #tpu.memory_space<vmem>>)
      %dma_start3A_190 = arith.constant 47 : i32
      %dma_start3A_191 = arith.constant 0 : i32
      %dma_start3A_192 = tpu.memref_slice %arg11[%dma_start3A_190, %dma_start3A_191] : memref<50x40xi32, #tpu.memory_space<vmem>> -> memref<1x40xi32, #tpu.memory_space<vmem>>
      %dma_start3A_193 = tpu.memref_squeeze %dma_start3A_192 : memref<1x40xi32, #tpu.memory_space<vmem>> -> memref<40xi32, #tpu.memory_space<vmem>>
      %dma_start3A_194 = arith.constant 0 : i32
      %dma_start3A_195 = arith.constant 0 : i32
      %dma_start3A_196 = tpu.memref_slice %arg18[%dma_start3A_194, %dma_start3A_195] : memref<10000x64xf32, #tpu.memory_space<vmem_shared>> -> memref<10000x64xf32, #tpu.memory_space<vmem_shared>>
      tpu.enqueue_indirect_dma source(%arg14 : memref<40x64xf32, #tpu.memory_space<vmem>>) target(%dma_start3A_196 : memref<10000x64xf32, #tpu.memory_space<vmem_shared>>) offsets(%dma_start3A_193 : memref<40xi32, #tpu.memory_space<vmem>>) semaphore(%arg27 : memref<!tpu.dma_semaphore, #tpu.memory_space<semaphore_mem>>) {add = true}
      %convert_element_type3A_197 = arith.extui %or3A : i1 to i32
      %cond3A_198 = arith.constant 0 : i32
      %cond3A_199 = arith.cmpi ne, %convert_element_type3A_197, %cond3A_198 : i32
      scf.if %cond3A_199 {
        %dma_start3A_266 = arith.constant 47 : i32
        %dma_start3A_267 = arith.constant 0 : i32
        %dma_start3A_268 = tpu.memref_slice %arg11[%dma_start3A_266, %dma_start3A_267] : memref<50x40xi32, #tpu.memory_space<vmem>> -> memref<1x40xi32, #tpu.memory_space<vmem>>
        %dma_start3A_269 = tpu.memref_squeeze %dma_start3A_268 : memref<1x40xi32, #tpu.memory_space<vmem>> -> memref<40xi32, #tpu.memory_space<vmem>>
        %dma_start3A_270 = arith.constant 0 : i32
        %dma_start3A_271 = arith.constant 0 : i32
        %dma_start3A_272 = tpu.memref_slice %arg19[%dma_start3A_270, %dma_start3A_271] : memref<10000x16xf32, #tpu.memory_space<vmem_shared>> -> memref<10000x16xf32, #tpu.memory_space<vmem_shared>>
        tpu.enqueue_indirect_dma source(%arg17 : memref<40x16xf32, #tpu.memory_space<vmem>>) target(%dma_start3A_272 : memref<10000x16xf32, #tpu.memory_space<vmem_shared>>) offsets(%dma_start3A_269 : memref<40xi32, #tpu.memory_space<vmem>>) semaphore(%arg32 : memref<!tpu.dma_semaphore, #tpu.memory_space<semaphore_mem>>) {add = true}
      } else {
      }
      %dma_wait3A_200 = arith.constant 47 : i32
      %dma_wait3A_201 = arith.constant 0 : i32
      %dma_wait3A_202 = tpu.memref_slice %arg11[%dma_wait3A_200, %dma_wait3A_201] : memref<50x40xi32, #tpu.memory_space<vmem>> -> memref<1x40xi32, #tpu.memory_space<vmem>>
      %dma_wait3A_203 = tpu.memref_squeeze %dma_wait3A_202 : memref<1x40xi32, #tpu.memory_space<vmem>> -> memref<40xi32, #tpu.memory_space<vmem>>
      %dma_wait3A_204 = arith.constant 0 : i32
      %dma_wait3A_205 = arith.constant 0 : i32
      %dma_wait3A_206 = tpu.memref_slice %arg18[%dma_wait3A_204, %dma_wait3A_205] : memref<10000x64xf32, #tpu.memory_space<vmem_shared>> -> memref<10000x64xf32, #tpu.memory_space<vmem_shared>>
      tpu.wait_indirect_dma semaphore(%arg27 : memref<!tpu.dma_semaphore, #tpu.memory_space<semaphore_mem>>) src(%arg14 : memref<40x64xf32, #tpu.memory_space<vmem>>) dst(%dma_wait3A_206 : memref<10000x64xf32, #tpu.memory_space<vmem_shared>>)
      %dma_wait3A_207 = arith.constant 48 : i32
      %dma_wait3A_208 = arith.constant 0 : i32
      %dma_wait3A_209 = tpu.memref_slice %arg10[%dma_wait3A_207, %dma_wait3A_208] : memref<50x40xi32, #tpu.memory_space<vmem>> -> memref<1x40xi32, #tpu.memory_space<vmem>>
      %dma_wait3A_210 = tpu.memref_squeeze %dma_wait3A_209 : memref<1x40xi32, #tpu.memory_space<vmem>> -> memref<40xi32, #tpu.memory_space<vmem>>
      %dma_wait3A_211 = arith.constant 0 : i32
      %dma_wait3A_212 = arith.constant 0 : i32
      %dma_wait3A_213 = tpu.memref_slice %arg2[%arg0, %dma_wait3A_211, %dma_wait3A_212] : memref<2x10000x64xf32, #tpu.memory_space<hbm>> -> memref<1x10000x64xf32, #tpu.memory_space<hbm>>
      %dma_wait3A_214 = tpu.memref_squeeze %dma_wait3A_213 : memref<1x10000x64xf32, #tpu.memory_space<hbm>> -> memref<10000x64xf32, #tpu.memory_space<hbm>>
      %dma_wait3A_215 = arith.constant 0 : i32
      %dma_wait3A_216 = arith.constant 0 : i32
      %dma_wait3A_217 = tpu.memref_slice %dma_wait3A_214[%dma_wait3A_215, %dma_wait3A_216] : memref<10000x64xf32, #tpu.memory_space<hbm>> -> memref<10000x64xf32, #tpu.memory_space<hbm>>
      tpu.wait_indirect_dma semaphore(%arg23 : memref<!tpu.dma_semaphore, #tpu.memory_space<semaphore_mem>>) src(%dma_wait3A_217 : memref<10000x64xf32, #tpu.memory_space<hbm>>) dst(%arg15 : memref<40x64xf32, #tpu.memory_space<vmem>>)
      %dma_start3A_218 = arith.constant 48 : i32
      %dma_start3A_219 = arith.constant 0 : i32
      %dma_start3A_220 = tpu.memref_slice %arg11[%dma_start3A_218, %dma_start3A_219] : memref<50x40xi32, #tpu.memory_space<vmem>> -> memref<1x40xi32, #tpu.memory_space<vmem>>
      %dma_start3A_221 = tpu.memref_squeeze %dma_start3A_220 : memref<1x40xi32, #tpu.memory_space<vmem>> -> memref<40xi32, #tpu.memory_space<vmem>>
      %dma_start3A_222 = arith.constant 0 : i32
      %dma_start3A_223 = arith.constant 0 : i32
      %dma_start3A_224 = tpu.memref_slice %arg18[%dma_start3A_222, %dma_start3A_223] : memref<10000x64xf32, #tpu.memory_space<vmem_shared>> -> memref<10000x64xf32, #tpu.memory_space<vmem_shared>>
      tpu.enqueue_indirect_dma source(%arg15 : memref<40x64xf32, #tpu.memory_space<vmem>>) target(%dma_start3A_224 : memref<10000x64xf32, #tpu.memory_space<vmem_shared>>) offsets(%dma_start3A_221 : memref<40xi32, #tpu.memory_space<vmem>>) semaphore(%arg28 : memref<!tpu.dma_semaphore, #tpu.memory_space<semaphore_mem>>) {add = true}
      %convert_element_type3A_225 = arith.extui %or3A : i1 to i32
      %cond3A_226 = arith.constant 0 : i32
      %cond3A_227 = arith.cmpi ne, %convert_element_type3A_225, %cond3A_226 : i32
      scf.if %cond3A_227 {
        %dma_start3A_266 = arith.constant 48 : i32
        %dma_start3A_267 = arith.constant 0 : i32
        %dma_start3A_268 = tpu.memref_slice %arg11[%dma_start3A_266, %dma_start3A_267] : memref<50x40xi32, #tpu.memory_space<vmem>> -> memref<1x40xi32, #tpu.memory_space<vmem>>
        %dma_start3A_269 = tpu.memref_squeeze %dma_start3A_268 : memref<1x40xi32, #tpu.memory_space<vmem>> -> memref<40xi32, #tpu.memory_space<vmem>>
        %dma_start3A_270 = arith.constant 0 : i32
        %dma_start3A_271 = arith.constant 0 : i32
        %dma_start3A_272 = tpu.memref_slice %arg19[%dma_start3A_270, %dma_start3A_271] : memref<10000x16xf32, #tpu.memory_space<vmem_shared>> -> memref<10000x16xf32, #tpu.memory_space<vmem_shared>>
        tpu.enqueue_indirect_dma source(%arg17 : memref<40x16xf32, #tpu.memory_space<vmem>>) target(%dma_start3A_272 : memref<10000x16xf32, #tpu.memory_space<vmem_shared>>) offsets(%dma_start3A_269 : memref<40xi32, #tpu.memory_space<vmem>>) semaphore(%arg32 : memref<!tpu.dma_semaphore, #tpu.memory_space<semaphore_mem>>) {add = true}
      } else {
      }
      %dma_wait3A_228 = arith.constant 48 : i32
      %dma_wait3A_229 = arith.constant 0 : i32
      %dma_wait3A_230 = tpu.memref_slice %arg11[%dma_wait3A_228, %dma_wait3A_229] : memref<50x40xi32, #tpu.memory_space<vmem>> -> memref<1x40xi32, #tpu.memory_space<vmem>>
      %dma_wait3A_231 = tpu.memref_squeeze %dma_wait3A_230 : memref<1x40xi32, #tpu.memory_space<vmem>> -> memref<40xi32, #tpu.memory_space<vmem>>
      %dma_wait3A_232 = arith.constant 0 : i32
      %dma_wait3A_233 = arith.constant 0 : i32
      %dma_wait3A_234 = tpu.memref_slice %arg18[%dma_wait3A_232, %dma_wait3A_233] : memref<10000x64xf32, #tpu.memory_space<vmem_shared>> -> memref<10000x64xf32, #tpu.memory_space<vmem_shared>>
      tpu.wait_indirect_dma semaphore(%arg28 : memref<!tpu.dma_semaphore, #tpu.memory_space<semaphore_mem>>) src(%arg15 : memref<40x64xf32, #tpu.memory_space<vmem>>) dst(%dma_wait3A_234 : memref<10000x64xf32, #tpu.memory_space<vmem_shared>>)
      %dma_wait3A_235 = arith.constant 49 : i32
      %dma_wait3A_236 = arith.constant 0 : i32
      %dma_wait3A_237 = tpu.memref_slice %arg10[%dma_wait3A_235, %dma_wait3A_236] : memref<50x40xi32, #tpu.memory_space<vmem>> -> memref<1x40xi32, #tpu.memory_space<vmem>>
      %dma_wait3A_238 = tpu.memref_squeeze %dma_wait3A_237 : memref<1x40xi32, #tpu.memory_space<vmem>> -> memref<40xi32, #tpu.memory_space<vmem>>
      %dma_wait3A_239 = arith.constant 0 : i32
      %dma_wait3A_240 = arith.constant 0 : i32
      %dma_wait3A_241 = tpu.memref_slice %arg2[%arg0, %dma_wait3A_239, %dma_wait3A_240] : memref<2x10000x64xf32, #tpu.memory_space<hbm>> -> memref<1x10000x64xf32, #tpu.memory_space<hbm>>
      %dma_wait3A_242 = tpu.memref_squeeze %dma_wait3A_241 : memref<1x10000x64xf32, #tpu.memory_space<hbm>> -> memref<10000x64xf32, #tpu.memory_space<hbm>>
      %dma_wait3A_243 = arith.constant 0 : i32
      %dma_wait3A_244 = arith.constant 0 : i32
      %dma_wait3A_245 = tpu.memref_slice %dma_wait3A_242[%dma_wait3A_243, %dma_wait3A_244] : memref<10000x64xf32, #tpu.memory_space<hbm>> -> memref<10000x64xf32, #tpu.memory_space<hbm>>
      tpu.wait_indirect_dma semaphore(%arg24 : memref<!tpu.dma_semaphore, #tpu.memory_space<semaphore_mem>>) src(%dma_wait3A_245 : memref<10000x64xf32, #tpu.memory_space<hbm>>) dst(%arg16 : memref<40x64xf32, #tpu.memory_space<vmem>>)
      %dma_start3A_246 = arith.constant 49 : i32
      %dma_start3A_247 = arith.constant 0 : i32
      %dma_start3A_248 = tpu.memref_slice %arg11[%dma_start3A_246, %dma_start3A_247] : memref<50x40xi32, #tpu.memory_space<vmem>> -> memref<1x40xi32, #tpu.memory_space<vmem>>
      %dma_start3A_249 = tpu.memref_squeeze %dma_start3A_248 : memref<1x40xi32, #tpu.memory_space<vmem>> -> memref<40xi32, #tpu.memory_space<vmem>>
      %dma_start3A_250 = arith.constant 0 : i32
      %dma_start3A_251 = arith.constant 0 : i32
      %dma_start3A_252 = tpu.memref_slice %arg18[%dma_start3A_250, %dma_start3A_251] : memref<10000x64xf32, #tpu.memory_space<vmem_shared>> -> memref<10000x64xf32, #tpu.memory_space<vmem_shared>>
      tpu.enqueue_indirect_dma source(%arg16 : memref<40x64xf32, #tpu.memory_space<vmem>>) target(%dma_start3A_252 : memref<10000x64xf32, #tpu.memory_space<vmem_shared>>) offsets(%dma_start3A_249 : memref<40xi32, #tpu.memory_space<vmem>>) semaphore(%arg29 : memref<!tpu.dma_semaphore, #tpu.memory_space<semaphore_mem>>) {add = true}
      %convert_element_type3A_253 = arith.extui %or3A : i1 to i32
      %cond3A_254 = arith.constant 0 : i32
      %cond3A_255 = arith.cmpi ne, %convert_element_type3A_253, %cond3A_254 : i32
      scf.if %cond3A_255 {
        %dma_start3A_266 = arith.constant 49 : i32
        %dma_start3A_267 = arith.constant 0 : i32
        %dma_start3A_268 = tpu.memref_slice %arg11[%dma_start3A_266, %dma_start3A_267] : memref<50x40xi32, #tpu.memory_space<vmem>> -> memref<1x40xi32, #tpu.memory_space<vmem>>
        %dma_start3A_269 = tpu.memref_squeeze %dma_start3A_268 : memref<1x40xi32, #tpu.memory_space<vmem>> -> memref<40xi32, #tpu.memory_space<vmem>>
        %dma_start3A_270 = arith.constant 0 : i32
        %dma_start3A_271 = arith.constant 0 : i32
        %dma_start3A_272 = tpu.memref_slice %arg19[%dma_start3A_270, %dma_start3A_271] : memref<10000x16xf32, #tpu.memory_space<vmem_shared>> -> memref<10000x16xf32, #tpu.memory_space<vmem_shared>>
        tpu.enqueue_indirect_dma source(%arg17 : memref<40x16xf32, #tpu.memory_space<vmem>>) target(%dma_start3A_272 : memref<10000x16xf32, #tpu.memory_space<vmem_shared>>) offsets(%dma_start3A_269 : memref<40xi32, #tpu.memory_space<vmem>>) semaphore(%arg32 : memref<!tpu.dma_semaphore, #tpu.memory_space<semaphore_mem>>) {add = true}
      } else {
      }
      %dma_wait3A_256 = arith.constant 49 : i32
      %dma_wait3A_257 = arith.constant 0 : i32
      %dma_wait3A_258 = tpu.memref_slice %arg11[%dma_wait3A_256, %dma_wait3A_257] : memref<50x40xi32, #tpu.memory_space<vmem>> -> memref<1x40xi32, #tpu.memory_space<vmem>>
      %dma_wait3A_259 = tpu.memref_squeeze %dma_wait3A_258 : memref<1x40xi32, #tpu.memory_space<vmem>> -> memref<40xi32, #tpu.memory_space<vmem>>
      %dma_wait3A_260 = arith.constant 0 : i32
      %dma_wait3A_261 = arith.constant 0 : i32
      %dma_wait3A_262 = tpu.memref_slice %arg18[%dma_wait3A_260, %dma_wait3A_261] : memref<10000x64xf32, #tpu.memory_space<vmem_shared>> -> memref<10000x64xf32, #tpu.memory_space<vmem_shared>>
      tpu.wait_indirect_dma semaphore(%arg29 : memref<!tpu.dma_semaphore, #tpu.memory_space<semaphore_mem>>) src(%arg16 : memref<40x64xf32, #tpu.memory_space<vmem>>) dst(%dma_wait3A_262 : memref<10000x64xf32, #tpu.memory_space<vmem_shared>>)
      %convert_element_type3A_263 = arith.extui %or3A : i1 to i32
      %cond3A_264 = arith.constant 0 : i32
      %cond3A_265 = arith.cmpi ne, %convert_element_type3A_263, %cond3A_264 : i32
      scf.if %cond3A_265 {
        %scan3A_266 = arith.constant 0 : i32
        %scan3A_267 = arith.constant 0 : i32
        %scan3A_268 = arith.constant 50 : i32
        %scan3A_269 = arith.addi %scan3A_267, %scan3A_268 : i32
        %scan3A_270 = arith.constant 1 : i32
        scf.for %scan3A_272 = %scan3A_267 to %scan3A_269 step %scan3A_270  : i32 {
          %dma_wait3A_273 = arith.constant 0 : i32
          %dma_wait3A_274 = arith.constant 0 : i32
          %dma_wait3A_275 = tpu.memref_slice %arg11[%dma_wait3A_273, %dma_wait3A_274] : memref<50x40xi32, #tpu.memory_space<vmem>> -> memref<1x40xi32, #tpu.memory_space<vmem>>
          %dma_wait3A_276 = tpu.memref_squeeze %dma_wait3A_275 : memref<1x40xi32, #tpu.memory_space<vmem>> -> memref<40xi32, #tpu.memory_space<vmem>>
          %dma_wait3A_277 = arith.constant 0 : i32
          %dma_wait3A_278 = arith.constant 0 : i32
          %dma_wait3A_279 = tpu.memref_slice %arg19[%dma_wait3A_277, %dma_wait3A_278] : memref<10000x16xf32, #tpu.memory_space<vmem_shared>> -> memref<10000x16xf32, #tpu.memory_space<vmem_shared>>
          tpu.wait_indirect_dma semaphore(%arg32 : memref<!tpu.dma_semaphore, #tpu.memory_space<semaphore_mem>>) src(%arg17 : memref<40x16xf32, #tpu.memory_space<vmem>>) dst(%dma_wait3A_279 : memref<10000x16xf32, #tpu.memory_space<vmem_shared>>)
        }
        %scan3A_271 = arith.constant 50 : i32
      } else {
      }
    }
    %scan3A_9 = arith.constant 10 : i32
    %barrier3A_10 = arith.constant 0 : index
    tpu.barrier barrier_id(%barrier3A_10)
    %mul3A_11 = arith.constant 624 : i32
    %mul3A_12 = arith.muli %arg1, %mul3A_11 : i32
    %mul3A_13 = arith.constant 624 : i32
    %mul3A_14 = arith.muli %arg1, %mul3A_13 : i32
    "tpu.region"() ({
      %run_scoped3A = tpu.sem_alloc : memref<!tpu.dma_semaphore, #tpu.memory_space<semaphore_mem>>
      %dma_start3A = arith.constant 0 : i32
      %dma_start3A_24 = tpu.memref_slice %arg8[%arg0, %mul3A_14, %dma_start3A] : memref<2x10000x64xf32, #tpu.memory_space<hbm>> -> memref<1x624x64xf32, #tpu.memory_space<hbm>>
      %dma_start3A_25 = tpu.memref_squeeze %dma_start3A_24 : memref<1x624x64xf32, #tpu.memory_space<hbm>> -> memref<624x64xf32, #tpu.memory_space<hbm>>
      %dma_start3A_26 = arith.constant 0 : i32
      %dma_start3A_27 = tpu.memref_slice %arg18[%mul3A_12, %dma_start3A_26] : memref<10000x64xf32, #tpu.memory_space<vmem_shared>> -> memref<624x64xf32, #tpu.memory_space<vmem_shared>>
      tpu.enqueue_dma source(%dma_start3A_27 : memref<624x64xf32, #tpu.memory_space<vmem_shared>>) target(%dma_start3A_25 : memref<624x64xf32, #tpu.memory_space<hbm>>) target_semaphore(%run_scoped3A : memref<!tpu.dma_semaphore, #tpu.memory_space<semaphore_mem>>)
      %dma_wait3A = arith.constant 0 : i32
      %dma_wait3A_28 = tpu.memref_slice %arg8[%arg0, %mul3A_14, %dma_wait3A] : memref<2x10000x64xf32, #tpu.memory_space<hbm>> -> memref<1x624x64xf32, #tpu.memory_space<hbm>>
      %dma_wait3A_29 = tpu.memref_squeeze %dma_wait3A_28 : memref<1x624x64xf32, #tpu.memory_space<hbm>> -> memref<624x64xf32, #tpu.memory_space<hbm>>
      %dma_wait3A_30 = arith.constant 0 : i32
      %dma_wait3A_31 = tpu.memref_slice %arg18[%mul3A_12, %dma_wait3A_30] : memref<10000x64xf32, #tpu.memory_space<vmem_shared>> -> memref<624x64xf32, #tpu.memory_space<vmem_shared>>
      tpu.wait_dma2 semaphore(%run_scoped3A : memref<!tpu.dma_semaphore, #tpu.memory_space<semaphore_mem>>) src(%dma_wait3A_31 : memref<624x64xf32, #tpu.memory_space<vmem_shared>>) dst(%dma_wait3A_29 : memref<624x64xf32, #tpu.memory_space<hbm>>)
      tpu.yield
    }) : () -> ()
    %mul3A_15 = arith.constant 624 : i32
    %mul3A_16 = arith.muli %arg1, %mul3A_15 : i32
    %mul3A_17 = arith.constant 624 : i32
    %mul3A_18 = arith.muli %arg1, %mul3A_17 : i32
    "tpu.region"() ({
      %run_scoped3A = tpu.sem_alloc : memref<!tpu.dma_semaphore, #tpu.memory_space<semaphore_mem>>
      %dma_start3A = arith.constant 0 : i32
      %dma_start3A_24 = tpu.memref_slice %arg9[%arg0, %mul3A_18, %dma_start3A] : memref<2x10000x16xf32, #tpu.memory_space<hbm>> -> memref<1x624x16xf32, #tpu.memory_space<hbm>>
      %dma_start3A_25 = tpu.memref_squeeze %dma_start3A_24 : memref<1x624x16xf32, #tpu.memory_space<hbm>> -> memref<624x16xf32, #tpu.memory_space<hbm>>
      %dma_start3A_26 = arith.constant 0 : i32
      %dma_start3A_27 = tpu.memref_slice %arg19[%mul3A_16, %dma_start3A_26] : memref<10000x16xf32, #tpu.memory_space<vmem_shared>> -> memref<624x16xf32, #tpu.memory_space<vmem_shared>>
      tpu.enqueue_dma source(%dma_start3A_27 : memref<624x16xf32, #tpu.memory_space<vmem_shared>>) target(%dma_start3A_25 : memref<624x16xf32, #tpu.memory_space<hbm>>) target_semaphore(%run_scoped3A : memref<!tpu.dma_semaphore, #tpu.memory_space<semaphore_mem>>)
      %dma_wait3A = arith.constant 0 : i32
      %dma_wait3A_28 = tpu.memref_slice %arg9[%arg0, %mul3A_18, %dma_wait3A] : memref<2x10000x16xf32, #tpu.memory_space<hbm>> -> memref<1x624x16xf32, #tpu.memory_space<hbm>>
      %dma_wait3A_29 = tpu.memref_squeeze %dma_wait3A_28 : memref<1x624x16xf32, #tpu.memory_space<hbm>> -> memref<624x16xf32, #tpu.memory_space<hbm>>
      %dma_wait3A_30 = arith.constant 0 : i32
      %dma_wait3A_31 = tpu.memref_slice %arg19[%mul3A_16, %dma_wait3A_30] : memref<10000x16xf32, #tpu.memory_space<vmem_shared>> -> memref<624x16xf32, #tpu.memory_space<vmem_shared>>
      tpu.wait_dma2 semaphore(%run_scoped3A : memref<!tpu.dma_semaphore, #tpu.memory_space<semaphore_mem>>) src(%dma_wait3A_31 : memref<624x16xf32, #tpu.memory_space<vmem_shared>>) dst(%dma_wait3A_29 : memref<624x16xf32, #tpu.memory_space<hbm>>)
      tpu.yield
    }) : () -> ()
    %eq3A_19 = arith.constant 0 : i32
    %eq3A_20 = arith.cmpi eq, %arg1, %eq3A_19 : i32
    %convert_element_type3A_21 = arith.extui %eq3A_20 : i1 to i32
    %cond3A_22 = arith.constant 0 : i32
    %cond3A_23 = arith.cmpi ne, %convert_element_type3A_21, %cond3A_22 : i32
    scf.if %cond3A_23 {
      "tpu.region"() ({
        %run_scoped3A = tpu.sem_alloc : memref<!tpu.dma_semaphore, #tpu.memory_space<semaphore_mem>>
        %dma_start3A = arith.constant 9984 : i32
        %dma_start3A_24 = arith.constant 0 : i32
        %dma_start3A_25 = tpu.memref_slice %arg8[%arg0, %dma_start3A, %dma_start3A_24] : memref<2x10000x64xf32, #tpu.memory_space<hbm>> -> memref<1x16x64xf32, #tpu.memory_space<hbm>>
        %dma_start3A_26 = tpu.memref_squeeze %dma_start3A_25 : memref<1x16x64xf32, #tpu.memory_space<hbm>> -> memref<16x64xf32, #tpu.memory_space<hbm>>
        %dma_start3A_27 = arith.constant 9984 : i32
        %dma_start3A_28 = arith.constant 0 : i32
        %dma_start3A_29 = tpu.memref_slice %arg18[%dma_start3A_27, %dma_start3A_28] : memref<10000x64xf32, #tpu.memory_space<vmem_shared>> -> memref<16x64xf32, #tpu.memory_space<vmem_shared>>
        tpu.enqueue_dma source(%dma_start3A_29 : memref<16x64xf32, #tpu.memory_space<vmem_shared>>) target(%dma_start3A_26 : memref<16x64xf32, #tpu.memory_space<hbm>>) target_semaphore(%run_scoped3A : memref<!tpu.dma_semaphore, #tpu.memory_space<semaphore_mem>>)
        %dma_wait3A = arith.constant 9984 : i32
        %dma_wait3A_30 = arith.constant 0 : i32
        %dma_wait3A_31 = tpu.memref_slice %arg8[%arg0, %dma_wait3A, %dma_wait3A_30] : memref<2x10000x64xf32, #tpu.memory_space<hbm>> -> memref<1x16x64xf32, #tpu.memory_space<hbm>>
        %dma_wait3A_32 = tpu.memref_squeeze %dma_wait3A_31 : memref<1x16x64xf32, #tpu.memory_space<hbm>> -> memref<16x64xf32, #tpu.memory_space<hbm>>
        %dma_wait3A_33 = arith.constant 9984 : i32
        %dma_wait3A_34 = arith.constant 0 : i32
        %dma_wait3A_35 = tpu.memref_slice %arg18[%dma_wait3A_33, %dma_wait3A_34] : memref<10000x64xf32, #tpu.memory_space<vmem_shared>> -> memref<16x64xf32, #tpu.memory_space<vmem_shared>>
        tpu.wait_dma2 semaphore(%run_scoped3A : memref<!tpu.dma_semaphore, #tpu.memory_space<semaphore_mem>>) src(%dma_wait3A_35 : memref<16x64xf32, #tpu.memory_space<vmem_shared>>) dst(%dma_wait3A_32 : memref<16x64xf32, #tpu.memory_space<hbm>>)
        tpu.yield
      }) : () -> ()
      "tpu.region"() ({
        %run_scoped3A = tpu.sem_alloc : memref<!tpu.dma_semaphore, #tpu.memory_space<semaphore_mem>>
        %dma_start3A = arith.constant 9984 : i32
        %dma_start3A_24 = arith.constant 0 : i32
        %dma_start3A_25 = tpu.memref_slice %arg9[%arg0, %dma_start3A, %dma_start3A_24] : memref<2x10000x16xf32, #tpu.memory_space<hbm>> -> memref<1x16x16xf32, #tpu.memory_space<hbm>>
        %dma_start3A_26 = tpu.memref_squeeze %dma_start3A_25 : memref<1x16x16xf32, #tpu.memory_space<hbm>> -> memref<16x16xf32, #tpu.memory_space<hbm>>
        %dma_start3A_27 = arith.constant 9984 : i32
        %dma_start3A_28 = arith.constant 0 : i32
        %dma_start3A_29 = tpu.memref_slice %arg19[%dma_start3A_27, %dma_start3A_28] : memref<10000x16xf32, #tpu.memory_space<vmem_shared>> -> memref<16x16xf32, #tpu.memory_space<vmem_shared>>
        tpu.enqueue_dma source(%dma_start3A_29 : memref<16x16xf32, #tpu.memory_space<vmem_shared>>) target(%dma_start3A_26 : memref<16x16xf32, #tpu.memory_space<hbm>>) target_semaphore(%run_scoped3A : memref<!tpu.dma_semaphore, #tpu.memory_space<semaphore_mem>>)
        %dma_wait3A = arith.constant 9984 : i32
        %dma_wait3A_30 = arith.constant 0 : i32
        %dma_wait3A_31 = tpu.memref_slice %arg9[%arg0, %dma_wait3A, %dma_wait3A_30] : memref<2x10000x16xf32, #tpu.memory_space<hbm>> -> memref<1x16x16xf32, #tpu.memory_space<hbm>>
        %dma_wait3A_32 = tpu.memref_squeeze %dma_wait3A_31 : memref<1x16x16xf32, #tpu.memory_space<hbm>> -> memref<16x16xf32, #tpu.memory_space<hbm>>
        %dma_wait3A_33 = arith.constant 9984 : i32
        %dma_wait3A_34 = arith.constant 0 : i32
        %dma_wait3A_35 = tpu.memref_slice %arg19[%dma_wait3A_33, %dma_wait3A_34] : memref<10000x16xf32, #tpu.memory_space<vmem_shared>> -> memref<16x16xf32, #tpu.memory_space<vmem_shared>>
        tpu.wait_dma2 semaphore(%run_scoped3A : memref<!tpu.dma_semaphore, #tpu.memory_space<semaphore_mem>>) src(%dma_wait3A_35 : memref<16x16xf32, #tpu.memory_space<vmem_shared>>) dst(%dma_wait3A_32 : memref<16x16xf32, #tpu.memory_space<hbm>>)
        tpu.yield
      }) : () -> ()
    } else {
    }
    return
  }
}

#map = affine_map<(d0, d1) -> (0, 0, 0)>
#map1 = affine_map<(d0, d1) -> (0, 0, 0, 0)>
#map2 = affine_map<(d0, d1) -> (0, 0)>
module attributes {stable_mosaic.version = 14 : i64} {
  func.func @seg_sum(%arg0: i32, %arg1: i32, %arg2: memref<2x10000x64xf32, #tpu.memory_space<hbm>>, %arg3: memref<16x5x100x40xi32, #tpu.memory_space<hbm>>, %arg4: memref<16x5x100x40xi32, #tpu.memory_space<hbm>>, %arg5: memref<624x64xf32, #tpu.memory_space<hbm>>, %arg6: memref<624x16xf32, #tpu.memory_space<hbm>>, %arg7: memref<40x16xf32, #tpu.memory_space<hbm>>, %arg8: memref<2x10000x64xf32, #tpu.memory_space<hbm>>, %arg9: memref<100x40xi32, #tpu.memory_space<vmem>>, %arg10: memref<100x40xi32, #tpu.memory_space<vmem>>, %arg11: memref<40x64xf32, #tpu.memory_space<vmem>>, %arg12: memref<40x64xf32, #tpu.memory_space<vmem>>, %arg13: memref<40x64xf32, #tpu.memory_space<vmem>>, %arg14: memref<40x64xf32, #tpu.memory_space<vmem>>, %arg15: memref<40x64xf32, #tpu.memory_space<vmem>>, %arg16: memref<10000x64xf32, #tpu.memory_space<vmem_shared>>, %arg17: memref<!tpu.dma_semaphore, #tpu.memory_space<semaphore_mem>>, %arg18: memref<!tpu.dma_semaphore, #tpu.memory_space<semaphore_mem>>, %arg19: memref<!tpu.dma_semaphore, #tpu.memory_space<semaphore_mem>>, %arg20: memref<!tpu.dma_semaphore, #tpu.memory_space<semaphore_mem>>, %arg21: memref<!tpu.dma_semaphore, #tpu.memory_space<semaphore_mem>>, %arg22: memref<!tpu.dma_semaphore, #tpu.memory_space<semaphore_mem>>, %arg23: memref<!tpu.dma_semaphore, #tpu.memory_space<semaphore_mem>>, %arg24: memref<!tpu.dma_semaphore, #tpu.memory_space<semaphore_mem>>, %arg25: memref<!tpu.dma_semaphore, #tpu.memory_space<semaphore_mem>>, %arg26: memref<!tpu.dma_semaphore, #tpu.memory_space<semaphore_mem>>, %arg27: memref<!tpu.dma_semaphore, #tpu.memory_space<semaphore_mem>>, %arg28: memref<!tpu.dma_semaphore, #tpu.memory_space<semaphore_mem>>) attributes {dimension_semantics = [#tpu.dimension_semantics<core_parallel>, #tpu.dimension_semantics<subcore_parallel>], iteration_bounds = array<i64: 2, 16>, scalar_prefetch = 0 : i64, scratch_operands = 20 : i64, tpu.core_type = #tpu.core_type<sc_vector_subcore>, window_params = [{transform_indices = #map}, {transform_indices = #map1}, {transform_indices = #map1}, {transform_indices = #map2}, {transform_indices = #map2}, {transform_indices = #map2}, {transform_indices = #map}]} {
    %mul3A = arith.constant 624 : i32
    %mul3A_0 = arith.muli %arg1, %mul3A : i32
    "tpu.region"() ({
      %run_scoped3A = tpu.sem_alloc : memref<!tpu.dma_semaphore, #tpu.memory_space<semaphore_mem>>
      %dma_start3A = arith.constant 0 : i32
      %dma_start3A_18 = tpu.memref_slice %arg16[%mul3A_0, %dma_start3A] : memref<10000x64xf32, #tpu.memory_space<vmem_shared>> -> memref<624x64xf32, #tpu.memory_space<vmem_shared>>
      tpu.enqueue_dma source(%arg5 : memref<624x64xf32, #tpu.memory_space<hbm>>) target(%dma_start3A_18 : memref<624x64xf32, #tpu.memory_space<vmem_shared>>) target_semaphore(%run_scoped3A : memref<!tpu.dma_semaphore, #tpu.memory_space<semaphore_mem>>)
      %dma_wait3A = arith.constant 0 : i32
      %dma_wait3A_19 = tpu.memref_slice %arg16[%mul3A_0, %dma_wait3A] : memref<10000x64xf32, #tpu.memory_space<vmem_shared>> -> memref<624x64xf32, #tpu.memory_space<vmem_shared>>
      tpu.wait_dma2 semaphore(%run_scoped3A : memref<!tpu.dma_semaphore, #tpu.memory_space<semaphore_mem>>) src(%arg5 : memref<624x64xf32, #tpu.memory_space<hbm>>) dst(%dma_wait3A_19 : memref<624x64xf32, #tpu.memory_space<vmem_shared>>)
      tpu.yield
    }) : () -> ()
    %eq3A = arith.constant 0 : i32
    %eq3A_1 = arith.cmpi eq, %arg1, %eq3A : i32
    %convert_element_type3A = arith.extui %eq3A_1 : i1 to i32
    %cond3A = arith.constant 0 : i32
    %cond3A_2 = arith.cmpi ne, %convert_element_type3A, %cond3A : i32
    scf.if %cond3A_2 {
      "tpu.region"() ({
        %run_scoped3A = tpu.sem_alloc : memref<!tpu.dma_semaphore, #tpu.memory_space<semaphore_mem>>
        %dma_start3A = arith.constant 9984 : i32
        %dma_start3A_18 = arith.constant 0 : i32
        %dma_start3A_19 = tpu.memref_slice %arg16[%dma_start3A, %dma_start3A_18] : memref<10000x64xf32, #tpu.memory_space<vmem_shared>> -> memref<16x64xf32, #tpu.memory_space<vmem_shared>>
        %dma_start3A_20 = arith.constant 0 : i32
        %dma_start3A_21 = arith.constant 0 : i32
        %dma_start3A_22 = tpu.memref_slice %arg5[%dma_start3A_20, %dma_start3A_21] : memref<624x64xf32, #tpu.memory_space<hbm>> -> memref<16x64xf32, #tpu.memory_space<hbm>>
        tpu.enqueue_dma source(%dma_start3A_22 : memref<16x64xf32, #tpu.memory_space<hbm>>) target(%dma_start3A_19 : memref<16x64xf32, #tpu.memory_space<vmem_shared>>) target_semaphore(%run_scoped3A : memref<!tpu.dma_semaphore, #tpu.memory_space<semaphore_mem>>)
        %dma_wait3A = arith.constant 9984 : i32
        %dma_wait3A_23 = arith.constant 0 : i32
        %dma_wait3A_24 = tpu.memref_slice %arg16[%dma_wait3A, %dma_wait3A_23] : memref<10000x64xf32, #tpu.memory_space<vmem_shared>> -> memref<16x64xf32, #tpu.memory_space<vmem_shared>>
        %dma_wait3A_25 = arith.constant 0 : i32
        %dma_wait3A_26 = arith.constant 0 : i32
        %dma_wait3A_27 = tpu.memref_slice %arg5[%dma_wait3A_25, %dma_wait3A_26] : memref<624x64xf32, #tpu.memory_space<hbm>> -> memref<16x64xf32, #tpu.memory_space<hbm>>
        tpu.wait_dma2 semaphore(%run_scoped3A : memref<!tpu.dma_semaphore, #tpu.memory_space<semaphore_mem>>) src(%dma_wait3A_27 : memref<16x64xf32, #tpu.memory_space<hbm>>) dst(%dma_wait3A_24 : memref<16x64xf32, #tpu.memory_space<vmem_shared>>)
        tpu.yield
      }) : () -> ()
    } else {
    }
    %barrier3A = arith.constant 0 : index
    tpu.barrier barrier_id(%barrier3A)
    %scan3A = arith.constant 0 : i32
    %scan3A_3 = arith.constant 0 : i32
    %scan3A_4 = arith.constant 5 : i32
    %scan3A_5 = arith.addi %scan3A_3, %scan3A_4 : i32
    %scan3A_6 = arith.constant 1 : i32
    scf.for %scan3A_18 = %scan3A_3 to %scan3A_5 step %scan3A_6  : i32 {
      %dma_start3A = arith.constant 0 : i32
      %dma_start3A_19 = arith.constant 0 : i32
      %dma_start3A_20 = tpu.memref_slice %arg3[%arg1, %scan3A_18, %dma_start3A, %dma_start3A_19] : memref<16x5x100x40xi32, #tpu.memory_space<hbm>> -> memref<1x1x100x40xi32, #tpu.memory_space<hbm>>
      %dma_start3A_21 = tpu.memref_squeeze %dma_start3A_20 : memref<1x1x100x40xi32, #tpu.memory_space<hbm>> -> memref<100x40xi32, #tpu.memory_space<hbm>>
      %dma_start3A_22 = arith.constant 0 : i32
      %dma_start3A_23 = arith.constant 0 : i32
      %dma_start3A_24 = tpu.memref_slice %arg3[%arg1, %scan3A_18, %dma_start3A_22, %dma_start3A_23] : memref<16x5x100x40xi32, #tpu.memory_space<hbm>> -> memref<1x1x100x40xi32, #tpu.memory_space<hbm>>
      %dma_start3A_25 = tpu.memref_squeeze %dma_start3A_24 : memref<1x1x100x40xi32, #tpu.memory_space<hbm>> -> memref<100x40xi32, #tpu.memory_space<hbm>>
      tpu.enqueue_dma source(%dma_start3A_25 : memref<100x40xi32, #tpu.memory_space<hbm>>) target(%arg9 : memref<100x40xi32, #tpu.memory_space<vmem>>) target_semaphore(%arg27 : memref<!tpu.dma_semaphore, #tpu.memory_space<semaphore_mem>>)
      %dma_start3A_26 = arith.constant 0 : i32
      %dma_start3A_27 = arith.constant 0 : i32
      %dma_start3A_28 = tpu.memref_slice %arg4[%arg1, %scan3A_18, %dma_start3A_26, %dma_start3A_27] : memref<16x5x100x40xi32, #tpu.memory_space<hbm>> -> memref<1x1x100x40xi32, #tpu.memory_space<hbm>>
      %dma_start3A_29 = tpu.memref_squeeze %dma_start3A_28 : memref<1x1x100x40xi32, #tpu.memory_space<hbm>> -> memref<100x40xi32, #tpu.memory_space<hbm>>
      %dma_start3A_30 = arith.constant 0 : i32
      %dma_start3A_31 = arith.constant 0 : i32
      %dma_start3A_32 = tpu.memref_slice %arg4[%arg1, %scan3A_18, %dma_start3A_30, %dma_start3A_31] : memref<16x5x100x40xi32, #tpu.memory_space<hbm>> -> memref<1x1x100x40xi32, #tpu.memory_space<hbm>>
      %dma_start3A_33 = tpu.memref_squeeze %dma_start3A_32 : memref<1x1x100x40xi32, #tpu.memory_space<hbm>> -> memref<100x40xi32, #tpu.memory_space<hbm>>
      tpu.enqueue_dma source(%dma_start3A_33 : memref<100x40xi32, #tpu.memory_space<hbm>>) target(%arg10 : memref<100x40xi32, #tpu.memory_space<vmem>>) target_semaphore(%arg28 : memref<!tpu.dma_semaphore, #tpu.memory_space<semaphore_mem>>)
      %dma_wait3A = arith.constant 0 : i32
      %dma_wait3A_34 = arith.constant 0 : i32
      %dma_wait3A_35 = tpu.memref_slice %arg3[%arg1, %scan3A_18, %dma_wait3A, %dma_wait3A_34] : memref<16x5x100x40xi32, #tpu.memory_space<hbm>> -> memref<1x1x100x40xi32, #tpu.memory_space<hbm>>
      %dma_wait3A_36 = tpu.memref_squeeze %dma_wait3A_35 : memref<1x1x100x40xi32, #tpu.memory_space<hbm>> -> memref<100x40xi32, #tpu.memory_space<hbm>>
      %dma_wait3A_37 = arith.constant 0 : i32
      %dma_wait3A_38 = arith.constant 0 : i32
      %dma_wait3A_39 = tpu.memref_slice %arg3[%arg1, %scan3A_18, %dma_wait3A_37, %dma_wait3A_38] : memref<16x5x100x40xi32, #tpu.memory_space<hbm>> -> memref<1x1x100x40xi32, #tpu.memory_space<hbm>>
      %dma_wait3A_40 = tpu.memref_squeeze %dma_wait3A_39 : memref<1x1x100x40xi32, #tpu.memory_space<hbm>> -> memref<100x40xi32, #tpu.memory_space<hbm>>
      tpu.wait_dma2 semaphore(%arg27 : memref<!tpu.dma_semaphore, #tpu.memory_space<semaphore_mem>>) src(%dma_wait3A_40 : memref<100x40xi32, #tpu.memory_space<hbm>>) dst(%arg9 : memref<100x40xi32, #tpu.memory_space<vmem>>)
      %dma_start3A_41 = arith.constant 0 : i32
      %dma_start3A_42 = arith.constant 0 : i32
      %dma_start3A_43 = tpu.memref_slice %arg9[%dma_start3A_41, %dma_start3A_42] : memref<100x40xi32, #tpu.memory_space<vmem>> -> memref<1x40xi32, #tpu.memory_space<vmem>>
      %dma_start3A_44 = tpu.memref_squeeze %dma_start3A_43 : memref<1x40xi32, #tpu.memory_space<vmem>> -> memref<40xi32, #tpu.memory_space<vmem>>
      %dma_start3A_45 = arith.constant 0 : i32
      %dma_start3A_46 = arith.constant 0 : i32
      %dma_start3A_47 = tpu.memref_slice %arg2[%arg0, %dma_start3A_45, %dma_start3A_46] : memref<2x10000x64xf32, #tpu.memory_space<hbm>> -> memref<1x10000x64xf32, #tpu.memory_space<hbm>>
      %dma_start3A_48 = tpu.memref_squeeze %dma_start3A_47 : memref<1x10000x64xf32, #tpu.memory_space<hbm>> -> memref<10000x64xf32, #tpu.memory_space<hbm>>
      %dma_start3A_49 = arith.constant 0 : i32
      %dma_start3A_50 = arith.constant 0 : i32
      %dma_start3A_51 = tpu.memref_slice %dma_start3A_48[%dma_start3A_49, %dma_start3A_50] : memref<10000x64xf32, #tpu.memory_space<hbm>> -> memref<10000x64xf32, #tpu.memory_space<hbm>>
      tpu.enqueue_indirect_dma source(%dma_start3A_51 : memref<10000x64xf32, #tpu.memory_space<hbm>>) target(%arg11 : memref<40x64xf32, #tpu.memory_space<vmem>>) offsets(%dma_start3A_44 : memref<40xi32, #tpu.memory_space<vmem>>) semaphore(%arg17 : memref<!tpu.dma_semaphore, #tpu.memory_space<semaphore_mem>>)
      %dma_start3A_52 = arith.constant 1 : i32
      %dma_start3A_53 = arith.constant 0 : i32
      %dma_start3A_54 = tpu.memref_slice %arg9[%dma_start3A_52, %dma_start3A_53] : memref<100x40xi32, #tpu.memory_space<vmem>> -> memref<1x40xi32, #tpu.memory_space<vmem>>
      %dma_start3A_55 = tpu.memref_squeeze %dma_start3A_54 : memref<1x40xi32, #tpu.memory_space<vmem>> -> memref<40xi32, #tpu.memory_space<vmem>>
      %dma_start3A_56 = arith.constant 0 : i32
      %dma_start3A_57 = arith.constant 0 : i32
      %dma_start3A_58 = tpu.memref_slice %arg2[%arg0, %dma_start3A_56, %dma_start3A_57] : memref<2x10000x64xf32, #tpu.memory_space<hbm>> -> memref<1x10000x64xf32, #tpu.memory_space<hbm>>
      %dma_start3A_59 = tpu.memref_squeeze %dma_start3A_58 : memref<1x10000x64xf32, #tpu.memory_space<hbm>> -> memref<10000x64xf32, #tpu.memory_space<hbm>>
      %dma_start3A_60 = arith.constant 0 : i32
      %dma_start3A_61 = arith.constant 0 : i32
      %dma_start3A_62 = tpu.memref_slice %dma_start3A_59[%dma_start3A_60, %dma_start3A_61] : memref<10000x64xf32, #tpu.memory_space<hbm>> -> memref<10000x64xf32, #tpu.memory_space<hbm>>
      tpu.enqueue_indirect_dma source(%dma_start3A_62 : memref<10000x64xf32, #tpu.memory_space<hbm>>) target(%arg12 : memref<40x64xf32, #tpu.memory_space<vmem>>) offsets(%dma_start3A_55 : memref<40xi32, #tpu.memory_space<vmem>>) semaphore(%arg18 : memref<!tpu.dma_semaphore, #tpu.memory_space<semaphore_mem>>)
      %dma_start3A_63 = arith.constant 2 : i32
      %dma_start3A_64 = arith.constant 0 : i32
      %dma_start3A_65 = tpu.memref_slice %arg9[%dma_start3A_63, %dma_start3A_64] : memref<100x40xi32, #tpu.memory_space<vmem>> -> memref<1x40xi32, #tpu.memory_space<vmem>>
      %dma_start3A_66 = tpu.memref_squeeze %dma_start3A_65 : memref<1x40xi32, #tpu.memory_space<vmem>> -> memref<40xi32, #tpu.memory_space<vmem>>
      %dma_start3A_67 = arith.constant 0 : i32
      %dma_start3A_68 = arith.constant 0 : i32
      %dma_start3A_69 = tpu.memref_slice %arg2[%arg0, %dma_start3A_67, %dma_start3A_68] : memref<2x10000x64xf32, #tpu.memory_space<hbm>> -> memref<1x10000x64xf32, #tpu.memory_space<hbm>>
      %dma_start3A_70 = tpu.memref_squeeze %dma_start3A_69 : memref<1x10000x64xf32, #tpu.memory_space<hbm>> -> memref<10000x64xf32, #tpu.memory_space<hbm>>
      %dma_start3A_71 = arith.constant 0 : i32
      %dma_start3A_72 = arith.constant 0 : i32
      %dma_start3A_73 = tpu.memref_slice %dma_start3A_70[%dma_start3A_71, %dma_start3A_72] : memref<10000x64xf32, #tpu.memory_space<hbm>> -> memref<10000x64xf32, #tpu.memory_space<hbm>>
      tpu.enqueue_indirect_dma source(%dma_start3A_73 : memref<10000x64xf32, #tpu.memory_space<hbm>>) target(%arg13 : memref<40x64xf32, #tpu.memory_space<vmem>>) offsets(%dma_start3A_66 : memref<40xi32, #tpu.memory_space<vmem>>) semaphore(%arg19 : memref<!tpu.dma_semaphore, #tpu.memory_space<semaphore_mem>>)
      %dma_start3A_74 = arith.constant 3 : i32
      %dma_start3A_75 = arith.constant 0 : i32
      %dma_start3A_76 = tpu.memref_slice %arg9[%dma_start3A_74, %dma_start3A_75] : memref<100x40xi32, #tpu.memory_space<vmem>> -> memref<1x40xi32, #tpu.memory_space<vmem>>
      %dma_start3A_77 = tpu.memref_squeeze %dma_start3A_76 : memref<1x40xi32, #tpu.memory_space<vmem>> -> memref<40xi32, #tpu.memory_space<vmem>>
      %dma_start3A_78 = arith.constant 0 : i32
      %dma_start3A_79 = arith.constant 0 : i32
      %dma_start3A_80 = tpu.memref_slice %arg2[%arg0, %dma_start3A_78, %dma_start3A_79] : memref<2x10000x64xf32, #tpu.memory_space<hbm>> -> memref<1x10000x64xf32, #tpu.memory_space<hbm>>
      %dma_start3A_81 = tpu.memref_squeeze %dma_start3A_80 : memref<1x10000x64xf32, #tpu.memory_space<hbm>> -> memref<10000x64xf32, #tpu.memory_space<hbm>>
      %dma_start3A_82 = arith.constant 0 : i32
      %dma_start3A_83 = arith.constant 0 : i32
      %dma_start3A_84 = tpu.memref_slice %dma_start3A_81[%dma_start3A_82, %dma_start3A_83] : memref<10000x64xf32, #tpu.memory_space<hbm>> -> memref<10000x64xf32, #tpu.memory_space<hbm>>
      tpu.enqueue_indirect_dma source(%dma_start3A_84 : memref<10000x64xf32, #tpu.memory_space<hbm>>) target(%arg14 : memref<40x64xf32, #tpu.memory_space<vmem>>) offsets(%dma_start3A_77 : memref<40xi32, #tpu.memory_space<vmem>>) semaphore(%arg20 : memref<!tpu.dma_semaphore, #tpu.memory_space<semaphore_mem>>)
      %dma_start3A_85 = arith.constant 4 : i32
      %dma_start3A_86 = arith.constant 0 : i32
      %dma_start3A_87 = tpu.memref_slice %arg9[%dma_start3A_85, %dma_start3A_86] : memref<100x40xi32, #tpu.memory_space<vmem>> -> memref<1x40xi32, #tpu.memory_space<vmem>>
      %dma_start3A_88 = tpu.memref_squeeze %dma_start3A_87 : memref<1x40xi32, #tpu.memory_space<vmem>> -> memref<40xi32, #tpu.memory_space<vmem>>
      %dma_start3A_89 = arith.constant 0 : i32
      %dma_start3A_90 = arith.constant 0 : i32
      %dma_start3A_91 = tpu.memref_slice %arg2[%arg0, %dma_start3A_89, %dma_start3A_90] : memref<2x10000x64xf32, #tpu.memory_space<hbm>> -> memref<1x10000x64xf32, #tpu.memory_space<hbm>>
      %dma_start3A_92 = tpu.memref_squeeze %dma_start3A_91 : memref<1x10000x64xf32, #tpu.memory_space<hbm>> -> memref<10000x64xf32, #tpu.memory_space<hbm>>
      %dma_start3A_93 = arith.constant 0 : i32
      %dma_start3A_94 = arith.constant 0 : i32
      %dma_start3A_95 = tpu.memref_slice %dma_start3A_92[%dma_start3A_93, %dma_start3A_94] : memref<10000x64xf32, #tpu.memory_space<hbm>> -> memref<10000x64xf32, #tpu.memory_space<hbm>>
      tpu.enqueue_indirect_dma source(%dma_start3A_95 : memref<10000x64xf32, #tpu.memory_space<hbm>>) target(%arg15 : memref<40x64xf32, #tpu.memory_space<vmem>>) offsets(%dma_start3A_88 : memref<40xi32, #tpu.memory_space<vmem>>) semaphore(%arg21 : memref<!tpu.dma_semaphore, #tpu.memory_space<semaphore_mem>>)
      %dma_wait3A_96 = arith.constant 0 : i32
      %dma_wait3A_97 = arith.constant 0 : i32
      %dma_wait3A_98 = tpu.memref_slice %arg4[%arg1, %scan3A_18, %dma_wait3A_96, %dma_wait3A_97] : memref<16x5x100x40xi32, #tpu.memory_space<hbm>> -> memref<1x1x100x40xi32, #tpu.memory_space<hbm>>
      %dma_wait3A_99 = tpu.memref_squeeze %dma_wait3A_98 : memref<1x1x100x40xi32, #tpu.memory_space<hbm>> -> memref<100x40xi32, #tpu.memory_space<hbm>>
      %dma_wait3A_100 = arith.constant 0 : i32
      %dma_wait3A_101 = arith.constant 0 : i32
      %dma_wait3A_102 = tpu.memref_slice %arg4[%arg1, %scan3A_18, %dma_wait3A_100, %dma_wait3A_101] : memref<16x5x100x40xi32, #tpu.memory_space<hbm>> -> memref<1x1x100x40xi32, #tpu.memory_space<hbm>>
      %dma_wait3A_103 = tpu.memref_squeeze %dma_wait3A_102 : memref<1x1x100x40xi32, #tpu.memory_space<hbm>> -> memref<100x40xi32, #tpu.memory_space<hbm>>
      tpu.wait_dma2 semaphore(%arg28 : memref<!tpu.dma_semaphore, #tpu.memory_space<semaphore_mem>>) src(%dma_wait3A_103 : memref<100x40xi32, #tpu.memory_space<hbm>>) dst(%arg10 : memref<100x40xi32, #tpu.memory_space<vmem>>)
      %scan3A_104 = arith.constant 0 : i32
      %scan3A_105 = arith.constant 0 : i32
      %scan3A_106 = arith.constant 19 : i32
      %scan3A_107 = arith.addi %scan3A_105, %scan3A_106 : i32
      %scan3A_108 = arith.constant 1 : i32
      scf.for %scan3A_235 = %scan3A_105 to %scan3A_107 step %scan3A_108  : i32 {
        %mul3A_236 = arith.constant 5 : i32
        %mul3A_237 = arith.muli %scan3A_235, %mul3A_236 : i32
        %add3A = arith.constant 0 : i32
        %add3A_238 = arith.addi %mul3A_237, %add3A : i32
        %dma_wait3A_239 = arith.constant 0 : i32
        %dma_wait3A_240 = tpu.memref_slice %arg9[%add3A_238, %dma_wait3A_239] : memref<100x40xi32, #tpu.memory_space<vmem>> -> memref<1x40xi32, #tpu.memory_space<vmem>>
        %dma_wait3A_241 = tpu.memref_squeeze %dma_wait3A_240 : memref<1x40xi32, #tpu.memory_space<vmem>> -> memref<40xi32, #tpu.memory_space<vmem>>
        %dma_wait3A_242 = arith.constant 0 : i32
        %dma_wait3A_243 = arith.constant 0 : i32
        %dma_wait3A_244 = tpu.memref_slice %arg2[%arg0, %dma_wait3A_242, %dma_wait3A_243] : memref<2x10000x64xf32, #tpu.memory_space<hbm>> -> memref<1x10000x64xf32, #tpu.memory_space<hbm>>
        %dma_wait3A_245 = tpu.memref_squeeze %dma_wait3A_244 : memref<1x10000x64xf32, #tpu.memory_space<hbm>> -> memref<10000x64xf32, #tpu.memory_space<hbm>>
        %dma_wait3A_246 = arith.constant 0 : i32
        %dma_wait3A_247 = arith.constant 0 : i32
        %dma_wait3A_248 = tpu.memref_slice %dma_wait3A_245[%dma_wait3A_246, %dma_wait3A_247] : memref<10000x64xf32, #tpu.memory_space<hbm>> -> memref<10000x64xf32, #tpu.memory_space<hbm>>
        tpu.wait_indirect_dma semaphore(%arg17 : memref<!tpu.dma_semaphore, #tpu.memory_space<semaphore_mem>>) src(%dma_wait3A_248 : memref<10000x64xf32, #tpu.memory_space<hbm>>) dst(%arg11 : memref<40x64xf32, #tpu.memory_space<vmem>>)
        %dma_start3A_249 = arith.constant 0 : i32
        %dma_start3A_250 = tpu.memref_slice %arg10[%add3A_238, %dma_start3A_249] : memref<100x40xi32, #tpu.memory_space<vmem>> -> memref<1x40xi32, #tpu.memory_space<vmem>>
        %dma_start3A_251 = tpu.memref_squeeze %dma_start3A_250 : memref<1x40xi32, #tpu.memory_space<vmem>> -> memref<40xi32, #tpu.memory_space<vmem>>
        %dma_start3A_252 = arith.constant 0 : i32
        %dma_start3A_253 = arith.constant 0 : i32
        %dma_start3A_254 = tpu.memref_slice %arg16[%dma_start3A_252, %dma_start3A_253] : memref<10000x64xf32, #tpu.memory_space<vmem_shared>> -> memref<10000x64xf32, #tpu.memory_space<vmem_shared>>
        tpu.enqueue_indirect_dma source(%arg11 : memref<40x64xf32, #tpu.memory_space<vmem>>) target(%dma_start3A_254 : memref<10000x64xf32, #tpu.memory_space<vmem_shared>>) offsets(%dma_start3A_251 : memref<40xi32, #tpu.memory_space<vmem>>) semaphore(%arg22 : memref<!tpu.dma_semaphore, #tpu.memory_space<semaphore_mem>>) {add = true}
        %dma_wait3A_255 = arith.constant 0 : i32
        %dma_wait3A_256 = tpu.memref_slice %arg10[%add3A_238, %dma_wait3A_255] : memref<100x40xi32, #tpu.memory_space<vmem>> -> memref<1x40xi32, #tpu.memory_space<vmem>>
        %dma_wait3A_257 = tpu.memref_squeeze %dma_wait3A_256 : memref<1x40xi32, #tpu.memory_space<vmem>> -> memref<40xi32, #tpu.memory_space<vmem>>
        %dma_wait3A_258 = arith.constant 0 : i32
        %dma_wait3A_259 = arith.constant 0 : i32
        %dma_wait3A_260 = tpu.memref_slice %arg16[%dma_wait3A_258, %dma_wait3A_259] : memref<10000x64xf32, #tpu.memory_space<vmem_shared>> -> memref<10000x64xf32, #tpu.memory_space<vmem_shared>>
        tpu.wait_indirect_dma semaphore(%arg22 : memref<!tpu.dma_semaphore, #tpu.memory_space<semaphore_mem>>) src(%arg11 : memref<40x64xf32, #tpu.memory_space<vmem>>) dst(%dma_wait3A_260 : memref<10000x64xf32, #tpu.memory_space<vmem_shared>>)
        %add3A_261 = arith.constant 5 : i32
        %add3A_262 = arith.addi %add3A_238, %add3A_261 : i32
        %dma_start3A_263 = arith.constant 0 : i32
        %dma_start3A_264 = tpu.memref_slice %arg9[%add3A_262, %dma_start3A_263] : memref<100x40xi32, #tpu.memory_space<vmem>> -> memref<1x40xi32, #tpu.memory_space<vmem>>
        %dma_start3A_265 = tpu.memref_squeeze %dma_start3A_264 : memref<1x40xi32, #tpu.memory_space<vmem>> -> memref<40xi32, #tpu.memory_space<vmem>>
        %dma_start3A_266 = arith.constant 0 : i32
        %dma_start3A_267 = arith.constant 0 : i32
        %dma_start3A_268 = tpu.memref_slice %arg2[%arg0, %dma_start3A_266, %dma_start3A_267] : memref<2x10000x64xf32, #tpu.memory_space<hbm>> -> memref<1x10000x64xf32, #tpu.memory_space<hbm>>
        %dma_start3A_269 = tpu.memref_squeeze %dma_start3A_268 : memref<1x10000x64xf32, #tpu.memory_space<hbm>> -> memref<10000x64xf32, #tpu.memory_space<hbm>>
        %dma_start3A_270 = arith.constant 0 : i32
        %dma_start3A_271 = arith.constant 0 : i32
        %dma_start3A_272 = tpu.memref_slice %dma_start3A_269[%dma_start3A_270, %dma_start3A_271] : memref<10000x64xf32, #tpu.memory_space<hbm>> -> memref<10000x64xf32, #tpu.memory_space<hbm>>
        tpu.enqueue_indirect_dma source(%dma_start3A_272 : memref<10000x64xf32, #tpu.memory_space<hbm>>) target(%arg11 : memref<40x64xf32, #tpu.memory_space<vmem>>) offsets(%dma_start3A_265 : memref<40xi32, #tpu.memory_space<vmem>>) semaphore(%arg17 : memref<!tpu.dma_semaphore, #tpu.memory_space<semaphore_mem>>)
        %mul3A_273 = arith.constant 5 : i32
        %mul3A_274 = arith.muli %scan3A_235, %mul3A_273 : i32
        %add3A_275 = arith.constant 1 : i32
        %add3A_276 = arith.addi %mul3A_274, %add3A_275 : i32
        %dma_wait3A_277 = arith.constant 0 : i32
        %dma_wait3A_278 = tpu.memref_slice %arg9[%add3A_276, %dma_wait3A_277] : memref<100x40xi32, #tpu.memory_space<vmem>> -> memref<1x40xi32, #tpu.memory_space<vmem>>
        %dma_wait3A_279 = tpu.memref_squeeze %dma_wait3A_278 : memref<1x40xi32, #tpu.memory_space<vmem>> -> memref<40xi32, #tpu.memory_space<vmem>>
        %dma_wait3A_280 = arith.constant 0 : i32
        %dma_wait3A_281 = arith.constant 0 : i32
        %dma_wait3A_282 = tpu.memref_slice %arg2[%arg0, %dma_wait3A_280, %dma_wait3A_281] : memref<2x10000x64xf32, #tpu.memory_space<hbm>> -> memref<1x10000x64xf32, #tpu.memory_space<hbm>>
        %dma_wait3A_283 = tpu.memref_squeeze %dma_wait3A_282 : memref<1x10000x64xf32, #tpu.memory_space<hbm>> -> memref<10000x64xf32, #tpu.memory_space<hbm>>
        %dma_wait3A_284 = arith.constant 0 : i32
        %dma_wait3A_285 = arith.constant 0 : i32
        %dma_wait3A_286 = tpu.memref_slice %dma_wait3A_283[%dma_wait3A_284, %dma_wait3A_285] : memref<10000x64xf32, #tpu.memory_space<hbm>> -> memref<10000x64xf32, #tpu.memory_space<hbm>>
        tpu.wait_indirect_dma semaphore(%arg18 : memref<!tpu.dma_semaphore, #tpu.memory_space<semaphore_mem>>) src(%dma_wait3A_286 : memref<10000x64xf32, #tpu.memory_space<hbm>>) dst(%arg12 : memref<40x64xf32, #tpu.memory_space<vmem>>)
        %dma_start3A_287 = arith.constant 0 : i32
        %dma_start3A_288 = tpu.memref_slice %arg10[%add3A_276, %dma_start3A_287] : memref<100x40xi32, #tpu.memory_space<vmem>> -> memref<1x40xi32, #tpu.memory_space<vmem>>
        %dma_start3A_289 = tpu.memref_squeeze %dma_start3A_288 : memref<1x40xi32, #tpu.memory_space<vmem>> -> memref<40xi32, #tpu.memory_space<vmem>>
        %dma_start3A_290 = arith.constant 0 : i32
        %dma_start3A_291 = arith.constant 0 : i32
        %dma_start3A_292 = tpu.memref_slice %arg16[%dma_start3A_290, %dma_start3A_291] : memref<10000x64xf32, #tpu.memory_space<vmem_shared>> -> memref<10000x64xf32, #tpu.memory_space<vmem_shared>>
        tpu.enqueue_indirect_dma source(%arg12 : memref<40x64xf32, #tpu.memory_space<vmem>>) target(%dma_start3A_292 : memref<10000x64xf32, #tpu.memory_space<vmem_shared>>) offsets(%dma_start3A_289 : memref<40xi32, #tpu.memory_space<vmem>>) semaphore(%arg23 : memref<!tpu.dma_semaphore, #tpu.memory_space<semaphore_mem>>) {add = true}
        %dma_wait3A_293 = arith.constant 0 : i32
        %dma_wait3A_294 = tpu.memref_slice %arg10[%add3A_276, %dma_wait3A_293] : memref<100x40xi32, #tpu.memory_space<vmem>> -> memref<1x40xi32, #tpu.memory_space<vmem>>
        %dma_wait3A_295 = tpu.memref_squeeze %dma_wait3A_294 : memref<1x40xi32, #tpu.memory_space<vmem>> -> memref<40xi32, #tpu.memory_space<vmem>>
        %dma_wait3A_296 = arith.constant 0 : i32
        %dma_wait3A_297 = arith.constant 0 : i32
        %dma_wait3A_298 = tpu.memref_slice %arg16[%dma_wait3A_296, %dma_wait3A_297] : memref<10000x64xf32, #tpu.memory_space<vmem_shared>> -> memref<10000x64xf32, #tpu.memory_space<vmem_shared>>
        tpu.wait_indirect_dma semaphore(%arg23 : memref<!tpu.dma_semaphore, #tpu.memory_space<semaphore_mem>>) src(%arg12 : memref<40x64xf32, #tpu.memory_space<vmem>>) dst(%dma_wait3A_298 : memref<10000x64xf32, #tpu.memory_space<vmem_shared>>)
        %add3A_299 = arith.constant 5 : i32
        %add3A_300 = arith.addi %add3A_276, %add3A_299 : i32
        %dma_start3A_301 = arith.constant 0 : i32
        %dma_start3A_302 = tpu.memref_slice %arg9[%add3A_300, %dma_start3A_301] : memref<100x40xi32, #tpu.memory_space<vmem>> -> memref<1x40xi32, #tpu.memory_space<vmem>>
        %dma_start3A_303 = tpu.memref_squeeze %dma_start3A_302 : memref<1x40xi32, #tpu.memory_space<vmem>> -> memref<40xi32, #tpu.memory_space<vmem>>
        %dma_start3A_304 = arith.constant 0 : i32
        %dma_start3A_305 = arith.constant 0 : i32
        %dma_start3A_306 = tpu.memref_slice %arg2[%arg0, %dma_start3A_304, %dma_start3A_305] : memref<2x10000x64xf32, #tpu.memory_space<hbm>> -> memref<1x10000x64xf32, #tpu.memory_space<hbm>>
        %dma_start3A_307 = tpu.memref_squeeze %dma_start3A_306 : memref<1x10000x64xf32, #tpu.memory_space<hbm>> -> memref<10000x64xf32, #tpu.memory_space<hbm>>
        %dma_start3A_308 = arith.constant 0 : i32
        %dma_start3A_309 = arith.constant 0 : i32
        %dma_start3A_310 = tpu.memref_slice %dma_start3A_307[%dma_start3A_308, %dma_start3A_309] : memref<10000x64xf32, #tpu.memory_space<hbm>> -> memref<10000x64xf32, #tpu.memory_space<hbm>>
        tpu.enqueue_indirect_dma source(%dma_start3A_310 : memref<10000x64xf32, #tpu.memory_space<hbm>>) target(%arg12 : memref<40x64xf32, #tpu.memory_space<vmem>>) offsets(%dma_start3A_303 : memref<40xi32, #tpu.memory_space<vmem>>) semaphore(%arg18 : memref<!tpu.dma_semaphore, #tpu.memory_space<semaphore_mem>>)
        %mul3A_311 = arith.constant 5 : i32
        %mul3A_312 = arith.muli %scan3A_235, %mul3A_311 : i32
        %add3A_313 = arith.constant 2 : i32
        %add3A_314 = arith.addi %mul3A_312, %add3A_313 : i32
        %dma_wait3A_315 = arith.constant 0 : i32
        %dma_wait3A_316 = tpu.memref_slice %arg9[%add3A_314, %dma_wait3A_315] : memref<100x40xi32, #tpu.memory_space<vmem>> -> memref<1x40xi32, #tpu.memory_space<vmem>>
        %dma_wait3A_317 = tpu.memref_squeeze %dma_wait3A_316 : memref<1x40xi32, #tpu.memory_space<vmem>> -> memref<40xi32, #tpu.memory_space<vmem>>
        %dma_wait3A_318 = arith.constant 0 : i32
        %dma_wait3A_319 = arith.constant 0 : i32
        %dma_wait3A_320 = tpu.memref_slice %arg2[%arg0, %dma_wait3A_318, %dma_wait3A_319] : memref<2x10000x64xf32, #tpu.memory_space<hbm>> -> memref<1x10000x64xf32, #tpu.memory_space<hbm>>
        %dma_wait3A_321 = tpu.memref_squeeze %dma_wait3A_320 : memref<1x10000x64xf32, #tpu.memory_space<hbm>> -> memref<10000x64xf32, #tpu.memory_space<hbm>>
        %dma_wait3A_322 = arith.constant 0 : i32
        %dma_wait3A_323 = arith.constant 0 : i32
        %dma_wait3A_324 = tpu.memref_slice %dma_wait3A_321[%dma_wait3A_322, %dma_wait3A_323] : memref<10000x64xf32, #tpu.memory_space<hbm>> -> memref<10000x64xf32, #tpu.memory_space<hbm>>
        tpu.wait_indirect_dma semaphore(%arg19 : memref<!tpu.dma_semaphore, #tpu.memory_space<semaphore_mem>>) src(%dma_wait3A_324 : memref<10000x64xf32, #tpu.memory_space<hbm>>) dst(%arg13 : memref<40x64xf32, #tpu.memory_space<vmem>>)
        %dma_start3A_325 = arith.constant 0 : i32
        %dma_start3A_326 = tpu.memref_slice %arg10[%add3A_314, %dma_start3A_325] : memref<100x40xi32, #tpu.memory_space<vmem>> -> memref<1x40xi32, #tpu.memory_space<vmem>>
        %dma_start3A_327 = tpu.memref_squeeze %dma_start3A_326 : memref<1x40xi32, #tpu.memory_space<vmem>> -> memref<40xi32, #tpu.memory_space<vmem>>
        %dma_start3A_328 = arith.constant 0 : i32
        %dma_start3A_329 = arith.constant 0 : i32
        %dma_start3A_330 = tpu.memref_slice %arg16[%dma_start3A_328, %dma_start3A_329] : memref<10000x64xf32, #tpu.memory_space<vmem_shared>> -> memref<10000x64xf32, #tpu.memory_space<vmem_shared>>
        tpu.enqueue_indirect_dma source(%arg13 : memref<40x64xf32, #tpu.memory_space<vmem>>) target(%dma_start3A_330 : memref<10000x64xf32, #tpu.memory_space<vmem_shared>>) offsets(%dma_start3A_327 : memref<40xi32, #tpu.memory_space<vmem>>) semaphore(%arg24 : memref<!tpu.dma_semaphore, #tpu.memory_space<semaphore_mem>>) {add = true}
        %dma_wait3A_331 = arith.constant 0 : i32
        %dma_wait3A_332 = tpu.memref_slice %arg10[%add3A_314, %dma_wait3A_331] : memref<100x40xi32, #tpu.memory_space<vmem>> -> memref<1x40xi32, #tpu.memory_space<vmem>>
        %dma_wait3A_333 = tpu.memref_squeeze %dma_wait3A_332 : memref<1x40xi32, #tpu.memory_space<vmem>> -> memref<40xi32, #tpu.memory_space<vmem>>
        %dma_wait3A_334 = arith.constant 0 : i32
        %dma_wait3A_335 = arith.constant 0 : i32
        %dma_wait3A_336 = tpu.memref_slice %arg16[%dma_wait3A_334, %dma_wait3A_335] : memref<10000x64xf32, #tpu.memory_space<vmem_shared>> -> memref<10000x64xf32, #tpu.memory_space<vmem_shared>>
        tpu.wait_indirect_dma semaphore(%arg24 : memref<!tpu.dma_semaphore, #tpu.memory_space<semaphore_mem>>) src(%arg13 : memref<40x64xf32, #tpu.memory_space<vmem>>) dst(%dma_wait3A_336 : memref<10000x64xf32, #tpu.memory_space<vmem_shared>>)
        %add3A_337 = arith.constant 5 : i32
        %add3A_338 = arith.addi %add3A_314, %add3A_337 : i32
        %dma_start3A_339 = arith.constant 0 : i32
        %dma_start3A_340 = tpu.memref_slice %arg9[%add3A_338, %dma_start3A_339] : memref<100x40xi32, #tpu.memory_space<vmem>> -> memref<1x40xi32, #tpu.memory_space<vmem>>
        %dma_start3A_341 = tpu.memref_squeeze %dma_start3A_340 : memref<1x40xi32, #tpu.memory_space<vmem>> -> memref<40xi32, #tpu.memory_space<vmem>>
        %dma_start3A_342 = arith.constant 0 : i32
        %dma_start3A_343 = arith.constant 0 : i32
        %dma_start3A_344 = tpu.memref_slice %arg2[%arg0, %dma_start3A_342, %dma_start3A_343] : memref<2x10000x64xf32, #tpu.memory_space<hbm>> -> memref<1x10000x64xf32, #tpu.memory_space<hbm>>
        %dma_start3A_345 = tpu.memref_squeeze %dma_start3A_344 : memref<1x10000x64xf32, #tpu.memory_space<hbm>> -> memref<10000x64xf32, #tpu.memory_space<hbm>>
        %dma_start3A_346 = arith.constant 0 : i32
        %dma_start3A_347 = arith.constant 0 : i32
        %dma_start3A_348 = tpu.memref_slice %dma_start3A_345[%dma_start3A_346, %dma_start3A_347] : memref<10000x64xf32, #tpu.memory_space<hbm>> -> memref<10000x64xf32, #tpu.memory_space<hbm>>
        tpu.enqueue_indirect_dma source(%dma_start3A_348 : memref<10000x64xf32, #tpu.memory_space<hbm>>) target(%arg13 : memref<40x64xf32, #tpu.memory_space<vmem>>) offsets(%dma_start3A_341 : memref<40xi32, #tpu.memory_space<vmem>>) semaphore(%arg19 : memref<!tpu.dma_semaphore, #tpu.memory_space<semaphore_mem>>)
        %mul3A_349 = arith.constant 5 : i32
        %mul3A_350 = arith.muli %scan3A_235, %mul3A_349 : i32
        %add3A_351 = arith.constant 3 : i32
        %add3A_352 = arith.addi %mul3A_350, %add3A_351 : i32
        %dma_wait3A_353 = arith.constant 0 : i32
        %dma_wait3A_354 = tpu.memref_slice %arg9[%add3A_352, %dma_wait3A_353] : memref<100x40xi32, #tpu.memory_space<vmem>> -> memref<1x40xi32, #tpu.memory_space<vmem>>
        %dma_wait3A_355 = tpu.memref_squeeze %dma_wait3A_354 : memref<1x40xi32, #tpu.memory_space<vmem>> -> memref<40xi32, #tpu.memory_space<vmem>>
        %dma_wait3A_356 = arith.constant 0 : i32
        %dma_wait3A_357 = arith.constant 0 : i32
        %dma_wait3A_358 = tpu.memref_slice %arg2[%arg0, %dma_wait3A_356, %dma_wait3A_357] : memref<2x10000x64xf32, #tpu.memory_space<hbm>> -> memref<1x10000x64xf32, #tpu.memory_space<hbm>>
        %dma_wait3A_359 = tpu.memref_squeeze %dma_wait3A_358 : memref<1x10000x64xf32, #tpu.memory_space<hbm>> -> memref<10000x64xf32, #tpu.memory_space<hbm>>
        %dma_wait3A_360 = arith.constant 0 : i32
        %dma_wait3A_361 = arith.constant 0 : i32
        %dma_wait3A_362 = tpu.memref_slice %dma_wait3A_359[%dma_wait3A_360, %dma_wait3A_361] : memref<10000x64xf32, #tpu.memory_space<hbm>> -> memref<10000x64xf32, #tpu.memory_space<hbm>>
        tpu.wait_indirect_dma semaphore(%arg20 : memref<!tpu.dma_semaphore, #tpu.memory_space<semaphore_mem>>) src(%dma_wait3A_362 : memref<10000x64xf32, #tpu.memory_space<hbm>>) dst(%arg14 : memref<40x64xf32, #tpu.memory_space<vmem>>)
        %dma_start3A_363 = arith.constant 0 : i32
        %dma_start3A_364 = tpu.memref_slice %arg10[%add3A_352, %dma_start3A_363] : memref<100x40xi32, #tpu.memory_space<vmem>> -> memref<1x40xi32, #tpu.memory_space<vmem>>
        %dma_start3A_365 = tpu.memref_squeeze %dma_start3A_364 : memref<1x40xi32, #tpu.memory_space<vmem>> -> memref<40xi32, #tpu.memory_space<vmem>>
        %dma_start3A_366 = arith.constant 0 : i32
        %dma_start3A_367 = arith.constant 0 : i32
        %dma_start3A_368 = tpu.memref_slice %arg16[%dma_start3A_366, %dma_start3A_367] : memref<10000x64xf32, #tpu.memory_space<vmem_shared>> -> memref<10000x64xf32, #tpu.memory_space<vmem_shared>>
        tpu.enqueue_indirect_dma source(%arg14 : memref<40x64xf32, #tpu.memory_space<vmem>>) target(%dma_start3A_368 : memref<10000x64xf32, #tpu.memory_space<vmem_shared>>) offsets(%dma_start3A_365 : memref<40xi32, #tpu.memory_space<vmem>>) semaphore(%arg25 : memref<!tpu.dma_semaphore, #tpu.memory_space<semaphore_mem>>) {add = true}
        %dma_wait3A_369 = arith.constant 0 : i32
        %dma_wait3A_370 = tpu.memref_slice %arg10[%add3A_352, %dma_wait3A_369] : memref<100x40xi32, #tpu.memory_space<vmem>> -> memref<1x40xi32, #tpu.memory_space<vmem>>
        %dma_wait3A_371 = tpu.memref_squeeze %dma_wait3A_370 : memref<1x40xi32, #tpu.memory_space<vmem>> -> memref<40xi32, #tpu.memory_space<vmem>>
        %dma_wait3A_372 = arith.constant 0 : i32
        %dma_wait3A_373 = arith.constant 0 : i32
        %dma_wait3A_374 = tpu.memref_slice %arg16[%dma_wait3A_372, %dma_wait3A_373] : memref<10000x64xf32, #tpu.memory_space<vmem_shared>> -> memref<10000x64xf32, #tpu.memory_space<vmem_shared>>
        tpu.wait_indirect_dma semaphore(%arg25 : memref<!tpu.dma_semaphore, #tpu.memory_space<semaphore_mem>>) src(%arg14 : memref<40x64xf32, #tpu.memory_space<vmem>>) dst(%dma_wait3A_374 : memref<10000x64xf32, #tpu.memory_space<vmem_shared>>)
        %add3A_375 = arith.constant 5 : i32
        %add3A_376 = arith.addi %add3A_352, %add3A_375 : i32
        %dma_start3A_377 = arith.constant 0 : i32
        %dma_start3A_378 = tpu.memref_slice %arg9[%add3A_376, %dma_start3A_377] : memref<100x40xi32, #tpu.memory_space<vmem>> -> memref<1x40xi32, #tpu.memory_space<vmem>>
        %dma_start3A_379 = tpu.memref_squeeze %dma_start3A_378 : memref<1x40xi32, #tpu.memory_space<vmem>> -> memref<40xi32, #tpu.memory_space<vmem>>
        %dma_start3A_380 = arith.constant 0 : i32
        %dma_start3A_381 = arith.constant 0 : i32
        %dma_start3A_382 = tpu.memref_slice %arg2[%arg0, %dma_start3A_380, %dma_start3A_381] : memref<2x10000x64xf32, #tpu.memory_space<hbm>> -> memref<1x10000x64xf32, #tpu.memory_space<hbm>>
        %dma_start3A_383 = tpu.memref_squeeze %dma_start3A_382 : memref<1x10000x64xf32, #tpu.memory_space<hbm>> -> memref<10000x64xf32, #tpu.memory_space<hbm>>
        %dma_start3A_384 = arith.constant 0 : i32
        %dma_start3A_385 = arith.constant 0 : i32
        %dma_start3A_386 = tpu.memref_slice %dma_start3A_383[%dma_start3A_384, %dma_start3A_385] : memref<10000x64xf32, #tpu.memory_space<hbm>> -> memref<10000x64xf32, #tpu.memory_space<hbm>>
        tpu.enqueue_indirect_dma source(%dma_start3A_386 : memref<10000x64xf32, #tpu.memory_space<hbm>>) target(%arg14 : memref<40x64xf32, #tpu.memory_space<vmem>>) offsets(%dma_start3A_379 : memref<40xi32, #tpu.memory_space<vmem>>) semaphore(%arg20 : memref<!tpu.dma_semaphore, #tpu.memory_space<semaphore_mem>>)
        %mul3A_387 = arith.constant 5 : i32
        %mul3A_388 = arith.muli %scan3A_235, %mul3A_387 : i32
        %add3A_389 = arith.constant 4 : i32
        %add3A_390 = arith.addi %mul3A_388, %add3A_389 : i32
        %dma_wait3A_391 = arith.constant 0 : i32
        %dma_wait3A_392 = tpu.memref_slice %arg9[%add3A_390, %dma_wait3A_391] : memref<100x40xi32, #tpu.memory_space<vmem>> -> memref<1x40xi32, #tpu.memory_space<vmem>>
        %dma_wait3A_393 = tpu.memref_squeeze %dma_wait3A_392 : memref<1x40xi32, #tpu.memory_space<vmem>> -> memref<40xi32, #tpu.memory_space<vmem>>
        %dma_wait3A_394 = arith.constant 0 : i32
        %dma_wait3A_395 = arith.constant 0 : i32
        %dma_wait3A_396 = tpu.memref_slice %arg2[%arg0, %dma_wait3A_394, %dma_wait3A_395] : memref<2x10000x64xf32, #tpu.memory_space<hbm>> -> memref<1x10000x64xf32, #tpu.memory_space<hbm>>
        %dma_wait3A_397 = tpu.memref_squeeze %dma_wait3A_396 : memref<1x10000x64xf32, #tpu.memory_space<hbm>> -> memref<10000x64xf32, #tpu.memory_space<hbm>>
        %dma_wait3A_398 = arith.constant 0 : i32
        %dma_wait3A_399 = arith.constant 0 : i32
        %dma_wait3A_400 = tpu.memref_slice %dma_wait3A_397[%dma_wait3A_398, %dma_wait3A_399] : memref<10000x64xf32, #tpu.memory_space<hbm>> -> memref<10000x64xf32, #tpu.memory_space<hbm>>
        tpu.wait_indirect_dma semaphore(%arg21 : memref<!tpu.dma_semaphore, #tpu.memory_space<semaphore_mem>>) src(%dma_wait3A_400 : memref<10000x64xf32, #tpu.memory_space<hbm>>) dst(%arg15 : memref<40x64xf32, #tpu.memory_space<vmem>>)
        %dma_start3A_401 = arith.constant 0 : i32
        %dma_start3A_402 = tpu.memref_slice %arg10[%add3A_390, %dma_start3A_401] : memref<100x40xi32, #tpu.memory_space<vmem>> -> memref<1x40xi32, #tpu.memory_space<vmem>>
        %dma_start3A_403 = tpu.memref_squeeze %dma_start3A_402 : memref<1x40xi32, #tpu.memory_space<vmem>> -> memref<40xi32, #tpu.memory_space<vmem>>
        %dma_start3A_404 = arith.constant 0 : i32
        %dma_start3A_405 = arith.constant 0 : i32
        %dma_start3A_406 = tpu.memref_slice %arg16[%dma_start3A_404, %dma_start3A_405] : memref<10000x64xf32, #tpu.memory_space<vmem_shared>> -> memref<10000x64xf32, #tpu.memory_space<vmem_shared>>
        tpu.enqueue_indirect_dma source(%arg15 : memref<40x64xf32, #tpu.memory_space<vmem>>) target(%dma_start3A_406 : memref<10000x64xf32, #tpu.memory_space<vmem_shared>>) offsets(%dma_start3A_403 : memref<40xi32, #tpu.memory_space<vmem>>) semaphore(%arg26 : memref<!tpu.dma_semaphore, #tpu.memory_space<semaphore_mem>>) {add = true}
        %dma_wait3A_407 = arith.constant 0 : i32
        %dma_wait3A_408 = tpu.memref_slice %arg10[%add3A_390, %dma_wait3A_407] : memref<100x40xi32, #tpu.memory_space<vmem>> -> memref<1x40xi32, #tpu.memory_space<vmem>>
        %dma_wait3A_409 = tpu.memref_squeeze %dma_wait3A_408 : memref<1x40xi32, #tpu.memory_space<vmem>> -> memref<40xi32, #tpu.memory_space<vmem>>
        %dma_wait3A_410 = arith.constant 0 : i32
        %dma_wait3A_411 = arith.constant 0 : i32
        %dma_wait3A_412 = tpu.memref_slice %arg16[%dma_wait3A_410, %dma_wait3A_411] : memref<10000x64xf32, #tpu.memory_space<vmem_shared>> -> memref<10000x64xf32, #tpu.memory_space<vmem_shared>>
        tpu.wait_indirect_dma semaphore(%arg26 : memref<!tpu.dma_semaphore, #tpu.memory_space<semaphore_mem>>) src(%arg15 : memref<40x64xf32, #tpu.memory_space<vmem>>) dst(%dma_wait3A_412 : memref<10000x64xf32, #tpu.memory_space<vmem_shared>>)
        %add3A_413 = arith.constant 5 : i32
        %add3A_414 = arith.addi %add3A_390, %add3A_413 : i32
        %dma_start3A_415 = arith.constant 0 : i32
        %dma_start3A_416 = tpu.memref_slice %arg9[%add3A_414, %dma_start3A_415] : memref<100x40xi32, #tpu.memory_space<vmem>> -> memref<1x40xi32, #tpu.memory_space<vmem>>
        %dma_start3A_417 = tpu.memref_squeeze %dma_start3A_416 : memref<1x40xi32, #tpu.memory_space<vmem>> -> memref<40xi32, #tpu.memory_space<vmem>>
        %dma_start3A_418 = arith.constant 0 : i32
        %dma_start3A_419 = arith.constant 0 : i32
        %dma_start3A_420 = tpu.memref_slice %arg2[%arg0, %dma_start3A_418, %dma_start3A_419] : memref<2x10000x64xf32, #tpu.memory_space<hbm>> -> memref<1x10000x64xf32, #tpu.memory_space<hbm>>
        %dma_start3A_421 = tpu.memref_squeeze %dma_start3A_420 : memref<1x10000x64xf32, #tpu.memory_space<hbm>> -> memref<10000x64xf32, #tpu.memory_space<hbm>>
        %dma_start3A_422 = arith.constant 0 : i32
        %dma_start3A_423 = arith.constant 0 : i32
        %dma_start3A_424 = tpu.memref_slice %dma_start3A_421[%dma_start3A_422, %dma_start3A_423] : memref<10000x64xf32, #tpu.memory_space<hbm>> -> memref<10000x64xf32, #tpu.memory_space<hbm>>
        tpu.enqueue_indirect_dma source(%dma_start3A_424 : memref<10000x64xf32, #tpu.memory_space<hbm>>) target(%arg15 : memref<40x64xf32, #tpu.memory_space<vmem>>) offsets(%dma_start3A_417 : memref<40xi32, #tpu.memory_space<vmem>>) semaphore(%arg21 : memref<!tpu.dma_semaphore, #tpu.memory_space<semaphore_mem>>)
      }
      %scan3A_109 = arith.constant 19 : i32
      %dma_wait3A_110 = arith.constant 95 : i32
      %dma_wait3A_111 = arith.constant 0 : i32
      %dma_wait3A_112 = tpu.memref_slice %arg9[%dma_wait3A_110, %dma_wait3A_111] : memref<100x40xi32, #tpu.memory_space<vmem>> -> memref<1x40xi32, #tpu.memory_space<vmem>>
      %dma_wait3A_113 = tpu.memref_squeeze %dma_wait3A_112 : memref<1x40xi32, #tpu.memory_space<vmem>> -> memref<40xi32, #tpu.memory_space<vmem>>
      %dma_wait3A_114 = arith.constant 0 : i32
      %dma_wait3A_115 = arith.constant 0 : i32
      %dma_wait3A_116 = tpu.memref_slice %arg2[%arg0, %dma_wait3A_114, %dma_wait3A_115] : memref<2x10000x64xf32, #tpu.memory_space<hbm>> -> memref<1x10000x64xf32, #tpu.memory_space<hbm>>
      %dma_wait3A_117 = tpu.memref_squeeze %dma_wait3A_116 : memref<1x10000x64xf32, #tpu.memory_space<hbm>> -> memref<10000x64xf32, #tpu.memory_space<hbm>>
      %dma_wait3A_118 = arith.constant 0 : i32
      %dma_wait3A_119 = arith.constant 0 : i32
      %dma_wait3A_120 = tpu.memref_slice %dma_wait3A_117[%dma_wait3A_118, %dma_wait3A_119] : memref<10000x64xf32, #tpu.memory_space<hbm>> -> memref<10000x64xf32, #tpu.memory_space<hbm>>
      tpu.wait_indirect_dma semaphore(%arg17 : memref<!tpu.dma_semaphore, #tpu.memory_space<semaphore_mem>>) src(%dma_wait3A_120 : memref<10000x64xf32, #tpu.memory_space<hbm>>) dst(%arg11 : memref<40x64xf32, #tpu.memory_space<vmem>>)
      %dma_start3A_121 = arith.constant 95 : i32
      %dma_start3A_122 = arith.constant 0 : i32
      %dma_start3A_123 = tpu.memref_slice %arg10[%dma_start3A_121, %dma_start3A_122] : memref<100x40xi32, #tpu.memory_space<vmem>> -> memref<1x40xi32, #tpu.memory_space<vmem>>
      %dma_start3A_124 = tpu.memref_squeeze %dma_start3A_123 : memref<1x40xi32, #tpu.memory_space<vmem>> -> memref<40xi32, #tpu.memory_space<vmem>>
      %dma_start3A_125 = arith.constant 0 : i32
      %dma_start3A_126 = arith.constant 0 : i32
      %dma_start3A_127 = tpu.memref_slice %arg16[%dma_start3A_125, %dma_start3A_126] : memref<10000x64xf32, #tpu.memory_space<vmem_shared>> -> memref<10000x64xf32, #tpu.memory_space<vmem_shared>>
      tpu.enqueue_indirect_dma source(%arg11 : memref<40x64xf32, #tpu.memory_space<vmem>>) target(%dma_start3A_127 : memref<10000x64xf32, #tpu.memory_space<vmem_shared>>) offsets(%dma_start3A_124 : memref<40xi32, #tpu.memory_space<vmem>>) semaphore(%arg22 : memref<!tpu.dma_semaphore, #tpu.memory_space<semaphore_mem>>) {add = true}
      %dma_wait3A_128 = arith.constant 95 : i32
      %dma_wait3A_129 = arith.constant 0 : i32
      %dma_wait3A_130 = tpu.memref_slice %arg10[%dma_wait3A_128, %dma_wait3A_129] : memref<100x40xi32, #tpu.memory_space<vmem>> -> memref<1x40xi32, #tpu.memory_space<vmem>>
      %dma_wait3A_131 = tpu.memref_squeeze %dma_wait3A_130 : memref<1x40xi32, #tpu.memory_space<vmem>> -> memref<40xi32, #tpu.memory_space<vmem>>
      %dma_wait3A_132 = arith.constant 0 : i32
      %dma_wait3A_133 = arith.constant 0 : i32
      %dma_wait3A_134 = tpu.memref_slice %arg16[%dma_wait3A_132, %dma_wait3A_133] : memref<10000x64xf32, #tpu.memory_space<vmem_shared>> -> memref<10000x64xf32, #tpu.memory_space<vmem_shared>>
      tpu.wait_indirect_dma semaphore(%arg22 : memref<!tpu.dma_semaphore, #tpu.memory_space<semaphore_mem>>) src(%arg11 : memref<40x64xf32, #tpu.memory_space<vmem>>) dst(%dma_wait3A_134 : memref<10000x64xf32, #tpu.memory_space<vmem_shared>>)
      %dma_wait3A_135 = arith.constant 96 : i32
      %dma_wait3A_136 = arith.constant 0 : i32
      %dma_wait3A_137 = tpu.memref_slice %arg9[%dma_wait3A_135, %dma_wait3A_136] : memref<100x40xi32, #tpu.memory_space<vmem>> -> memref<1x40xi32, #tpu.memory_space<vmem>>
      %dma_wait3A_138 = tpu.memref_squeeze %dma_wait3A_137 : memref<1x40xi32, #tpu.memory_space<vmem>> -> memref<40xi32, #tpu.memory_space<vmem>>
      %dma_wait3A_139 = arith.constant 0 : i32
      %dma_wait3A_140 = arith.constant 0 : i32
      %dma_wait3A_141 = tpu.memref_slice %arg2[%arg0, %dma_wait3A_139, %dma_wait3A_140] : memref<2x10000x64xf32, #tpu.memory_space<hbm>> -> memref<1x10000x64xf32, #tpu.memory_space<hbm>>
      %dma_wait3A_142 = tpu.memref_squeeze %dma_wait3A_141 : memref<1x10000x64xf32, #tpu.memory_space<hbm>> -> memref<10000x64xf32, #tpu.memory_space<hbm>>
      %dma_wait3A_143 = arith.constant 0 : i32
      %dma_wait3A_144 = arith.constant 0 : i32
      %dma_wait3A_145 = tpu.memref_slice %dma_wait3A_142[%dma_wait3A_143, %dma_wait3A_144] : memref<10000x64xf32, #tpu.memory_space<hbm>> -> memref<10000x64xf32, #tpu.memory_space<hbm>>
      tpu.wait_indirect_dma semaphore(%arg18 : memref<!tpu.dma_semaphore, #tpu.memory_space<semaphore_mem>>) src(%dma_wait3A_145 : memref<10000x64xf32, #tpu.memory_space<hbm>>) dst(%arg12 : memref<40x64xf32, #tpu.memory_space<vmem>>)
      %dma_start3A_146 = arith.constant 96 : i32
      %dma_start3A_147 = arith.constant 0 : i32
      %dma_start3A_148 = tpu.memref_slice %arg10[%dma_start3A_146, %dma_start3A_147] : memref<100x40xi32, #tpu.memory_space<vmem>> -> memref<1x40xi32, #tpu.memory_space<vmem>>
      %dma_start3A_149 = tpu.memref_squeeze %dma_start3A_148 : memref<1x40xi32, #tpu.memory_space<vmem>> -> memref<40xi32, #tpu.memory_space<vmem>>
      %dma_start3A_150 = arith.constant 0 : i32
      %dma_start3A_151 = arith.constant 0 : i32
      %dma_start3A_152 = tpu.memref_slice %arg16[%dma_start3A_150, %dma_start3A_151] : memref<10000x64xf32, #tpu.memory_space<vmem_shared>> -> memref<10000x64xf32, #tpu.memory_space<vmem_shared>>
      tpu.enqueue_indirect_dma source(%arg12 : memref<40x64xf32, #tpu.memory_space<vmem>>) target(%dma_start3A_152 : memref<10000x64xf32, #tpu.memory_space<vmem_shared>>) offsets(%dma_start3A_149 : memref<40xi32, #tpu.memory_space<vmem>>) semaphore(%arg23 : memref<!tpu.dma_semaphore, #tpu.memory_space<semaphore_mem>>) {add = true}
      %dma_wait3A_153 = arith.constant 96 : i32
      %dma_wait3A_154 = arith.constant 0 : i32
      %dma_wait3A_155 = tpu.memref_slice %arg10[%dma_wait3A_153, %dma_wait3A_154] : memref<100x40xi32, #tpu.memory_space<vmem>> -> memref<1x40xi32, #tpu.memory_space<vmem>>
      %dma_wait3A_156 = tpu.memref_squeeze %dma_wait3A_155 : memref<1x40xi32, #tpu.memory_space<vmem>> -> memref<40xi32, #tpu.memory_space<vmem>>
      %dma_wait3A_157 = arith.constant 0 : i32
      %dma_wait3A_158 = arith.constant 0 : i32
      %dma_wait3A_159 = tpu.memref_slice %arg16[%dma_wait3A_157, %dma_wait3A_158] : memref<10000x64xf32, #tpu.memory_space<vmem_shared>> -> memref<10000x64xf32, #tpu.memory_space<vmem_shared>>
      tpu.wait_indirect_dma semaphore(%arg23 : memref<!tpu.dma_semaphore, #tpu.memory_space<semaphore_mem>>) src(%arg12 : memref<40x64xf32, #tpu.memory_space<vmem>>) dst(%dma_wait3A_159 : memref<10000x64xf32, #tpu.memory_space<vmem_shared>>)
      %dma_wait3A_160 = arith.constant 97 : i32
      %dma_wait3A_161 = arith.constant 0 : i32
      %dma_wait3A_162 = tpu.memref_slice %arg9[%dma_wait3A_160, %dma_wait3A_161] : memref<100x40xi32, #tpu.memory_space<vmem>> -> memref<1x40xi32, #tpu.memory_space<vmem>>
      %dma_wait3A_163 = tpu.memref_squeeze %dma_wait3A_162 : memref<1x40xi32, #tpu.memory_space<vmem>> -> memref<40xi32, #tpu.memory_space<vmem>>
      %dma_wait3A_164 = arith.constant 0 : i32
      %dma_wait3A_165 = arith.constant 0 : i32
      %dma_wait3A_166 = tpu.memref_slice %arg2[%arg0, %dma_wait3A_164, %dma_wait3A_165] : memref<2x10000x64xf32, #tpu.memory_space<hbm>> -> memref<1x10000x64xf32, #tpu.memory_space<hbm>>
      %dma_wait3A_167 = tpu.memref_squeeze %dma_wait3A_166 : memref<1x10000x64xf32, #tpu.memory_space<hbm>> -> memref<10000x64xf32, #tpu.memory_space<hbm>>
      %dma_wait3A_168 = arith.constant 0 : i32
      %dma_wait3A_169 = arith.constant 0 : i32
      %dma_wait3A_170 = tpu.memref_slice %dma_wait3A_167[%dma_wait3A_168, %dma_wait3A_169] : memref<10000x64xf32, #tpu.memory_space<hbm>> -> memref<10000x64xf32, #tpu.memory_space<hbm>>
      tpu.wait_indirect_dma semaphore(%arg19 : memref<!tpu.dma_semaphore, #tpu.memory_space<semaphore_mem>>) src(%dma_wait3A_170 : memref<10000x64xf32, #tpu.memory_space<hbm>>) dst(%arg13 : memref<40x64xf32, #tpu.memory_space<vmem>>)
      %dma_start3A_171 = arith.constant 97 : i32
      %dma_start3A_172 = arith.constant 0 : i32
      %dma_start3A_173 = tpu.memref_slice %arg10[%dma_start3A_171, %dma_start3A_172] : memref<100x40xi32, #tpu.memory_space<vmem>> -> memref<1x40xi32, #tpu.memory_space<vmem>>
      %dma_start3A_174 = tpu.memref_squeeze %dma_start3A_173 : memref<1x40xi32, #tpu.memory_space<vmem>> -> memref<40xi32, #tpu.memory_space<vmem>>
      %dma_start3A_175 = arith.constant 0 : i32
      %dma_start3A_176 = arith.constant 0 : i32
      %dma_start3A_177 = tpu.memref_slice %arg16[%dma_start3A_175, %dma_start3A_176] : memref<10000x64xf32, #tpu.memory_space<vmem_shared>> -> memref<10000x64xf32, #tpu.memory_space<vmem_shared>>
      tpu.enqueue_indirect_dma source(%arg13 : memref<40x64xf32, #tpu.memory_space<vmem>>) target(%dma_start3A_177 : memref<10000x64xf32, #tpu.memory_space<vmem_shared>>) offsets(%dma_start3A_174 : memref<40xi32, #tpu.memory_space<vmem>>) semaphore(%arg24 : memref<!tpu.dma_semaphore, #tpu.memory_space<semaphore_mem>>) {add = true}
      %dma_wait3A_178 = arith.constant 97 : i32
      %dma_wait3A_179 = arith.constant 0 : i32
      %dma_wait3A_180 = tpu.memref_slice %arg10[%dma_wait3A_178, %dma_wait3A_179] : memref<100x40xi32, #tpu.memory_space<vmem>> -> memref<1x40xi32, #tpu.memory_space<vmem>>
      %dma_wait3A_181 = tpu.memref_squeeze %dma_wait3A_180 : memref<1x40xi32, #tpu.memory_space<vmem>> -> memref<40xi32, #tpu.memory_space<vmem>>
      %dma_wait3A_182 = arith.constant 0 : i32
      %dma_wait3A_183 = arith.constant 0 : i32
      %dma_wait3A_184 = tpu.memref_slice %arg16[%dma_wait3A_182, %dma_wait3A_183] : memref<10000x64xf32, #tpu.memory_space<vmem_shared>> -> memref<10000x64xf32, #tpu.memory_space<vmem_shared>>
      tpu.wait_indirect_dma semaphore(%arg24 : memref<!tpu.dma_semaphore, #tpu.memory_space<semaphore_mem>>) src(%arg13 : memref<40x64xf32, #tpu.memory_space<vmem>>) dst(%dma_wait3A_184 : memref<10000x64xf32, #tpu.memory_space<vmem_shared>>)
      %dma_wait3A_185 = arith.constant 98 : i32
      %dma_wait3A_186 = arith.constant 0 : i32
      %dma_wait3A_187 = tpu.memref_slice %arg9[%dma_wait3A_185, %dma_wait3A_186] : memref<100x40xi32, #tpu.memory_space<vmem>> -> memref<1x40xi32, #tpu.memory_space<vmem>>
      %dma_wait3A_188 = tpu.memref_squeeze %dma_wait3A_187 : memref<1x40xi32, #tpu.memory_space<vmem>> -> memref<40xi32, #tpu.memory_space<vmem>>
      %dma_wait3A_189 = arith.constant 0 : i32
      %dma_wait3A_190 = arith.constant 0 : i32
      %dma_wait3A_191 = tpu.memref_slice %arg2[%arg0, %dma_wait3A_189, %dma_wait3A_190] : memref<2x10000x64xf32, #tpu.memory_space<hbm>> -> memref<1x10000x64xf32, #tpu.memory_space<hbm>>
      %dma_wait3A_192 = tpu.memref_squeeze %dma_wait3A_191 : memref<1x10000x64xf32, #tpu.memory_space<hbm>> -> memref<10000x64xf32, #tpu.memory_space<hbm>>
      %dma_wait3A_193 = arith.constant 0 : i32
      %dma_wait3A_194 = arith.constant 0 : i32
      %dma_wait3A_195 = tpu.memref_slice %dma_wait3A_192[%dma_wait3A_193, %dma_wait3A_194] : memref<10000x64xf32, #tpu.memory_space<hbm>> -> memref<10000x64xf32, #tpu.memory_space<hbm>>
      tpu.wait_indirect_dma semaphore(%arg20 : memref<!tpu.dma_semaphore, #tpu.memory_space<semaphore_mem>>) src(%dma_wait3A_195 : memref<10000x64xf32, #tpu.memory_space<hbm>>) dst(%arg14 : memref<40x64xf32, #tpu.memory_space<vmem>>)
      %dma_start3A_196 = arith.constant 98 : i32
      %dma_start3A_197 = arith.constant 0 : i32
      %dma_start3A_198 = tpu.memref_slice %arg10[%dma_start3A_196, %dma_start3A_197] : memref<100x40xi32, #tpu.memory_space<vmem>> -> memref<1x40xi32, #tpu.memory_space<vmem>>
      %dma_start3A_199 = tpu.memref_squeeze %dma_start3A_198 : memref<1x40xi32, #tpu.memory_space<vmem>> -> memref<40xi32, #tpu.memory_space<vmem>>
      %dma_start3A_200 = arith.constant 0 : i32
      %dma_start3A_201 = arith.constant 0 : i32
      %dma_start3A_202 = tpu.memref_slice %arg16[%dma_start3A_200, %dma_start3A_201] : memref<10000x64xf32, #tpu.memory_space<vmem_shared>> -> memref<10000x64xf32, #tpu.memory_space<vmem_shared>>
      tpu.enqueue_indirect_dma source(%arg14 : memref<40x64xf32, #tpu.memory_space<vmem>>) target(%dma_start3A_202 : memref<10000x64xf32, #tpu.memory_space<vmem_shared>>) offsets(%dma_start3A_199 : memref<40xi32, #tpu.memory_space<vmem>>) semaphore(%arg25 : memref<!tpu.dma_semaphore, #tpu.memory_space<semaphore_mem>>) {add = true}
      %dma_wait3A_203 = arith.constant 98 : i32
      %dma_wait3A_204 = arith.constant 0 : i32
      %dma_wait3A_205 = tpu.memref_slice %arg10[%dma_wait3A_203, %dma_wait3A_204] : memref<100x40xi32, #tpu.memory_space<vmem>> -> memref<1x40xi32, #tpu.memory_space<vmem>>
      %dma_wait3A_206 = tpu.memref_squeeze %dma_wait3A_205 : memref<1x40xi32, #tpu.memory_space<vmem>> -> memref<40xi32, #tpu.memory_space<vmem>>
      %dma_wait3A_207 = arith.constant 0 : i32
      %dma_wait3A_208 = arith.constant 0 : i32
      %dma_wait3A_209 = tpu.memref_slice %arg16[%dma_wait3A_207, %dma_wait3A_208] : memref<10000x64xf32, #tpu.memory_space<vmem_shared>> -> memref<10000x64xf32, #tpu.memory_space<vmem_shared>>
      tpu.wait_indirect_dma semaphore(%arg25 : memref<!tpu.dma_semaphore, #tpu.memory_space<semaphore_mem>>) src(%arg14 : memref<40x64xf32, #tpu.memory_space<vmem>>) dst(%dma_wait3A_209 : memref<10000x64xf32, #tpu.memory_space<vmem_shared>>)
      %dma_wait3A_210 = arith.constant 99 : i32
      %dma_wait3A_211 = arith.constant 0 : i32
      %dma_wait3A_212 = tpu.memref_slice %arg9[%dma_wait3A_210, %dma_wait3A_211] : memref<100x40xi32, #tpu.memory_space<vmem>> -> memref<1x40xi32, #tpu.memory_space<vmem>>
      %dma_wait3A_213 = tpu.memref_squeeze %dma_wait3A_212 : memref<1x40xi32, #tpu.memory_space<vmem>> -> memref<40xi32, #tpu.memory_space<vmem>>
      %dma_wait3A_214 = arith.constant 0 : i32
      %dma_wait3A_215 = arith.constant 0 : i32
      %dma_wait3A_216 = tpu.memref_slice %arg2[%arg0, %dma_wait3A_214, %dma_wait3A_215] : memref<2x10000x64xf32, #tpu.memory_space<hbm>> -> memref<1x10000x64xf32, #tpu.memory_space<hbm>>
      %dma_wait3A_217 = tpu.memref_squeeze %dma_wait3A_216 : memref<1x10000x64xf32, #tpu.memory_space<hbm>> -> memref<10000x64xf32, #tpu.memory_space<hbm>>
      %dma_wait3A_218 = arith.constant 0 : i32
      %dma_wait3A_219 = arith.constant 0 : i32
      %dma_wait3A_220 = tpu.memref_slice %dma_wait3A_217[%dma_wait3A_218, %dma_wait3A_219] : memref<10000x64xf32, #tpu.memory_space<hbm>> -> memref<10000x64xf32, #tpu.memory_space<hbm>>
      tpu.wait_indirect_dma semaphore(%arg21 : memref<!tpu.dma_semaphore, #tpu.memory_space<semaphore_mem>>) src(%dma_wait3A_220 : memref<10000x64xf32, #tpu.memory_space<hbm>>) dst(%arg15 : memref<40x64xf32, #tpu.memory_space<vmem>>)
      %dma_start3A_221 = arith.constant 99 : i32
      %dma_start3A_222 = arith.constant 0 : i32
      %dma_start3A_223 = tpu.memref_slice %arg10[%dma_start3A_221, %dma_start3A_222] : memref<100x40xi32, #tpu.memory_space<vmem>> -> memref<1x40xi32, #tpu.memory_space<vmem>>
      %dma_start3A_224 = tpu.memref_squeeze %dma_start3A_223 : memref<1x40xi32, #tpu.memory_space<vmem>> -> memref<40xi32, #tpu.memory_space<vmem>>
      %dma_start3A_225 = arith.constant 0 : i32
      %dma_start3A_226 = arith.constant 0 : i32
      %dma_start3A_227 = tpu.memref_slice %arg16[%dma_start3A_225, %dma_start3A_226] : memref<10000x64xf32, #tpu.memory_space<vmem_shared>> -> memref<10000x64xf32, #tpu.memory_space<vmem_shared>>
      tpu.enqueue_indirect_dma source(%arg15 : memref<40x64xf32, #tpu.memory_space<vmem>>) target(%dma_start3A_227 : memref<10000x64xf32, #tpu.memory_space<vmem_shared>>) offsets(%dma_start3A_224 : memref<40xi32, #tpu.memory_space<vmem>>) semaphore(%arg26 : memref<!tpu.dma_semaphore, #tpu.memory_space<semaphore_mem>>) {add = true}
      %dma_wait3A_228 = arith.constant 99 : i32
      %dma_wait3A_229 = arith.constant 0 : i32
      %dma_wait3A_230 = tpu.memref_slice %arg10[%dma_wait3A_228, %dma_wait3A_229] : memref<100x40xi32, #tpu.memory_space<vmem>> -> memref<1x40xi32, #tpu.memory_space<vmem>>
      %dma_wait3A_231 = tpu.memref_squeeze %dma_wait3A_230 : memref<1x40xi32, #tpu.memory_space<vmem>> -> memref<40xi32, #tpu.memory_space<vmem>>
      %dma_wait3A_232 = arith.constant 0 : i32
      %dma_wait3A_233 = arith.constant 0 : i32
      %dma_wait3A_234 = tpu.memref_slice %arg16[%dma_wait3A_232, %dma_wait3A_233] : memref<10000x64xf32, #tpu.memory_space<vmem_shared>> -> memref<10000x64xf32, #tpu.memory_space<vmem_shared>>
      tpu.wait_indirect_dma semaphore(%arg26 : memref<!tpu.dma_semaphore, #tpu.memory_space<semaphore_mem>>) src(%arg15 : memref<40x64xf32, #tpu.memory_space<vmem>>) dst(%dma_wait3A_234 : memref<10000x64xf32, #tpu.memory_space<vmem_shared>>)
    }
    %scan3A_7 = arith.constant 5 : i32
    %barrier3A_8 = arith.constant 0 : index
    tpu.barrier barrier_id(%barrier3A_8)
    %mul3A_9 = arith.constant 624 : i32
    %mul3A_10 = arith.muli %arg1, %mul3A_9 : i32
    %mul3A_11 = arith.constant 624 : i32
    %mul3A_12 = arith.muli %arg1, %mul3A_11 : i32
    "tpu.region"() ({
      %run_scoped3A = tpu.sem_alloc : memref<!tpu.dma_semaphore, #tpu.memory_space<semaphore_mem>>
      %dma_start3A = arith.constant 0 : i32
      %dma_start3A_18 = tpu.memref_slice %arg8[%arg0, %mul3A_12, %dma_start3A] : memref<2x10000x64xf32, #tpu.memory_space<hbm>> -> memref<1x624x64xf32, #tpu.memory_space<hbm>>
      %dma_start3A_19 = tpu.memref_squeeze %dma_start3A_18 : memref<1x624x64xf32, #tpu.memory_space<hbm>> -> memref<624x64xf32, #tpu.memory_space<hbm>>
      %dma_start3A_20 = arith.constant 0 : i32
      %dma_start3A_21 = tpu.memref_slice %arg16[%mul3A_10, %dma_start3A_20] : memref<10000x64xf32, #tpu.memory_space<vmem_shared>> -> memref<624x64xf32, #tpu.memory_space<vmem_shared>>
      tpu.enqueue_dma source(%dma_start3A_21 : memref<624x64xf32, #tpu.memory_space<vmem_shared>>) target(%dma_start3A_19 : memref<624x64xf32, #tpu.memory_space<hbm>>) target_semaphore(%run_scoped3A : memref<!tpu.dma_semaphore, #tpu.memory_space<semaphore_mem>>)
      %dma_wait3A = arith.constant 0 : i32
      %dma_wait3A_22 = tpu.memref_slice %arg8[%arg0, %mul3A_12, %dma_wait3A] : memref<2x10000x64xf32, #tpu.memory_space<hbm>> -> memref<1x624x64xf32, #tpu.memory_space<hbm>>
      %dma_wait3A_23 = tpu.memref_squeeze %dma_wait3A_22 : memref<1x624x64xf32, #tpu.memory_space<hbm>> -> memref<624x64xf32, #tpu.memory_space<hbm>>
      %dma_wait3A_24 = arith.constant 0 : i32
      %dma_wait3A_25 = tpu.memref_slice %arg16[%mul3A_10, %dma_wait3A_24] : memref<10000x64xf32, #tpu.memory_space<vmem_shared>> -> memref<624x64xf32, #tpu.memory_space<vmem_shared>>
      tpu.wait_dma2 semaphore(%run_scoped3A : memref<!tpu.dma_semaphore, #tpu.memory_space<semaphore_mem>>) src(%dma_wait3A_25 : memref<624x64xf32, #tpu.memory_space<vmem_shared>>) dst(%dma_wait3A_23 : memref<624x64xf32, #tpu.memory_space<hbm>>)
      tpu.yield
    }) : () -> ()
    %eq3A_13 = arith.constant 0 : i32
    %eq3A_14 = arith.cmpi eq, %arg1, %eq3A_13 : i32
    %convert_element_type3A_15 = arith.extui %eq3A_14 : i1 to i32
    %cond3A_16 = arith.constant 0 : i32
    %cond3A_17 = arith.cmpi ne, %convert_element_type3A_15, %cond3A_16 : i32
    scf.if %cond3A_17 {
      "tpu.region"() ({
        %run_scoped3A = tpu.sem_alloc : memref<!tpu.dma_semaphore, #tpu.memory_space<semaphore_mem>>
        %dma_start3A = arith.constant 9984 : i32
        %dma_start3A_18 = arith.constant 0 : i32
        %dma_start3A_19 = tpu.memref_slice %arg8[%arg0, %dma_start3A, %dma_start3A_18] : memref<2x10000x64xf32, #tpu.memory_space<hbm>> -> memref<1x16x64xf32, #tpu.memory_space<hbm>>
        %dma_start3A_20 = tpu.memref_squeeze %dma_start3A_19 : memref<1x16x64xf32, #tpu.memory_space<hbm>> -> memref<16x64xf32, #tpu.memory_space<hbm>>
        %dma_start3A_21 = arith.constant 9984 : i32
        %dma_start3A_22 = arith.constant 0 : i32
        %dma_start3A_23 = tpu.memref_slice %arg16[%dma_start3A_21, %dma_start3A_22] : memref<10000x64xf32, #tpu.memory_space<vmem_shared>> -> memref<16x64xf32, #tpu.memory_space<vmem_shared>>
        tpu.enqueue_dma source(%dma_start3A_23 : memref<16x64xf32, #tpu.memory_space<vmem_shared>>) target(%dma_start3A_20 : memref<16x64xf32, #tpu.memory_space<hbm>>) target_semaphore(%run_scoped3A : memref<!tpu.dma_semaphore, #tpu.memory_space<semaphore_mem>>)
        %dma_wait3A = arith.constant 9984 : i32
        %dma_wait3A_24 = arith.constant 0 : i32
        %dma_wait3A_25 = tpu.memref_slice %arg8[%arg0, %dma_wait3A, %dma_wait3A_24] : memref<2x10000x64xf32, #tpu.memory_space<hbm>> -> memref<1x16x64xf32, #tpu.memory_space<hbm>>
        %dma_wait3A_26 = tpu.memref_squeeze %dma_wait3A_25 : memref<1x16x64xf32, #tpu.memory_space<hbm>> -> memref<16x64xf32, #tpu.memory_space<hbm>>
        %dma_wait3A_27 = arith.constant 9984 : i32
        %dma_wait3A_28 = arith.constant 0 : i32
        %dma_wait3A_29 = tpu.memref_slice %arg16[%dma_wait3A_27, %dma_wait3A_28] : memref<10000x64xf32, #tpu.memory_space<vmem_shared>> -> memref<16x64xf32, #tpu.memory_space<vmem_shared>>
        tpu.wait_dma2 semaphore(%run_scoped3A : memref<!tpu.dma_semaphore, #tpu.memory_space<semaphore_mem>>) src(%dma_wait3A_29 : memref<16x64xf32, #tpu.memory_space<vmem_shared>>) dst(%dma_wait3A_26 : memref<16x64xf32, #tpu.memory_space<hbm>>)
        tpu.yield
      }) : () -> ()
    } else {
    }
    return
  }
}

module attributes {stable_mosaic.version = 14 : i64} {
  func.func @_relu_split_body(%arg0: i32, %arg1: memref<2000x128xf32, #tpu.memory_space<vmem>>, %arg2: memref<2x2000x64xf32, #tpu.memory_space<vmem>>) attributes {dimension_semantics = [#tpu.dimension_semantics<arbitrary>], iteration_bounds = array<i64: 5>, scalar_prefetch = 0 : i64, scratch_operands = 0 : i64, tpu.core_type = #tpu.core_type<tc>, window_params = [{transform_indices = @transform_0, window_bounds = array<i64: 2000, 128>}, {transform_indices = @transform_1, window_bounds = array<i64: 2, 2000, 64>}]} {
    %get3A = arith.constant 0 : index
    %get3A_0 = arith.constant 0 : index
    %get3A_1 = vector.load %arg1[%get3A, %get3A_0] : memref<2000x128xf32, #tpu.memory_space<vmem>>, vector<2000x128xf32>
    %max3A = arith.constant 0.000000e+00 : f32
    %max3A_2 = vector.broadcast %max3A : f32 to vector<2000x128xf32>
    %max3A_3 = arith.maximumf %get3A_1, %max3A_2 : vector<2000x128xf32>
    %slice3A = vector.extract_strided_slice %max3A_3 {offsets = [0, 0], sizes = [2000, 64], strides = [1, 1]} : vector<2000x128xf32> to vector<2000x64xf32>
    %swap3A = arith.constant 0 : index
    %swap3A_4 = arith.constant 0 : index
    %swap3A_5 = arith.constant 0 : index
    %swap3A_6 = vector.load %arg2[%swap3A, %swap3A_4, %swap3A_5] : memref<2x2000x64xf32, #tpu.memory_space<vmem>>, vector<1x2000x64xf32>
    %swap3A_7 = vector.shape_cast %swap3A_6 : vector<1x2000x64xf32> to vector<2000x64xf32>
    %swap3A_8 = vector.shape_cast %slice3A : vector<2000x64xf32> to vector<1x2000x64xf32>
    tpu.vector_store %arg2[%swap3A, %swap3A_4, %swap3A_5], %swap3A_8 {strides = array<i32>} : memref<2x2000x64xf32, #tpu.memory_space<vmem>>, vector<1x2000x64xf32>,
    %slice3A_9 = vector.extract_strided_slice %max3A_3 {offsets = [0, 64], sizes = [2000, 64], strides = [1, 1]} : vector<2000x128xf32> to vector<2000x64xf32>
    %swap3A_10 = arith.constant 1 : index
    %swap3A_11 = arith.constant 0 : index
    %swap3A_12 = arith.constant 0 : index
    %swap3A_13 = vector.load %arg2[%swap3A_10, %swap3A_11, %swap3A_12] : memref<2x2000x64xf32, #tpu.memory_space<vmem>>, vector<1x2000x64xf32>
    %swap3A_14 = vector.shape_cast %swap3A_13 : vector<1x2000x64xf32> to vector<2000x64xf32>
    %swap3A_15 = vector.shape_cast %slice3A_9 : vector<2000x64xf32> to vector<1x2000x64xf32>
    tpu.vector_store %arg2[%swap3A_10, %swap3A_11, %swap3A_12], %swap3A_15 {strides = array<i32>} : memref<2x2000x64xf32, #tpu.memory_space<vmem>>, vector<1x2000x64xf32>,
    return
  }
  func.func @transform_0(%arg0: i32) -> (i32, i32) {
    %c0_i32 = arith.constant 0 : i32
    %c0_i32_0 = arith.constant 0 : i32
    return %arg0, %c0_i32 : i32, i32
  }
  func.func @transform_1(%arg0: i32) -> (i32, i32, i32) {
    %c0_i32 = arith.constant 0 : i32
    %c0_i32_0 = arith.constant 0 : i32
    %c0_i32_1 = arith.constant 0 : i32
    return %c0_i32, %arg0, %c0_i32_0 : i32, i32, i32
  }
}

module attributes {stable_mosaic.version = 14 : i64} {
  func.func @_combine_body(%arg0: i32, %arg1: memref<2x2000x64xf32, #tpu.memory_space<vmem>>, %arg2: memref<2x2000x16xf32, #tpu.memory_space<vmem>>, %arg3: memref<2x2000x64xf32, #tpu.memory_space<vmem>>, %arg4: memref<64x128xf32, #tpu.memory_space<vmem>>, %arg5: memref<64x128xf32, #tpu.memory_space<vmem>>, %arg6: memref<1x128xf32, #tpu.memory_space<vmem>>, %arg7: memref<64x128xf32, #tpu.memory_space<vmem>>, %arg8: memref<64x128xf32, #tpu.memory_space<vmem>>, %arg9: memref<1x128xf32, #tpu.memory_space<vmem>>, %arg10: memref<128x64xf32, #tpu.memory_space<vmem>>, %arg11: memref<128x64xf32, #tpu.memory_space<vmem>>, %arg12: memref<128x64xf32, #tpu.memory_space<vmem>>, %arg13: memref<128x64xf32, #tpu.memory_space<vmem>>, %arg14: memref<1x64xf32, #tpu.memory_space<vmem>>, %arg15: memref<1x64xf32, #tpu.memory_space<vmem>>, %arg16: memref<2x2000x64xf32, #tpu.memory_space<vmem>>) attributes {dimension_semantics = [#tpu.dimension_semantics<arbitrary>], iteration_bounds = array<i64: 5>, scalar_prefetch = 0 : i64, scratch_operands = 0 : i64, tpu.core_type = #tpu.core_type<tc>, window_params = [{transform_indices = @transform_0, window_bounds = array<i64: 2, 2000, 64>}, {transform_indices = @transform_1, window_bounds = array<i64: 2, 2000, 16>}, {transform_indices = @transform_2, window_bounds = array<i64: 2, 2000, 64>}, {pipeline_mode = #tpu.pipeline_mode<synchronous>, transform_indices = @transform_3, window_bounds = array<i64: 64, 128>}, {pipeline_mode = #tpu.pipeline_mode<synchronous>, transform_indices = @transform_4, window_bounds = array<i64: 64, 128>}, {pipeline_mode = #tpu.pipeline_mode<synchronous>, transform_indices = @transform_5, window_bounds = array<i64: 1, 128>}, {pipeline_mode = #tpu.pipeline_mode<synchronous>, transform_indices = @transform_6, window_bounds = array<i64: 64, 128>}, {pipeline_mode = #tpu.pipeline_mode<synchronous>, transform_indices = @transform_7, window_bounds = array<i64: 64, 128>}, {pipeline_mode = #tpu.pipeline_mode<synchronous>, transform_indices = @transform_8, window_bounds = array<i64: 1, 128>}, {pipeline_mode = #tpu.pipeline_mode<synchronous>, transform_indices = @transform_9, window_bounds = array<i64: 128, 64>}, {pipeline_mode = #tpu.pipeline_mode<synchronous>, transform_indices = @transform_10, window_bounds = array<i64: 128, 64>}, {pipeline_mode = #tpu.pipeline_mode<synchronous>, transform_indices = @transform_11, window_bounds = array<i64: 128, 64>}, {pipeline_mode = #tpu.pipeline_mode<synchronous>, transform_indices = @transform_12, window_bounds = array<i64: 128, 64>}, {pipeline_mode = #tpu.pipeline_mode<synchronous>, transform_indices = @transform_13, window_bounds = array<i64: 1, 64>}, {pipeline_mode = #tpu.pipeline_mode<synchronous>, transform_indices = @transform_14, window_bounds = array<i64: 1, 64>}, {transform_indices = @transform_15, window_bounds = array<i64: 2, 2000, 64>}]} {
    %get3A = arith.constant 0 : index
    %get3A_0 = arith.constant 0 : index
    %get3A_1 = arith.constant 0 : index
    %get3A_2 = vector.load %arg2[%get3A, %get3A_0, %get3A_1] : memref<2x2000x16xf32, #tpu.memory_space<vmem>>, vector<1x2000x1xf32>
    %get3A_3 = vector.shape_cast %get3A_2 : vector<1x2000x1xf32> to vector<2000xf32>
    %get3A_4 = arith.constant 1 : index
    %get3A_5 = arith.constant 0 : index
    %get3A_6 = arith.constant 0 : index
    %get3A_7 = vector.load %arg2[%get3A_4, %get3A_5, %get3A_6] : memref<2x2000x16xf32, #tpu.memory_space<vmem>>, vector<1x2000x1xf32>
    %get3A_8 = vector.shape_cast %get3A_7 : vector<1x2000x1xf32> to vector<2000xf32>
    %add3A = arith.addf %get3A_3, %get3A_8 : vector<2000xf32>
    %max3A = arith.constant 1.000000e+00 : f32
    %max3A_9 = vector.broadcast %max3A : f32 to vector<2000xf32>
    %max3A_10 = arith.maximumf %add3A, %max3A_9 : vector<2000xf32>
    %broadcast_in_dim3A = vector.shape_cast %max3A_10 : vector<2000xf32> to vector<2000x1xf32>
    %get3A_11 = arith.constant 0 : index
    %get3A_12 = arith.constant 0 : index
    %get3A_13 = arith.constant 0 : index
    %get3A_14 = vector.load %arg1[%get3A_11, %get3A_12, %get3A_13] : memref<2x2000x64xf32, #tpu.memory_space<vmem>>, vector<1x2000x64xf32>
    %get3A_15 = vector.shape_cast %get3A_14 : vector<1x2000x64xf32> to vector<2000x64xf32>
    %div3A = vector.broadcast %broadcast_in_dim3A : vector<2000x1xf32> to vector<2000x64xf32>
    %div3A_16 = arith.divf %get3A_15, %div3A : vector<2000x64xf32>
    %get3A_17 = arith.constant 1 : index
    %get3A_18 = arith.constant 0 : index
    %get3A_19 = arith.constant 0 : index
    %get3A_20 = vector.load %arg1[%get3A_17, %get3A_18, %get3A_19] : memref<2x2000x64xf32, #tpu.memory_space<vmem>>, vector<1x2000x64xf32>
    %get3A_21 = vector.shape_cast %get3A_20 : vector<1x2000x64xf32> to vector<2000x64xf32>
    %div3A_22 = vector.broadcast %broadcast_in_dim3A : vector<2000x1xf32> to vector<2000x64xf32>
    %div3A_23 = arith.divf %get3A_21, %div3A_22 : vector<2000x64xf32>
    %get3A_24 = arith.constant 0 : index
    %get3A_25 = arith.constant 0 : index
    %get3A_26 = vector.load %arg4[%get3A_24, %get3A_25] : memref<64x128xf32, #tpu.memory_space<vmem>>, vector<64x128xf32>
    %dot_general3A = arith.constant dense<0.000000e+00> : vector<2000x128xf32>
    %dot_general3A_27 = tpu.matmul %div3A_16, %get3A_26, %dot_general3A {dimension_numbers = #tpu.dot_dimension_numbers<[1], [0], [0], [1], [0, 0, 1, 1], [], []>, transpose_lhs_hint = false} : vector<2000x64xf32>, vector<64x128xf32>, vector<2000x128xf32> -> vector<2000x128xf32>
    %get3A_28 = arith.constant 0 : index
    %get3A_29 = arith.constant 0 : index
    %get3A_30 = vector.load %arg5[%get3A_28, %get3A_29] : memref<64x128xf32, #tpu.memory_space<vmem>>, vector<64x128xf32>
    %dot_general3A_31 = arith.constant dense<0.000000e+00> : vector<2000x128xf32>
    %dot_general3A_32 = tpu.matmul %div3A_23, %get3A_30, %dot_general3A_31 {dimension_numbers = #tpu.dot_dimension_numbers<[1], [0], [0], [1], [0, 0, 1, 1], [], []>, transpose_lhs_hint = false} : vector<2000x64xf32>, vector<64x128xf32>, vector<2000x128xf32> -> vector<2000x128xf32>
    %add3A_33 = arith.addf %dot_general3A_27, %dot_general3A_32 : vector<2000x128xf32>
    %get3A_34 = arith.constant 0 : index
    %get3A_35 = arith.constant 0 : index
    %get3A_36 = vector.load %arg6[%get3A_34, %get3A_35] : memref<1x128xf32, #tpu.memory_space<vmem>>, vector<1x128xf32>
    %get3A_37 = vector.shape_cast %get3A_36 : vector<1x128xf32> to vector<128xf32>
    %broadcast_in_dim3A_38 = vector.shape_cast %get3A_37 : vector<128xf32> to vector<1x128xf32>
    %add3A_39 = vector.broadcast %broadcast_in_dim3A_38 : vector<1x128xf32> to vector<2000x128xf32>
    %add3A_40 = arith.addf %add3A_33, %add3A_39 : vector<2000x128xf32>
    %get3A_41 = arith.constant 0 : index
    %get3A_42 = arith.constant 0 : index
    %get3A_43 = arith.constant 0 : index
    %get3A_44 = vector.load %arg3[%get3A_41, %get3A_42, %get3A_43] : memref<2x2000x64xf32, #tpu.memory_space<vmem>>, vector<1x2000x64xf32>
    %get3A_45 = vector.shape_cast %get3A_44 : vector<1x2000x64xf32> to vector<2000x64xf32>
    %get3A_46 = arith.constant 0 : index
    %get3A_47 = arith.constant 0 : index
    %get3A_48 = vector.load %arg7[%get3A_46, %get3A_47] : memref<64x128xf32, #tpu.memory_space<vmem>>, vector<64x128xf32>
    %dot_general3A_49 = arith.constant dense<0.000000e+00> : vector<2000x128xf32>
    %dot_general3A_50 = tpu.matmul %get3A_45, %get3A_48, %dot_general3A_49 {dimension_numbers = #tpu.dot_dimension_numbers<[1], [0], [0], [1], [0, 0, 1, 1], [], []>, transpose_lhs_hint = false} : vector<2000x64xf32>, vector<64x128xf32>, vector<2000x128xf32> -> vector<2000x128xf32>
    %get3A_51 = arith.constant 1 : index
    %get3A_52 = arith.constant 0 : index
    %get3A_53 = arith.constant 0 : index
    %get3A_54 = vector.load %arg3[%get3A_51, %get3A_52, %get3A_53] : memref<2x2000x64xf32, #tpu.memory_space<vmem>>, vector<1x2000x64xf32>
    %get3A_55 = vector.shape_cast %get3A_54 : vector<1x2000x64xf32> to vector<2000x64xf32>
    %get3A_56 = arith.constant 0 : index
    %get3A_57 = arith.constant 0 : index
    %get3A_58 = vector.load %arg8[%get3A_56, %get3A_57] : memref<64x128xf32, #tpu.memory_space<vmem>>, vector<64x128xf32>
    %dot_general3A_59 = arith.constant dense<0.000000e+00> : vector<2000x128xf32>
    %dot_general3A_60 = tpu.matmul %get3A_55, %get3A_58, %dot_general3A_59 {dimension_numbers = #tpu.dot_dimension_numbers<[1], [0], [0], [1], [0, 0, 1, 1], [], []>, transpose_lhs_hint = false} : vector<2000x64xf32>, vector<64x128xf32>, vector<2000x128xf32> -> vector<2000x128xf32>
    %add3A_61 = arith.addf %dot_general3A_50, %dot_general3A_60 : vector<2000x128xf32>
    %get3A_62 = arith.constant 0 : index
    %get3A_63 = arith.constant 0 : index
    %get3A_64 = vector.load %arg9[%get3A_62, %get3A_63] : memref<1x128xf32, #tpu.memory_space<vmem>>, vector<1x128xf32>
    %get3A_65 = vector.shape_cast %get3A_64 : vector<1x128xf32> to vector<128xf32>
    %broadcast_in_dim3A_66 = vector.shape_cast %get3A_65 : vector<128xf32> to vector<1x128xf32>
    %add3A_67 = vector.broadcast %broadcast_in_dim3A_66 : vector<1x128xf32> to vector<2000x128xf32>
    %add3A_68 = arith.addf %add3A_61, %add3A_67 : vector<2000x128xf32>
    %get3A_69 = arith.constant 0 : index
    %get3A_70 = arith.constant 0 : index
    %get3A_71 = vector.load %arg10[%get3A_69, %get3A_70] : memref<128x64xf32, #tpu.memory_space<vmem>>, vector<128x64xf32>
    %dot_general3A_72 = arith.constant dense<0.000000e+00> : vector<2000x64xf32>
    %dot_general3A_73 = tpu.matmul %add3A_40, %get3A_71, %dot_general3A_72 {dimension_numbers = #tpu.dot_dimension_numbers<[1], [0], [0], [1], [0, 0, 1, 1], [], []>, transpose_lhs_hint = false} : vector<2000x128xf32>, vector<128x64xf32>, vector<2000x64xf32> -> vector<2000x64xf32>
    %get3A_74 = arith.constant 0 : index
    %get3A_75 = arith.constant 0 : index
    %get3A_76 = vector.load %arg12[%get3A_74, %get3A_75] : memref<128x64xf32, #tpu.memory_space<vmem>>, vector<128x64xf32>
    %dot_general3A_77 = arith.constant dense<0.000000e+00> : vector<2000x64xf32>
    %dot_general3A_78 = tpu.matmul %add3A_68, %get3A_76, %dot_general3A_77 {dimension_numbers = #tpu.dot_dimension_numbers<[1], [0], [0], [1], [0, 0, 1, 1], [], []>, transpose_lhs_hint = false} : vector<2000x128xf32>, vector<128x64xf32>, vector<2000x64xf32> -> vector<2000x64xf32>
    %add3A_79 = arith.addf %dot_general3A_73, %dot_general3A_78 : vector<2000x64xf32>
    %get3A_80 = arith.constant 0 : index
    %get3A_81 = arith.constant 0 : index
    %get3A_82 = vector.load %arg14[%get3A_80, %get3A_81] : memref<1x64xf32, #tpu.memory_space<vmem>>, vector<1x64xf32>
    %get3A_83 = vector.shape_cast %get3A_82 : vector<1x64xf32> to vector<64xf32>
    %broadcast_in_dim3A_84 = vector.shape_cast %get3A_83 : vector<64xf32> to vector<1x64xf32>
    %add3A_85 = vector.broadcast %broadcast_in_dim3A_84 : vector<1x64xf32> to vector<2000x64xf32>
    %add3A_86 = arith.addf %add3A_79, %add3A_85 : vector<2000x64xf32>
    %get3A_87 = arith.constant 0 : index
    %get3A_88 = arith.constant 0 : index
    %get3A_89 = vector.load %arg11[%get3A_87, %get3A_88] : memref<128x64xf32, #tpu.memory_space<vmem>>, vector<128x64xf32>
    %dot_general3A_90 = arith.constant dense<0.000000e+00> : vector<2000x64xf32>
    %dot_general3A_91 = tpu.matmul %add3A_40, %get3A_89, %dot_general3A_90 {dimension_numbers = #tpu.dot_dimension_numbers<[1], [0], [0], [1], [0, 0, 1, 1], [], []>, transpose_lhs_hint = false} : vector<2000x128xf32>, vector<128x64xf32>, vector<2000x64xf32> -> vector<2000x64xf32>
    %get3A_92 = arith.constant 0 : index
    %get3A_93 = arith.constant 0 : index
    %get3A_94 = vector.load %arg13[%get3A_92, %get3A_93] : memref<128x64xf32, #tpu.memory_space<vmem>>, vector<128x64xf32>
    %dot_general3A_95 = arith.constant dense<0.000000e+00> : vector<2000x64xf32>
    %dot_general3A_96 = tpu.matmul %add3A_68, %get3A_94, %dot_general3A_95 {dimension_numbers = #tpu.dot_dimension_numbers<[1], [0], [0], [1], [0, 0, 1, 1], [], []>, transpose_lhs_hint = false} : vector<2000x128xf32>, vector<128x64xf32>, vector<2000x64xf32> -> vector<2000x64xf32>
    %add3A_97 = arith.addf %dot_general3A_91, %dot_general3A_96 : vector<2000x64xf32>
    %get3A_98 = arith.constant 0 : index
    %get3A_99 = arith.constant 0 : index
    %get3A_100 = vector.load %arg15[%get3A_98, %get3A_99] : memref<1x64xf32, #tpu.memory_space<vmem>>, vector<1x64xf32>
    %get3A_101 = vector.shape_cast %get3A_100 : vector<1x64xf32> to vector<64xf32>
    %broadcast_in_dim3A_102 = vector.shape_cast %get3A_101 : vector<64xf32> to vector<1x64xf32>
    %add3A_103 = vector.broadcast %broadcast_in_dim3A_102 : vector<1x64xf32> to vector<2000x64xf32>
    %add3A_104 = arith.addf %add3A_97, %add3A_103 : vector<2000x64xf32>
    %max3A_105 = arith.constant 0.000000e+00 : f32
    %max3A_106 = vector.broadcast %max3A_105 : f32 to vector<2000x64xf32>
    %max3A_107 = arith.maximumf %add3A_86, %max3A_106 : vector<2000x64xf32>
    %swap3A = arith.constant 0 : index
    %swap3A_108 = arith.constant 0 : index
    %swap3A_109 = arith.constant 0 : index
    %swap3A_110 = vector.load %arg16[%swap3A, %swap3A_108, %swap3A_109] : memref<2x2000x64xf32, #tpu.memory_space<vmem>>, vector<1x2000x64xf32>
    %swap3A_111 = vector.shape_cast %swap3A_110 : vector<1x2000x64xf32> to vector<2000x64xf32>
    %swap3A_112 = vector.shape_cast %max3A_107 : vector<2000x64xf32> to vector<1x2000x64xf32>
    tpu.vector_store %arg16[%swap3A, %swap3A_108, %swap3A_109], %swap3A_112 {strides = array<i32>} : memref<2x2000x64xf32, #tpu.memory_space<vmem>>, vector<1x2000x64xf32>,
    %max3A_113 = arith.constant 0.000000e+00 : f32
    %max3A_114 = vector.broadcast %max3A_113 : f32 to vector<2000x64xf32>
    %max3A_115 = arith.maximumf %add3A_104, %max3A_114 : vector<2000x64xf32>
    %swap3A_116 = arith.constant 1 : index
    %swap3A_117 = arith.constant 0 : index
    %swap3A_118 = arith.constant 0 : index
    %swap3A_119 = vector.load %arg16[%swap3A_116, %swap3A_117, %swap3A_118] : memref<2x2000x64xf32, #tpu.memory_space<vmem>>, vector<1x2000x64xf32>
    %swap3A_120 = vector.shape_cast %swap3A_119 : vector<1x2000x64xf32> to vector<2000x64xf32>
    %swap3A_121 = vector.shape_cast %max3A_115 : vector<2000x64xf32> to vector<1x2000x64xf32>
    tpu.vector_store %arg16[%swap3A_116, %swap3A_117, %swap3A_118], %swap3A_121 {strides = array<i32>} : memref<2x2000x64xf32, #tpu.memory_space<vmem>>, vector<1x2000x64xf32>,
    return
  }
  func.func @transform_0(%arg0: i32) -> (i32, i32, i32) {
    %c0_i32 = arith.constant 0 : i32
    %c0_i32_0 = arith.constant 0 : i32
    %c0_i32_1 = arith.constant 0 : i32
    return %c0_i32, %arg0, %c0_i32_0 : i32, i32, i32
  }
  func.func @transform_1(%arg0: i32) -> (i32, i32, i32) {
    %c0_i32 = arith.constant 0 : i32
    %c0_i32_0 = arith.constant 0 : i32
    %c0_i32_1 = arith.constant 0 : i32
    return %c0_i32, %arg0, %c0_i32_0 : i32, i32, i32
  }
  func.func @transform_2(%arg0: i32) -> (i32, i32, i32) {
    %c0_i32 = arith.constant 0 : i32
    %c0_i32_0 = arith.constant 0 : i32
    %c0_i32_1 = arith.constant 0 : i32
    return %c0_i32, %arg0, %c0_i32_0 : i32, i32, i32
  }
  func.func @transform_3(%arg0: i32) -> (i32, i32) {
    %c0_i32 = arith.constant 0 : i32
    %c0_i32_0 = arith.constant 0 : i32
    %c0_i32_1 = arith.constant 0 : i32
    return %c0_i32, %c0_i32_0 : i32, i32
  }
  func.func @transform_4(%arg0: i32) -> (i32, i32) {
    %c0_i32 = arith.constant 0 : i32
    %c0_i32_0 = arith.constant 0 : i32
    %c0_i32_1 = arith.constant 0 : i32
    return %c0_i32, %c0_i32_0 : i32, i32
  }
  func.func @transform_5(%arg0: i32) -> (i32, i32) {
    %c0_i32 = arith.constant 0 : i32
    %c0_i32_0 = arith.constant 0 : i32
    %c0_i32_1 = arith.constant 0 : i32
    return %c0_i32, %c0_i32_0 : i32, i32
  }
  func.func @transform_6(%arg0: i32) -> (i32, i32) {
    %c0_i32 = arith.constant 0 : i32
    %c0_i32_0 = arith.constant 0 : i32
    %c0_i32_1 = arith.constant 0 : i32
    return %c0_i32, %c0_i32_0 : i32, i32
  }
  func.func @transform_7(%arg0: i32) -> (i32, i32) {
    %c0_i32 = arith.constant 0 : i32
    %c0_i32_0 = arith.constant 0 : i32
    %c0_i32_1 = arith.constant 0 : i32
    return %c0_i32, %c0_i32_0 : i32, i32
  }
  func.func @transform_8(%arg0: i32) -> (i32, i32) {
    %c0_i32 = arith.constant 0 : i32
    %c0_i32_0 = arith.constant 0 : i32
    %c0_i32_1 = arith.constant 0 : i32
    return %c0_i32, %c0_i32_0 : i32, i32
  }
  func.func @transform_9(%arg0: i32) -> (i32, i32) {
    %c0_i32 = arith.constant 0 : i32
    %c0_i32_0 = arith.constant 0 : i32
    %c0_i32_1 = arith.constant 0 : i32
    return %c0_i32, %c0_i32_0 : i32, i32
  }
  func.func @transform_10(%arg0: i32) -> (i32, i32) {
    %c0_i32 = arith.constant 0 : i32
    %c0_i32_0 = arith.constant 0 : i32
    %c0_i32_1 = arith.constant 0 : i32
    return %c0_i32, %c0_i32_0 : i32, i32
  }
  func.func @transform_11(%arg0: i32) -> (i32, i32) {
    %c0_i32 = arith.constant 0 : i32
    %c0_i32_0 = arith.constant 0 : i32
    %c0_i32_1 = arith.constant 0 : i32
    return %c0_i32, %c0_i32_0 : i32, i32
  }
  func.func @transform_12(%arg0: i32) -> (i32, i32) {
    %c0_i32 = arith.constant 0 : i32
    %c0_i32_0 = arith.constant 0 : i32
    %c0_i32_1 = arith.constant 0 : i32
    return %c0_i32, %c0_i32_0 : i32, i32
  }
  func.func @transform_13(%arg0: i32) -> (i32, i32) {
    %c0_i32 = arith.constant 0 : i32
    %c0_i32_0 = arith.constant 0 : i32
    %c0_i32_1 = arith.constant 0 : i32
    return %c0_i32, %c0_i32_0 : i32, i32
  }
  func.func @transform_14(%arg0: i32) -> (i32, i32) {
    %c0_i32 = arith.constant 0 : i32
    %c0_i32_0 = arith.constant 0 : i32
    %c0_i32_1 = arith.constant 0 : i32
    return %c0_i32, %c0_i32_0 : i32, i32
  }
  func.func @transform_15(%arg0: i32) -> (i32, i32, i32) {
    %c0_i32 = arith.constant 0 : i32
    %c0_i32_0 = arith.constant 0 : i32
    %c0_i32_1 = arith.constant 0 : i32
    return %c0_i32, %arg0, %c0_i32_0 : i32, i32, i32
  }
}

module attributes {stable_mosaic.version = 14 : i64} {
  func.func @_combine_body(%arg0: i32, %arg1: memref<2x2000x64xf32, #tpu.memory_space<vmem>>, %arg2: memref<2x2000x16xf32, #tpu.memory_space<vmem>>, %arg3: memref<2x2000x64xf32, #tpu.memory_space<vmem>>, %arg4: memref<64x128xf32, #tpu.memory_space<vmem>>, %arg5: memref<64x128xf32, #tpu.memory_space<vmem>>, %arg6: memref<1x128xf32, #tpu.memory_space<vmem>>, %arg7: memref<64x128xf32, #tpu.memory_space<vmem>>, %arg8: memref<64x128xf32, #tpu.memory_space<vmem>>, %arg9: memref<1x128xf32, #tpu.memory_space<vmem>>, %arg10: memref<128x64xf32, #tpu.memory_space<vmem>>, %arg11: memref<128x64xf32, #tpu.memory_space<vmem>>, %arg12: memref<128x64xf32, #tpu.memory_space<vmem>>, %arg13: memref<128x64xf32, #tpu.memory_space<vmem>>, %arg14: memref<1x64xf32, #tpu.memory_space<vmem>>, %arg15: memref<1x64xf32, #tpu.memory_space<vmem>>, %arg16: memref<2000x128xf32, #tpu.memory_space<vmem>>) attributes {dimension_semantics = [#tpu.dimension_semantics<arbitrary>], iteration_bounds = array<i64: 5>, scalar_prefetch = 0 : i64, scratch_operands = 0 : i64, tpu.core_type = #tpu.core_type<tc>, window_params = [{transform_indices = @transform_0, window_bounds = array<i64: 2, 2000, 64>}, {transform_indices = @transform_1, window_bounds = array<i64: 2, 2000, 16>}, {transform_indices = @transform_2, window_bounds = array<i64: 2, 2000, 64>}, {pipeline_mode = #tpu.pipeline_mode<synchronous>, transform_indices = @transform_3, window_bounds = array<i64: 64, 128>}, {pipeline_mode = #tpu.pipeline_mode<synchronous>, transform_indices = @transform_4, window_bounds = array<i64: 64, 128>}, {pipeline_mode = #tpu.pipeline_mode<synchronous>, transform_indices = @transform_5, window_bounds = array<i64: 1, 128>}, {pipeline_mode = #tpu.pipeline_mode<synchronous>, transform_indices = @transform_6, window_bounds = array<i64: 64, 128>}, {pipeline_mode = #tpu.pipeline_mode<synchronous>, transform_indices = @transform_7, window_bounds = array<i64: 64, 128>}, {pipeline_mode = #tpu.pipeline_mode<synchronous>, transform_indices = @transform_8, window_bounds = array<i64: 1, 128>}, {pipeline_mode = #tpu.pipeline_mode<synchronous>, transform_indices = @transform_9, window_bounds = array<i64: 128, 64>}, {pipeline_mode = #tpu.pipeline_mode<synchronous>, transform_indices = @transform_10, window_bounds = array<i64: 128, 64>}, {pipeline_mode = #tpu.pipeline_mode<synchronous>, transform_indices = @transform_11, window_bounds = array<i64: 128, 64>}, {pipeline_mode = #tpu.pipeline_mode<synchronous>, transform_indices = @transform_12, window_bounds = array<i64: 128, 64>}, {pipeline_mode = #tpu.pipeline_mode<synchronous>, transform_indices = @transform_13, window_bounds = array<i64: 1, 64>}, {pipeline_mode = #tpu.pipeline_mode<synchronous>, transform_indices = @transform_14, window_bounds = array<i64: 1, 64>}, {transform_indices = @transform_15, window_bounds = array<i64: 2000, 128>}]} {
    %get3A = arith.constant 0 : index
    %get3A_0 = arith.constant 0 : index
    %get3A_1 = arith.constant 0 : index
    %get3A_2 = vector.load %arg2[%get3A, %get3A_0, %get3A_1] : memref<2x2000x16xf32, #tpu.memory_space<vmem>>, vector<1x2000x1xf32>
    %get3A_3 = vector.shape_cast %get3A_2 : vector<1x2000x1xf32> to vector<2000xf32>
    %get3A_4 = arith.constant 1 : index
    %get3A_5 = arith.constant 0 : index
    %get3A_6 = arith.constant 0 : index
    %get3A_7 = vector.load %arg2[%get3A_4, %get3A_5, %get3A_6] : memref<2x2000x16xf32, #tpu.memory_space<vmem>>, vector<1x2000x1xf32>
    %get3A_8 = vector.shape_cast %get3A_7 : vector<1x2000x1xf32> to vector<2000xf32>
    %add3A = arith.addf %get3A_3, %get3A_8 : vector<2000xf32>
    %max3A = arith.constant 1.000000e+00 : f32
    %max3A_9 = vector.broadcast %max3A : f32 to vector<2000xf32>
    %max3A_10 = arith.maximumf %add3A, %max3A_9 : vector<2000xf32>
    %broadcast_in_dim3A = vector.shape_cast %max3A_10 : vector<2000xf32> to vector<2000x1xf32>
    %get3A_11 = arith.constant 0 : index
    %get3A_12 = arith.constant 0 : index
    %get3A_13 = arith.constant 0 : index
    %get3A_14 = vector.load %arg1[%get3A_11, %get3A_12, %get3A_13] : memref<2x2000x64xf32, #tpu.memory_space<vmem>>, vector<1x2000x64xf32>
    %get3A_15 = vector.shape_cast %get3A_14 : vector<1x2000x64xf32> to vector<2000x64xf32>
    %div3A = vector.broadcast %broadcast_in_dim3A : vector<2000x1xf32> to vector<2000x64xf32>
    %div3A_16 = arith.divf %get3A_15, %div3A : vector<2000x64xf32>
    %get3A_17 = arith.constant 1 : index
    %get3A_18 = arith.constant 0 : index
    %get3A_19 = arith.constant 0 : index
    %get3A_20 = vector.load %arg1[%get3A_17, %get3A_18, %get3A_19] : memref<2x2000x64xf32, #tpu.memory_space<vmem>>, vector<1x2000x64xf32>
    %get3A_21 = vector.shape_cast %get3A_20 : vector<1x2000x64xf32> to vector<2000x64xf32>
    %div3A_22 = vector.broadcast %broadcast_in_dim3A : vector<2000x1xf32> to vector<2000x64xf32>
    %div3A_23 = arith.divf %get3A_21, %div3A_22 : vector<2000x64xf32>
    %get3A_24 = arith.constant 0 : index
    %get3A_25 = arith.constant 0 : index
    %get3A_26 = vector.load %arg4[%get3A_24, %get3A_25] : memref<64x128xf32, #tpu.memory_space<vmem>>, vector<64x128xf32>
    %dot_general3A = arith.constant dense<0.000000e+00> : vector<2000x128xf32>
    %dot_general3A_27 = tpu.matmul %div3A_16, %get3A_26, %dot_general3A {dimension_numbers = #tpu.dot_dimension_numbers<[1], [0], [0], [1], [0, 0, 1, 1], [], []>, transpose_lhs_hint = false} : vector<2000x64xf32>, vector<64x128xf32>, vector<2000x128xf32> -> vector<2000x128xf32>
    %get3A_28 = arith.constant 0 : index
    %get3A_29 = arith.constant 0 : index
    %get3A_30 = vector.load %arg5[%get3A_28, %get3A_29] : memref<64x128xf32, #tpu.memory_space<vmem>>, vector<64x128xf32>
    %dot_general3A_31 = arith.constant dense<0.000000e+00> : vector<2000x128xf32>
    %dot_general3A_32 = tpu.matmul %div3A_23, %get3A_30, %dot_general3A_31 {dimension_numbers = #tpu.dot_dimension_numbers<[1], [0], [0], [1], [0, 0, 1, 1], [], []>, transpose_lhs_hint = false} : vector<2000x64xf32>, vector<64x128xf32>, vector<2000x128xf32> -> vector<2000x128xf32>
    %add3A_33 = arith.addf %dot_general3A_27, %dot_general3A_32 : vector<2000x128xf32>
    %get3A_34 = arith.constant 0 : index
    %get3A_35 = arith.constant 0 : index
    %get3A_36 = vector.load %arg6[%get3A_34, %get3A_35] : memref<1x128xf32, #tpu.memory_space<vmem>>, vector<1x128xf32>
    %get3A_37 = vector.shape_cast %get3A_36 : vector<1x128xf32> to vector<128xf32>
    %broadcast_in_dim3A_38 = vector.shape_cast %get3A_37 : vector<128xf32> to vector<1x128xf32>
    %add3A_39 = vector.broadcast %broadcast_in_dim3A_38 : vector<1x128xf32> to vector<2000x128xf32>
    %add3A_40 = arith.addf %add3A_33, %add3A_39 : vector<2000x128xf32>
    %get3A_41 = arith.constant 0 : index
    %get3A_42 = arith.constant 0 : index
    %get3A_43 = arith.constant 0 : index
    %get3A_44 = vector.load %arg3[%get3A_41, %get3A_42, %get3A_43] : memref<2x2000x64xf32, #tpu.memory_space<vmem>>, vector<1x2000x64xf32>
    %get3A_45 = vector.shape_cast %get3A_44 : vector<1x2000x64xf32> to vector<2000x64xf32>
    %get3A_46 = arith.constant 0 : index
    %get3A_47 = arith.constant 0 : index
    %get3A_48 = vector.load %arg7[%get3A_46, %get3A_47] : memref<64x128xf32, #tpu.memory_space<vmem>>, vector<64x128xf32>
    %dot_general3A_49 = arith.constant dense<0.000000e+00> : vector<2000x128xf32>
    %dot_general3A_50 = tpu.matmul %get3A_45, %get3A_48, %dot_general3A_49 {dimension_numbers = #tpu.dot_dimension_numbers<[1], [0], [0], [1], [0, 0, 1, 1], [], []>, transpose_lhs_hint = false} : vector<2000x64xf32>, vector<64x128xf32>, vector<2000x128xf32> -> vector<2000x128xf32>
    %get3A_51 = arith.constant 1 : index
    %get3A_52 = arith.constant 0 : index
    %get3A_53 = arith.constant 0 : index
    %get3A_54 = vector.load %arg3[%get3A_51, %get3A_52, %get3A_53] : memref<2x2000x64xf32, #tpu.memory_space<vmem>>, vector<1x2000x64xf32>
    %get3A_55 = vector.shape_cast %get3A_54 : vector<1x2000x64xf32> to vector<2000x64xf32>
    %get3A_56 = arith.constant 0 : index
    %get3A_57 = arith.constant 0 : index
    %get3A_58 = vector.load %arg8[%get3A_56, %get3A_57] : memref<64x128xf32, #tpu.memory_space<vmem>>, vector<64x128xf32>
    %dot_general3A_59 = arith.constant dense<0.000000e+00> : vector<2000x128xf32>
    %dot_general3A_60 = tpu.matmul %get3A_55, %get3A_58, %dot_general3A_59 {dimension_numbers = #tpu.dot_dimension_numbers<[1], [0], [0], [1], [0, 0, 1, 1], [], []>, transpose_lhs_hint = false} : vector<2000x64xf32>, vector<64x128xf32>, vector<2000x128xf32> -> vector<2000x128xf32>
    %add3A_61 = arith.addf %dot_general3A_50, %dot_general3A_60 : vector<2000x128xf32>
    %get3A_62 = arith.constant 0 : index
    %get3A_63 = arith.constant 0 : index
    %get3A_64 = vector.load %arg9[%get3A_62, %get3A_63] : memref<1x128xf32, #tpu.memory_space<vmem>>, vector<1x128xf32>
    %get3A_65 = vector.shape_cast %get3A_64 : vector<1x128xf32> to vector<128xf32>
    %broadcast_in_dim3A_66 = vector.shape_cast %get3A_65 : vector<128xf32> to vector<1x128xf32>
    %add3A_67 = vector.broadcast %broadcast_in_dim3A_66 : vector<1x128xf32> to vector<2000x128xf32>
    %add3A_68 = arith.addf %add3A_61, %add3A_67 : vector<2000x128xf32>
    %get3A_69 = arith.constant 0 : index
    %get3A_70 = arith.constant 0 : index
    %get3A_71 = vector.load %arg10[%get3A_69, %get3A_70] : memref<128x64xf32, #tpu.memory_space<vmem>>, vector<128x64xf32>
    %dot_general3A_72 = arith.constant dense<0.000000e+00> : vector<2000x64xf32>
    %dot_general3A_73 = tpu.matmul %add3A_40, %get3A_71, %dot_general3A_72 {dimension_numbers = #tpu.dot_dimension_numbers<[1], [0], [0], [1], [0, 0, 1, 1], [], []>, transpose_lhs_hint = false} : vector<2000x128xf32>, vector<128x64xf32>, vector<2000x64xf32> -> vector<2000x64xf32>
    %get3A_74 = arith.constant 0 : index
    %get3A_75 = arith.constant 0 : index
    %get3A_76 = vector.load %arg12[%get3A_74, %get3A_75] : memref<128x64xf32, #tpu.memory_space<vmem>>, vector<128x64xf32>
    %dot_general3A_77 = arith.constant dense<0.000000e+00> : vector<2000x64xf32>
    %dot_general3A_78 = tpu.matmul %add3A_68, %get3A_76, %dot_general3A_77 {dimension_numbers = #tpu.dot_dimension_numbers<[1], [0], [0], [1], [0, 0, 1, 1], [], []>, transpose_lhs_hint = false} : vector<2000x128xf32>, vector<128x64xf32>, vector<2000x64xf32> -> vector<2000x64xf32>
    %add3A_79 = arith.addf %dot_general3A_73, %dot_general3A_78 : vector<2000x64xf32>
    %get3A_80 = arith.constant 0 : index
    %get3A_81 = arith.constant 0 : index
    %get3A_82 = vector.load %arg14[%get3A_80, %get3A_81] : memref<1x64xf32, #tpu.memory_space<vmem>>, vector<1x64xf32>
    %get3A_83 = vector.shape_cast %get3A_82 : vector<1x64xf32> to vector<64xf32>
    %broadcast_in_dim3A_84 = vector.shape_cast %get3A_83 : vector<64xf32> to vector<1x64xf32>
    %add3A_85 = vector.broadcast %broadcast_in_dim3A_84 : vector<1x64xf32> to vector<2000x64xf32>
    %add3A_86 = arith.addf %add3A_79, %add3A_85 : vector<2000x64xf32>
    %get3A_87 = arith.constant 0 : index
    %get3A_88 = arith.constant 0 : index
    %get3A_89 = vector.load %arg11[%get3A_87, %get3A_88] : memref<128x64xf32, #tpu.memory_space<vmem>>, vector<128x64xf32>
    %dot_general3A_90 = arith.constant dense<0.000000e+00> : vector<2000x64xf32>
    %dot_general3A_91 = tpu.matmul %add3A_40, %get3A_89, %dot_general3A_90 {dimension_numbers = #tpu.dot_dimension_numbers<[1], [0], [0], [1], [0, 0, 1, 1], [], []>, transpose_lhs_hint = false} : vector<2000x128xf32>, vector<128x64xf32>, vector<2000x64xf32> -> vector<2000x64xf32>
    %get3A_92 = arith.constant 0 : index
    %get3A_93 = arith.constant 0 : index
    %get3A_94 = vector.load %arg13[%get3A_92, %get3A_93] : memref<128x64xf32, #tpu.memory_space<vmem>>, vector<128x64xf32>
    %dot_general3A_95 = arith.constant dense<0.000000e+00> : vector<2000x64xf32>
    %dot_general3A_96 = tpu.matmul %add3A_68, %get3A_94, %dot_general3A_95 {dimension_numbers = #tpu.dot_dimension_numbers<[1], [0], [0], [1], [0, 0, 1, 1], [], []>, transpose_lhs_hint = false} : vector<2000x128xf32>, vector<128x64xf32>, vector<2000x64xf32> -> vector<2000x64xf32>
    %add3A_97 = arith.addf %dot_general3A_91, %dot_general3A_96 : vector<2000x64xf32>
    %get3A_98 = arith.constant 0 : index
    %get3A_99 = arith.constant 0 : index
    %get3A_100 = vector.load %arg15[%get3A_98, %get3A_99] : memref<1x64xf32, #tpu.memory_space<vmem>>, vector<1x64xf32>
    %get3A_101 = vector.shape_cast %get3A_100 : vector<1x64xf32> to vector<64xf32>
    %broadcast_in_dim3A_102 = vector.shape_cast %get3A_101 : vector<64xf32> to vector<1x64xf32>
    %add3A_103 = vector.broadcast %broadcast_in_dim3A_102 : vector<1x64xf32> to vector<2000x64xf32>
    %add3A_104 = arith.addf %add3A_97, %add3A_103 : vector<2000x64xf32>
    %concatenate3A = tpu.concatenate %add3A_86, %add3A_104 in 1 : vector<2000x64xf32>, vector<2000x64xf32> -> vector<2000x128xf32>
    %swap3A = arith.constant 0 : index
    %swap3A_105 = arith.constant 0 : index
    %swap3A_106 = vector.load %arg16[%swap3A, %swap3A_105] : memref<2000x128xf32, #tpu.memory_space<vmem>>, vector<2000x128xf32>
    tpu.vector_store %arg16[%swap3A, %swap3A_105], %concatenate3A {strides = array<i32>} : memref<2000x128xf32, #tpu.memory_space<vmem>>, vector<2000x128xf32>,
    return
  }
  func.func @transform_0(%arg0: i32) -> (i32, i32, i32) {
    %c0_i32 = arith.constant 0 : i32
    %c0_i32_0 = arith.constant 0 : i32
    %c0_i32_1 = arith.constant 0 : i32
    return %c0_i32, %arg0, %c0_i32_0 : i32, i32, i32
  }
  func.func @transform_1(%arg0: i32) -> (i32, i32, i32) {
    %c0_i32 = arith.constant 0 : i32
    %c0_i32_0 = arith.constant 0 : i32
    %c0_i32_1 = arith.constant 0 : i32
    return %c0_i32, %arg0, %c0_i32_0 : i32, i32, i32
  }
  func.func @transform_2(%arg0: i32) -> (i32, i32, i32) {
    %c0_i32 = arith.constant 0 : i32
    %c0_i32_0 = arith.constant 0 : i32
    %c0_i32_1 = arith.constant 0 : i32
    return %c0_i32, %arg0, %c0_i32_0 : i32, i32, i32
  }
  func.func @transform_3(%arg0: i32) -> (i32, i32) {
    %c0_i32 = arith.constant 0 : i32
    %c0_i32_0 = arith.constant 0 : i32
    %c0_i32_1 = arith.constant 0 : i32
    return %c0_i32, %c0_i32_0 : i32, i32
  }
  func.func @transform_4(%arg0: i32) -> (i32, i32) {
    %c0_i32 = arith.constant 0 : i32
    %c0_i32_0 = arith.constant 0 : i32
    %c0_i32_1 = arith.constant 0 : i32
    return %c0_i32, %c0_i32_0 : i32, i32
  }
  func.func @transform_5(%arg0: i32) -> (i32, i32) {
    %c0_i32 = arith.constant 0 : i32
    %c0_i32_0 = arith.constant 0 : i32
    %c0_i32_1 = arith.constant 0 : i32
    return %c0_i32, %c0_i32_0 : i32, i32
  }
  func.func @transform_6(%arg0: i32) -> (i32, i32) {
    %c0_i32 = arith.constant 0 : i32
    %c0_i32_0 = arith.constant 0 : i32
    %c0_i32_1 = arith.constant 0 : i32
    return %c0_i32, %c0_i32_0 : i32, i32
  }
  func.func @transform_7(%arg0: i32) -> (i32, i32) {
    %c0_i32 = arith.constant 0 : i32
    %c0_i32_0 = arith.constant 0 : i32
    %c0_i32_1 = arith.constant 0 : i32
    return %c0_i32, %c0_i32_0 : i32, i32
  }
  func.func @transform_8(%arg0: i32) -> (i32, i32) {
    %c0_i32 = arith.constant 0 : i32
    %c0_i32_0 = arith.constant 0 : i32
    %c0_i32_1 = arith.constant 0 : i32
    return %c0_i32, %c0_i32_0 : i32, i32
  }
  func.func @transform_9(%arg0: i32) -> (i32, i32) {
    %c0_i32 = arith.constant 0 : i32
    %c0_i32_0 = arith.constant 0 : i32
    %c0_i32_1 = arith.constant 0 : i32
    return %c0_i32, %c0_i32_0 : i32, i32
  }
  func.func @transform_10(%arg0: i32) -> (i32, i32) {
    %c0_i32 = arith.constant 0 : i32
    %c0_i32_0 = arith.constant 0 : i32
    %c0_i32_1 = arith.constant 0 : i32
    return %c0_i32, %c0_i32_0 : i32, i32
  }
  func.func @transform_11(%arg0: i32) -> (i32, i32) {
    %c0_i32 = arith.constant 0 : i32
    %c0_i32_0 = arith.constant 0 : i32
    %c0_i32_1 = arith.constant 0 : i32
    return %c0_i32, %c0_i32_0 : i32, i32
  }
  func.func @transform_12(%arg0: i32) -> (i32, i32) {
    %c0_i32 = arith.constant 0 : i32
    %c0_i32_0 = arith.constant 0 : i32
    %c0_i32_1 = arith.constant 0 : i32
    return %c0_i32, %c0_i32_0 : i32, i32
  }
  func.func @transform_13(%arg0: i32) -> (i32, i32) {
    %c0_i32 = arith.constant 0 : i32
    %c0_i32_0 = arith.constant 0 : i32
    %c0_i32_1 = arith.constant 0 : i32
    return %c0_i32, %c0_i32_0 : i32, i32
  }
  func.func @transform_14(%arg0: i32) -> (i32, i32) {
    %c0_i32 = arith.constant 0 : i32
    %c0_i32_0 = arith.constant 0 : i32
    %c0_i32_1 = arith.constant 0 : i32
    return %c0_i32, %c0_i32_0 : i32, i32
  }
  func.func @transform_15(%arg0: i32) -> (i32, i32) {
    %c0_i32 = arith.constant 0 : i32
    %c0_i32_0 = arith.constant 0 : i32
    return %arg0, %c0_i32 : i32, i32
  }
}

</mosaic_0001>

<sc_bundles>
// kernel: kernel.10.cloned.1.call-start
scs
__scs_entry_jumppad:
0x0: {  	(pc) =	sbr.rel $0x88, $3  }
0x1: {  	(tag) =	ssettag $0x0;
	lr =	simm.s32 $0x1  }
0x2: {  	[smem:$0x3F93] =	sst lr;
	_ =	strace $0xD0000000  }
0x3: {  	_ = 	snop  }
0x4: {  	_ = 	snop  }
0x5: {  	_ = 	snop  }
0x6: {  	_ = 	snop  }
0x7: {  	_ = 	snop  }
__scs_overlays_trampoline_lowered:
0x8: {  	[smem:$0x3FA2] =	sst s0  }
0x9: {  	[smem:$0x3FA3] =	sst s1  }
0xa: {  	[smem:$0x3FA4] =	sst s2  }
0xb: {  	[smem:$0x3FA5] =	sst s3  }
0xc: {  	[smem:$0x3FA6] =	sst s4  }
0xd: {  	[smem:$0x3FA7] =	sst s5  }
0xe: {  	[smem:$0x3FA8] =	sst s6  }
0xf: {  	[smem:$0x3FA9] =	sst s7  }
0x10: {  	[smem:$0x3FAA] =	sst s8  }
0x11: {  	[smem:$0x3FAB] =	sst s9;
	s0 =	simm.s32 @!p0 $0x0  }
0x12: {  	s1 =	sld [smem:$0x3F91];
	s0 =	simm.s32 @p0 $0x1  }
0x13: {  	[smem:$0x3FAC] =	sst s0;
	s0 =	simm.s32 @!p1 $0x0  }
0x14: {  	s2 =	sld [smem:$0x3F90];
	s0 =	simm.s32 @p1 $0x1  }
0x15: {  	[smem:$0x3FAD] =	sst s0;
	s0 =	simm.s32 @!p2 $0x0  }
0x16: {  	s3 =	sld [smem:$0x3FDB];
	s0 =	simm.s32 @p2 $0x1  }
0x17: {  	s4 =	simm.s32 $0x1BF5;
	[smem:$0x3FAF] =	sst s0  }
0x18: {  	s0 =	sld [smem:$0x3F92];
	_ =	swait.ge [sflag:s4], $0x0  }
0x19: {  	s7 =	sld [smem:$0x3F93]  }
0x1a: {  	s8 =	sadd.s32 $0xFFFFE003, lr  }
0x1b: {  	s9 =	sadd.s32 $0xFFFFFEF7, lr;
	s5 =	simm.s32 $0xFFFFFFFF;
	p2 =	slt.u32 s8, $0xFFFFF086  }
0x1c: {  	p1 =	slt.u32 s9, $0xF7A;
	s5 =	simm.s32 @!p2 $0x0  }
0x1d: {  	s5 =	simm.s32 @p1 $0x1;
	p0 =	seq.s32 s7, s2  }
0x1e: {  	s7 =	smul.u32 @!p0 $0xF7A, s2;
	p2 =	seq.s32 @!p0 s5, $0x0  }
0x1f: {  	s9 =	smul.u32 $0xF7A, s1;
	s8 =	simm.s32 @!p0 $0x1BF5;
	p2 =	por !p2, p0  }
0x20: {  	[sflag:s8] =	ssyncset.s32 @!p0 $0xFFFFF086;
	s6 =	sadd.s32 @!p0 s3, s7;
	s7 =	simm.s32 @!p0 $0x108  }
0x21: {  	s3 =	sadd.s32 s3, s9;
	s6 =	sadd.s32 @!p0 $0x88, s6;
	s7 =	simm.s32 @p2 $0x1082  }
0x22: {  	[simem:s7], [sflag:s8] =	dma.local @!p0 [hbm:s6], $0xF7A  }
0x23: {  	s9 =	sor.u32 $0xD0000000, s2;
	s6 =	simm.s32 $0x108;
	_ =	swait.ge @!p0 [sflag:s8], $0x0  }
0x24: {  	s3 =	sadd.s32 $0x88, s3;
	s6 =	simm.s32 @!p1 $0x1082;
	[sflag:s4] =	ssyncset.s32 $0xFFFFF086  }
0x25: {  	[simem:s6], [sflag:s4] =	dma.local [hbm:s3], $0xF7A  }
0x26: {  	[smem:$0x3F93] =	sst s1;
	(tag) =	ssettag s2;
	_ =	strace s9  }
0x27: {  	s1 =	sld [smem:$0x3FA3]  }
0x28: {  	s2 =	sld [smem:$0x3FA4]  }
0x29: {  	s4 =	sld [smem:$0x3FA6]  }
0x2a: {  	p0 =	seq.s32 s5, $0x0;
	s5 =	sld [smem:$0x3FA7]  }
0x2b: {  	s6 =	sld [smem:$0x3FA8]  }
0x2c: {  	s7 =	sld [smem:$0x3FA9]  }
0x2d: {  	s3 =	simm.s32 $0x108;
	s8 =	sld [smem:$0x3FAA]  }
0x2e: {  	s3 =	simm.s32 @!p0 $0x1082;
	s9 =	sld [smem:$0x3FAB]  }
0x2f: {  	lr =	sadd.s32 s0, s3;
	s0 =	sld [smem:$0x3FA2]  }
0x30: {  	s3 =	sld [smem:$0x3FA5]  }
0x31: {  	[smem:$0x3FAE] =	sst s10  }
0x32: {  	s10 =	sld [smem:$0x3FAC];
	_ =	sdelay $0x3  }
0x33: {  	p0 =	seq.s32 s10, $0x1;
	s10 =	sld [smem:$0x3FAE];
	_ =	sdelay $0x3  }
0x34: {  	[smem:$0x3FAE] =	sst s10  }
0x35: {  	s10 =	sld [smem:$0x3FAD];
	_ =	sdelay $0x3  }
0x36: {  	p1 =	seq.s32 s10, $0x1;
	s10 =	sld [smem:$0x3FAE];
	_ =	sdelay $0x3  }
0x37: {  	[smem:$0x3FAE] =	sst s10  }
0x38: {  	s10 =	sld [smem:$0x3FAF]  }
0x39: {  	_ = 	snop;
	(pc) =	sbr.ind lr, $3  }
0x3a: {  	_ = 	snop  }
0x3b: {  	_ = 	snop  }
0x3c: {  	p2 =	seq.s32 s10, $0x1;
	s10 =	sld [smem:$0x3FAE]  }
0x3d: {  	_ =	shalt  }
0x3e: {  	_ =	shalt  }
0x3f: {  	_ =	shalt  }
0x40: {  	_ =	shalt  }
0x41: {  	_ =	shalt  }
0x42: {  	_ =	shalt  }
0x43: {  	_ =	shalt  }
0x44: {  	_ =	shalt  }
0x45: {  	_ =	shalt  }
0x46: {  	_ =	shalt  }
0x47: {  	_ =	shalt  }
0x48: {  	_ =	shalt  }
0x49: {  	_ =	shalt  }
0x4a: {  	_ =	shalt  }
0x4b: {  	_ =	shalt  }
0x4c: {  	_ =	shalt  }
0x4d: {  	_ =	shalt  }
0x4e: {  	_ =	shalt  }
0x4f: {  	_ =	shalt  }
0x50: {  	_ =	shalt  }
0x51: {  	_ =	shalt  }
0x52: {  	_ =	shalt  }
0x53: {  	_ =	shalt  }
0x54: {  	_ =	shalt  }
0x55: {  	_ =	shalt  }
0x56: {  	_ =	shalt  }
0x57: {  	_ =	shalt  }
0x58: {  	_ =	shalt  }
0x59: {  	_ =	shalt  }
0x5a: {  	_ =	shalt  }
0x5b: {  	_ =	shalt  }
0x5c: {  	_ =	shalt  }
0x5d: {  	_ =	shalt  }
0x5e: {  	_ =	shalt  }
0x5f: {  	_ =	shalt  }
0x60: {  	_ =	shalt  }
0x61: {  	_ =	shalt  }
0x62: {  	_ =	shalt  }
0x63: {  	_ =	shalt  }
0x64: {  	_ =	shalt  }
0x65: {  	_ =	shalt  }
0x66: {  	_ =	shalt  }
0x67: {  	_ =	shalt  }
0x68: {  	_ =	shalt  }
0x69: {  	_ =	shalt  }
0x6a: {  	_ =	shalt  }
0x6b: {  	_ =	shalt  }
0x6c: {  	_ =	shalt  }
0x6d: {  	_ =	shalt  }
0x6e: {  	_ =	shalt  }
0x6f: {  	_ =	shalt  }
0x70: {  	_ =	shalt  }
0x71: {  	_ =	shalt  }
0x72: {  	_ =	shalt  }
0x73: {  	_ =	shalt  }
0x74: {  	_ =	shalt  }
0x75: {  	_ =	shalt  }
0x76: {  	_ =	shalt  }
0x77: {  	_ =	shalt  }
0x78: {  	_ =	shalt  }
0x79: {  	_ =	shalt  }
0x7a: {  	_ =	shalt  }
0x7b: {  	_ =	shalt  }
0x7c: {  	_ =	shalt  }
0x7d: {  	_ =	shalt  }
0x7e: {  	_ =	shalt  }
0x7f: {  	_ =	shalt  }
0x80: {  	_ =	shalt  }
0x81: {  	_ =	shalt  }
0x82: {  	_ =	shalt  }
0x83: {  	_ =	shalt  }
0x84: {  	_ =	shalt  }
0x85: {  	_ =	shalt  }
0x86: {  	_ =	shalt  }
0x87: {  	_ =	shalt  }
.Lfunc_end0:
.L_simem_size_0:
called_computation.1_lowered:
.L_overlay_start_0:
0x88: {  	s2 =	sld [smem:$0x3FD9]  }
0x89: {  	s3 =	sld [smem:$0x3FFE];
	_ =	sdelay $0x1  }
0x8a: {  	s1 =	srdreg.scid  }
0x8b: {  	s0 =	sand.u32 $0x1, s1  }
0x8c: {  	s17 =	sshll.u32 s0, $0xA;
	s2 =	sadd.s32 s3, s2  }
0x8d: {  	s2 =	sadd.s32 s2, s17  }
0x8e: {  	[smem:$0x3FBA] =	sst s2  }
0x8f: {  	_ = 	snop  }
0x90: {  	s2 =	sld [smem:$0x3FD0];
	(tm) =	ssettm $0x1  }
0x91: {  	s18 =	sld [smem:$0x3FFB];
	_ =	sdelay $0x3  }
0x92: {  	_ =	strace s18  }
0x93: {  	s3 =	sld [smem:$0x3FFC];
	_ =	sdelay $0x3  }
0x94: {  	_ =	strace s3  }
0x95: {  	s3 =	sld [smem:$0x3FFD];
	_ =	sdelay $0x3  }
0x96: {  	_ =	strace s3  }
0x97: {  	_ =	strace $0x8FFFFFFF  }
0x98: {  	s19 =	sld [smem:$0x3FDB];
	_ =	sdelay $0x1  }
0x99: {  	s4 =	simm.s32 $_scs_section_size  }
0x9a: {  	s5 =	simm.s32 $_size__tile_overlayer_lowered;
	s6 =	simm.s32 $_tile_overlayer_lowered  }
0x9b: {  	s22 =	simm.s32 $0x1BFF;
	s21 =	sshll.u32 s6, $0x1;
	s3 =	sadd.s32 s4, s19  }
0x9c: {  	s7 =	simm.s32 $0x0;
	s20 =	sshll.u32 s5, $0x1;
	s5 =	sadd.s32 s21, s3  }
0x9d: {  	[timem:s7], [sflag:s22] =	dma.local [hbm:s5], s20  }
0x9e: {  	_ =	swait.ge [sflag:s22], s20  }
0x9f: {  	s4 =	ssub.s32 $0x0, s20;
	[sflag:s22] =	ssyncset.done $0x0  }
0xa0: {  	[sflag:s22] =	ssyncadd.s32 s4;
	_ =	sdelay $0x1  }
0xa1: {  	s23 =	simm.s32 $0x1B8B  }
0xa2: {  	_ =	swait.ge [sflag:s23], $0x1  }
0xa3: {  	[sflag:s23] =	ssyncset.done $0x0  }
0xa4: {  	s25 =	simm.s32 $0x1B8E;
	s24 =	sld [smem:$0x3FFE];
	[sflag:s23] =	ssyncadd.s32 $0xFFFFFFFF  }
0xa5: {  	s26 =	simm.s32 $execute0_lowered;
	[smem:$0x3FD2] =	sst s25  }
0xa6: {  	s5 =	sshll.u32 s26, $0x1;
	_ =	strace $0x80000049;
	[dreg:$0x1] =	wrdreg $0xFFFFFFFF  }
0xa7: {  	s28 =	simm.s32 $_size_execute0_lowered;
	s3 =	sadd.s32 s3, s5;
	[dreg:$0x0] =	wrdreg $0x0  }
0xa8: {  	s5 =	sshll.u32 s28, $0x1;
	[dreg:$0x2] =	wrdreg s3  }
0xa9: {  	[dreg:$0x3] =	wrdreg s5  }
0xaa: {  	[dreg:$0x4] =	wrdreg $0xC0  }
0xab: {  	_ =	task [dreg:s7], $0x5FFFF  }
0xac: {  	[dreg:$0x1] =	wrdreg $0xFFFFFFFF  }
0xad: {  	[dreg:$0x0] =	wrdreg $0x60  }
0xae: {  	[dreg:$0x2] =	wrdreg s2  }
0xaf: {  	[dreg:$0x3] =	wrdreg s24  }
0xb0: {  	[dreg:$0x4] =	wrdreg $0x51400  }
0xb1: {  	[dreg:$0x5] =	wrdreg $0x9  }
0xb2: {  	_ =	task.clear_ibuf [dreg:s7], $0x6FFFF;
	_ =	strace $0x90000049  }
0xb3: {  	s29 =	simm.s32 $0x9;
	_ =	strace $0x8000004B  }
0xb4: {  	_ =	swait.ge [sflag:s29], $0x1  }
0xb5: {  	[sflag:s29] =	ssyncadd.s32 $0xFFFFFFFF  }
0xb6: {  	_ =	strace $0x9000004B  }
0xb7: {  	_ =	sfence  }
0xb8: {  	s30 =	sld [smem:$0x0];
	_ =	sdelay $0x2  }
0xb9: {  	s31 =	sshll.u32 s1, $0xD;
	s1 =	sshrl.u32 s1, $0x2  }
0xba: {  	s3 =	sand.u32 $0x4000, s31;
	s1 =	sadd.s32 s1, s30  }
0xbb: {  	s0 =	sor.u32 s3, s0;
	s1 =	sshll.u32 s1, $0x11  }
0xbc: {  	s0 =	sor.u32 s1, s0  }
0xbd: {  	s0 =	sadd.s32 $0x8F2B, s0  }
0xbe: {  	[sflag:s0] =	ssyncadd.remote.s32 $0x1  }
0xbf: {  	_ =	sfence.sel $0xFFFF  }
0xc0: {  	[dreg:$0x0] =	wrdreg $0xFFFFFFFF;
	(pc) =	sbr.abs _section_cstart, $3  }
0xc1: {  	[dreg:$0x1] =	wrdreg $0xFFFFFFFF  }
0xc2: {  	_ =	task.clear_ibuf [dreg:s7], $0x2FFFF;
	_ =	strace $0x9FFFFFFF  }
0xc3: {  	(tm) =	ssettm $0x7FFFFFFF  }
tec
execute0_lowered:
.L_overlay_start_1:
0x0: {  	(tag) =	ssettag $0x1  }
0x1: {  	s0 =	rddreg [dreg:$0x0]  }
0x2: {  	s2 =	rddreg [dreg:$0x1]  }
0x3: {  	s1 =	rddreg [dreg:$0x2]  }
0x4: {  	s20 =	simm.s32 $0x0;
	s5 =	srdreg.scid;
	s23 =	stileid.u32  }
0x5: {  	s16 =	simm.s32 $0xB;
	s17 =	simm.s32 $0x28;
	s18 =	simm.s32 $0x1F40  }
0x6: {  	s19 =	simm.s32 $0x2940;
	s21 =	simm.s32 $0x3340;
	s28 =	simm.s32 $0x1  }
0x7: {  	s29 =	simm.s32 $0x6;
	s30 =	simm.s32 $0x2;
	s31 =	simm.s32 $0x7  }
0x8: {  	s15 =	simm.s32 $0x1F18;
	[smem:$0x7FF] =	sst s20;
	s3 =	sadd.s32 $0xDA00, s2  }
0x9: {  	s4 =	sadd.s32 $0x3C00, s2;
	s6 =	sadd.s32 $0x65A00, s2;
	s5 =	sand.u32 $0x1, s5  }
0xa: {  	s2 =	sadd.s32 $0x67600, s2;
	s8 =	smul.u32 $0x9C00, s23;
	s10 =	sshll.u32 s23, $0x6  }
0xb: {  	p0 =	sne.s32 s23, $0x0;
	_ =	strace $0x8000004A;
	[dreg:$0x5] =	wrdreg s6  }
0xc: {  	s7 =	ssub.s32 $0x2, s5;
	s11 =	smul.u32 $0x9C400, s5;
	s22 =	sor.u32 $0x1C0D, s10  }
0xd: {  	s10 =	sadd.s32 $0x9C000, s1;
	s5 =	smul.u32 $0x13880, s5;
	s9 =	sshrl.u32 s7, $0x1  }
0xe: {  	s12 =	sadd.s32 s8, s1;
	s6 =	sshrl.u32 @!p0 s10, $0x3;
	s10 =	simm.s32 $0x4  }
0xf: {  	[dreg:$0x6] =	wrdreg s22;
	s9 =	ssub.s32 s7, s9;
	s8 =	sadd.s32 s8, s11  }
0x10: {  	s7 =	smul.u32 $0x4E20, s23;
	s11 =	sshrl.u32 s11, $0x3;
	s23 =	simm.s32 $0x3D40  }
0x11: {  	[dreg:$0xb] =	wrdreg s6;
	s13 =	sshrl.u32 s8, $0x3;
	s8 =	sadd.s32 s0, s5  }
0x12: {  	s25 =	sadd.s32 s2, s11;
	s26 =	smax.u32 s9, $0x1;
	s9 =	simm.s32 $0x8  }
0x13: {  	s11 =	simm.s32 $0x9;
	s5 =	simm.s32 $0x5;
	s24 =	sadd.s32 s2, s13  }
0x14: {  	s0 =	sadd.s32 $0x13800, s25;
	[dreg:$0x9] =	wrdreg s26;
	s13 =	simm.s32 $0xD  }
0x15: {  	s25 =	simm.s32 $0x4740;
	s26 =	simm.s32 $0xC;
	[dreg:$0x7] =	wrdreg s24  }
0x16: {  	s2 =	simm.s32 $0x1EF0;
	[dreg:$0x8] =	wrdreg s0;
	s24 =	sshrl.u32 s12, $0x3  }
0x17: {  	s0 =	simm.s32 $0x3;
	s12 =	simm.s32 $0xA;
	[dreg:$0xa] =	wrdreg s24  }
.LBB2_1:
0x18: {  	[dreg:$0x4] =	wrdreg s20  }
0x19: {  	s14 =	rddreg [dreg:$0x5]  }
0x1a: {  	[spmem:s24], [sflag:s22] =	dma.local [hbm:s14], $0x1380  }
0x1b: {  	_ =	swait.ge [sflag:s13], $0x1380  }
0x1c: {  	[sflag:s13] =	ssyncset.done $0x0  }
0x1d: {  	s20 =	simm.s32 @!p0 $0xD;
	[sflag:s13] =	ssyncadd.s32 $0xFFFFEC80  }
0x1e: {  	[spmem:s6], [sflag:s22] =	dma.local @!p0 [hbm:s14], $0x80  }
0x1f: {  	_ =	swait.ge @!p0 [sflag:s20], $0x80  }
0x20: {  	[sflag:s20] =	ssyncset.done @!p0 $0x0  }
0x21: {  	s13 =	simm.s32 $0x50;
	[sflag:s20] =	ssyncadd.s32 @!p0 $0xFFFFFF80  }
0x22: {  	s6 =	simm.s32 $0xFA0;
	s20 =	simm.s32 $0x0;
	[bflag:$0x0] =	sbarrier.arrive $0xFFFF  }
.LBB2_2:
0x23: {  	s22 =	smul.u32 $0xFA0, s20;
	_ =	sdelay $0x1  }
0x24: {  	s22 =	sadd.s32 s7, s22  }
0x25: {  	s22 =	sshrl.u32 s22, $0x3  }
0x26: {  	s14 =	simm.s32 $0x0;
	s24 =	sadd.s32 s3, s22  }
0x27: {  	[tilespmem:s14], [sflag:$0xB] =	stream.linear.gather [hbm4b:s24+s14], $0xFA0, $0x38;
	[tilespmem:$0xED80] =	vst v63  }
0x28: {  	s22 =	sadd.s32 s4, s22  }
0x29: {  	[tilespmem:s6], [sflag:$0xC] =	stream.linear.gather [hbm4b:s22+s14], $0xFA0, $0x38;
	[tilespmem:$0xED80] =	vst v63  }
0x2a: {  	_ =	swait.ge [sflag:s16], $0xFA0  }
0x2b: {  	[sflag:s16] =	ssyncset.done $0x0  }
0x2c: {  	[sflag:s16] =	ssyncadd.s32 $0xFFFFF060  }
0x2d: {  	[tilespmem:s18], [sflag:$0x1] =	stream.indirect.gather [hbm4b:s8+s17], $0x40, s14, s17, $0xb8;
	[tilespmem:$0xED80] =	vst v63  }
0x2e: {  	_ = 	snop  }
0x2f: {  	[tilespmem:s19], [sflag:$0x2] =	stream.indirect.gather [hbm4b:s8+s17], $0x40, s17, s17, $0xb8;
	[tilespmem:$0xED80] =	vst v63  }
0x30: {  	_ = 	snop  }
0x31: {  	[tilespmem:s21], [sflag:$0x3] =	stream.indirect.gather [hbm4b:s8+s17], $0x40, s13, s17, $0xb8;
	[tilespmem:$0xED80] =	vst v63  }
0x32: {  	s24 =	simm.s32 $0x78  }
0x33: {  	[tilespmem:s23], [sflag:$0x4] =	stream.indirect.gather [hbm4b:s8+s17], $0x40, s24, s17, $0xb8;
	[tilespmem:$0xED80] =	vst v63  }
0x34: {  	s22 =	simm.s32 $0xA0  }
0x35: {  	[tilespmem:s25], [sflag:$0x5] =	stream.indirect.gather [hbm4b:s8+s17], $0x40, s22, s17, $0xb8;
	[tilespmem:$0xED80] =	vst v63  }
0x36: {  	_ =	swait.ge [sflag:s26], $0xFA0  }
0x37: {  	[sflag:s26] =	ssyncset.done $0x0  }
0x38: {  	[sflag:s26] =	ssyncadd.s32 $0xFFFFF060  }
0x39: {  	_ =	swait.ge [sflag:s28], $0xA00  }
0x3a: {  	[sflag:s28] =	ssyncset.done $0x0  }
0x3b: {  	s24 =	simm.s32 $0xFA0;
	[sflag:s28] =	ssyncadd.s32 $0xFFFFF600  }
0x3c: {  	[spmem:s1] =	stream.indirect.scatter.add.f32 [tilespmem:s18], [sflag:$0x6], $0x40, s24, s17, $0xb8;
	[tilespmem:$0xED80] =	vst v63  }
0x3d: {  	_ =	swait.ge [sflag:s29], $0xA00  }
0x3e: {  	[sflag:s29] =	ssyncset.done $0x0  }
0x3f: {  	s22 =	simm.s32 $0xC8;
	[sflag:s29] =	ssyncadd.s32 $0xFFFFF600  }
0x40: {  	[tilespmem:s18], [sflag:$0x1] =	stream.indirect.gather [hbm4b:s8+s17], $0x40, s22, s17, $0xb8;
	[tilespmem:$0xED80] =	vst v63  }
0x41: {  	_ =	swait.ge [sflag:s30], $0xA00  }
0x42: {  	[sflag:s30] =	ssyncset.done $0x0  }
0x43: {  	s24 =	simm.s32 $0xFC8;
	[sflag:s30] =	ssyncadd.s32 $0xFFFFF600  }
0x44: {  	[spmem:s1] =	stream.indirect.scatter.add.f32 [tilespmem:s19], [sflag:$0x7], $0x40, s24, s17, $0xb8;
	[tilespmem:$0xED80] =	vst v63  }
0x45: {  	_ =	swait.ge [sflag:s31], $0xA00  }
0x46: {  	[sflag:s31] =	ssyncset.done $0x0  }
0x47: {  	s22 =	simm.s32 $0xF0;
	[sflag:s31] =	ssyncadd.s32 $0xFFFFF600  }
0x48: {  	[tilespmem:s19], [sflag:$0x2] =	stream.indirect.gather [hbm4b:s8+s17], $0x40, s22, s17, $0xb8;
	[tilespmem:$0xED80] =	vst v63  }
0x49: {  	_ =	swait.ge [sflag:s0], $0xA00  }
0x4a: {  	[sflag:s0] =	ssyncset.done $0x0  }
0x4b: {  	s24 =	simm.s32 $0xFF0;
	[sflag:s0] =	ssyncadd.s32 $0xFFFFF600  }
0x4c: {  	[spmem:s1] =	stream.indirect.scatter.add.f32 [tilespmem:s21], [sflag:$0x8], $0x40, s24, s17, $0xb8;
	[tilespmem:$0xED80] =	vst v63  }
0x4d: {  	_ =	swait.ge [sflag:s9], $0xA00  }
0x4e: {  	[sflag:s9] =	ssyncset.done $0x0  }
0x4f: {  	s22 =	simm.s32 $0x118;
	[sflag:s9] =	ssyncadd.s32 $0xFFFFF600  }
0x50: {  	[tilespmem:s21], [sflag:$0x3] =	stream.indirect.gather [hbm4b:s8+s17], $0x40, s22, s17, $0xb8;
	[tilespmem:$0xED80] =	vst v63  }
0x51: {  	_ =	swait.ge [sflag:s10], $0xA00  }
0x52: {  	[sflag:s10] =	ssyncset.done $0x0  }
0x53: {  	s24 =	simm.s32 $0x1018;
	[sflag:s10] =	ssyncadd.s32 $0xFFFFF600  }
0x54: {  	[spmem:s1] =	stream.indirect.scatter.add.f32 [tilespmem:s23], [sflag:$0x9], $0x40, s24, s17, $0xb8;
	[tilespmem:$0xED80] =	vst v63  }
0x55: {  	_ =	swait.ge [sflag:s11], $0xA00  }
0x56: {  	[sflag:s11] =	ssyncset.done $0x0  }
0x57: {  	s22 =	simm.s32 $0x140;
	[sflag:s11] =	ssyncadd.s32 $0xFFFFF600  }
0x58: {  	[tilespmem:s23], [sflag:$0x4] =	stream.indirect.gather [hbm4b:s8+s17], $0x40, s22, s17, $0xb8;
	[tilespmem:$0xED80] =	vst v63  }
0x59: {  	_ =	swait.ge [sflag:s5], $0xA00  }
0x5a: {  	[sflag:s5] =	ssyncset.done $0x0  }
0x5b: {  	s24 =	simm.s32 $0x1040;
	[sflag:s5] =	ssyncadd.s32 $0xFFFFF600  }
0x5c: {  	[spmem:s1] =	stream.indirect.scatter.add.f32 [tilespmem:s25], [sflag:$0xA], $0x40, s24, s17, $0xb8;
	[tilespmem:$0xED80] =	vst v63  }
0x5d: {  	_ =	swait.ge [sflag:s12], $0xA00  }
0x5e: {  	[sflag:s12] =	ssyncset.done $0x0  }
0x5f: {  	s22 =	simm.s32 $0x320;
	s24 =	simm.s32 $0x168;
	[sflag:s12] =	ssyncadd.s32 $0xFFFFF600  }
.LBB2_3:
0x60: {  	[tilespmem:s25], [sflag:$0x5] =	stream.indirect.gather [hbm4b:s8+s17], $0x40, s24, s17, $0xb8;
	[tilespmem:$0xED80] =	vst v63  }
0x61: {  	s14 =	smov.u32 s22  }
0x62: {  	p1 =	sne.s32 s22, $0x3840;
	s22 =	sadd.s32 $0x320, s22;
	_ =	swait.ge [sflag:s28], $0xA00  }
0x63: {  	s24 =	sshra.s32 s14, $0x2;
	[sflag:s28] =	ssyncset.done $0x0  }
0x64: {  	s14 =	sadd.s32 $0xFA0, s24;
	[sflag:s28] =	ssyncadd.s32 $0xFFFFF600  }
0x65: {  	[spmem:s1] =	stream.indirect.scatter.add.f32 [tilespmem:s18], [sflag:$0x6], $0x40, s14, s17, $0xb8;
	[tilespmem:$0xED80] =	vst v63  }
0x66: {  	_ =	swait.ge [sflag:s29], $0xA00  }
0x67: {  	[sflag:s29] =	ssyncset.done $0x0  }
0x68: {  	s14 =	sadd.s32 $0xC8, s24;
	[sflag:s29] =	ssyncadd.s32 $0xFFFFF600  }
0x69: {  	[tilespmem:s18], [sflag:$0x1] =	stream.indirect.gather [hbm4b:s8+s17], $0x40, s14, s17, $0xb8;
	[tilespmem:$0xED80] =	vst v63  }
0x6a: {  	_ =	swait.ge [sflag:s30], $0xA00  }
0x6b: {  	[sflag:s30] =	ssyncset.done $0x0  }
0x6c: {  	s14 =	sadd.s32 $0xFC8, s24;
	[sflag:s30] =	ssyncadd.s32 $0xFFFFF600  }
0x6d: {  	[spmem:s1] =	stream.indirect.scatter.add.f32 [tilespmem:s19], [sflag:$0x7], $0x40, s14, s17, $0xb8;
	[tilespmem:$0xED80] =	vst v63  }
0x6e: {  	_ =	swait.ge [sflag:s31], $0xA00  }
0x6f: {  	[sflag:s31] =	ssyncset.done $0x0  }
0x70: {  	s14 =	sadd.s32 $0xF0, s24;
	[sflag:s31] =	ssyncadd.s32 $0xFFFFF600  }
0x71: {  	[tilespmem:s19], [sflag:$0x2] =	stream.indirect.gather [hbm4b:s8+s17], $0x40, s14, s17, $0xb8;
	[tilespmem:$0xED80] =	vst v63  }
0x72: {  	_ =	swait.ge [sflag:s0], $0xA00  }
0x73: {  	[sflag:s0] =	ssyncset.done $0x0  }
0x74: {  	s14 =	sadd.s32 $0xFF0, s24;
	[sflag:s0] =	ssyncadd.s32 $0xFFFFF600  }
0x75: {  	[spmem:s1] =	stream.indirect.scatter.add.f32 [tilespmem:s21], [sflag:$0x8], $0x40, s14, s17, $0xb8;
	[tilespmem:$0xED80] =	vst v63  }
0x76: {  	_ =	swait.ge [sflag:s9], $0xA00  }
0x77: {  	[sflag:s9] =	ssyncset.done $0x0  }
0x78: {  	s14 =	sadd.s32 $0x118, s24;
	[sflag:s9] =	ssyncadd.s32 $0xFFFFF600  }
0x79: {  	[tilespmem:s21], [sflag:$0x3] =	stream.indirect.gather [hbm4b:s8+s17], $0x40, s14, s17, $0xb8;
	[tilespmem:$0xED80] =	vst v63  }
0x7a: {  	_ =	swait.ge [sflag:s10], $0xA00  }
0x7b: {  	[sflag:s10] =	ssyncset.done $0x0  }
0x7c: {  	s14 =	sadd.s32 $0x1018, s24;
	[sflag:s10] =	ssyncadd.s32 $0xFFFFF600  }
0x7d: {  	[spmem:s1] =	stream.indirect.scatter.add.f32 [tilespmem:s23], [sflag:$0x9], $0x40, s14, s17, $0xb8;
	[tilespmem:$0xED80] =	vst v63  }
0x7e: {  	_ =	swait.ge [sflag:s11], $0xA00  }
0x7f: {  	[sflag:s11] =	ssyncset.done $0x0  }
0x80: {  	s14 =	sadd.s32 $0x140, s24;
	[sflag:s11] =	ssyncadd.s32 $0xFFFFF600  }
0x81: {  	[tilespmem:s23], [sflag:$0x4] =	stream.indirect.gather [hbm4b:s8+s17], $0x40, s14, s17, $0xb8;
	[tilespmem:$0xED80] =	vst v63  }
0x82: {  	_ =	swait.ge [sflag:s5], $0xA00  }
0x83: {  	[sflag:s5] =	ssyncset.done $0x0  }
.Ltmp0:
0x84: {  	s14 =	sadd.s32 $0x1040, s24;
	[sflag:s5] =	ssyncadd.s32 $0xFFFFF600;
	(pc) =	sbr.rel @p1 .LBB2_3-.Ltmp0, $4  }
0x85: {  	[spmem:s1] =	stream.indirect.scatter.add.f32 [tilespmem:s25], [sflag:$0xA], $0x40, s14, s17, $0xb8;
	[tilespmem:$0xED80] =	vst v63  }
0x86: {  	_ =	swait.ge [sflag:s12], $0xA00  }
0x87: {  	[sflag:s12] =	ssyncset.done $0x0  }
0x88: {  	s24 =	sadd.s32 $0x168, s24;
	[sflag:s12] =	ssyncadd.s32 $0xFFFFF600  }
0x89: {  	[tilespmem:s25], [sflag:$0x5] =	stream.indirect.gather [hbm4b:s8+s17], $0x40, s24, s17, $0xb8;
	[tilespmem:$0xED80] =	vst v63  }
0x8a: {  	_ =	swait.ge [sflag:s28], $0xA00  }
0x8b: {  	[sflag:s28] =	ssyncset.done $0x0  }
0x8c: {  	s14 =	simm.s32 $0x1E78;
	[sflag:s28] =	ssyncadd.s32 $0xFFFFF600  }
0x8d: {  	[spmem:s1] =	stream.indirect.scatter.add.f32 [tilespmem:s18], [sflag:$0x6], $0x40, s14, s17, $0xb8;
	[tilespmem:$0xED80] =	vst v63  }
0x8e: {  	_ =	swait.ge [sflag:s29], $0xA00  }
0x8f: {  	[sflag:s29] =	ssyncset.done $0x0  }
0x90: {  	[sflag:s29] =	ssyncadd.s32 $0xFFFFF600  }
0x91: {  	_ =	swait.ge [sflag:s30], $0xA00  }
0x92: {  	[sflag:s30] =	ssyncset.done $0x0  }
0x93: {  	s22 =	simm.s32 $0x1EA0;
	[sflag:s30] =	ssyncadd.s32 $0xFFFFF600  }
0x94: {  	[spmem:s1] =	stream.indirect.scatter.add.f32 [tilespmem:s19], [sflag:$0x7], $0x40, s22, s17, $0xb8;
	[tilespmem:$0xED80] =	vst v63  }
0x95: {  	_ =	swait.ge [sflag:s31], $0xA00  }
0x96: {  	[sflag:s31] =	ssyncset.done $0x0  }
0x97: {  	[sflag:s31] =	ssyncadd.s32 $0xFFFFF600  }
0x98: {  	_ =	swait.ge [sflag:s0], $0xA00  }
0x99: {  	[sflag:s0] =	ssyncset.done $0x0  }
0x9a: {  	s24 =	simm.s32 $0x1EC8;
	[sflag:s0] =	ssyncadd.s32 $0xFFFFF600  }
0x9b: {  	[spmem:s1] =	stream.indirect.scatter.add.f32 [tilespmem:s21], [sflag:$0x8], $0x40, s24, s17, $0xb8;
	[tilespmem:$0xED80] =	vst v63  }
0x9c: {  	_ =	swait.ge [sflag:s9], $0xA00  }
0x9d: {  	[sflag:s9] =	ssyncset.done $0x0  }
0x9e: {  	[sflag:s9] =	ssyncadd.s32 $0xFFFFF600  }
0x9f: {  	_ =	swait.ge [sflag:s10], $0xA00  }
0xa0: {  	[sflag:s10] =	ssyncset.done $0x0  }
0xa1: {  	[sflag:s10] =	ssyncadd.s32 $0xFFFFF600  }
0xa2: {  	[spmem:s1] =	stream.indirect.scatter.add.f32 [tilespmem:s23], [sflag:$0x9], $0x40, s2, s17, $0xb8;
	[tilespmem:$0xED80] =	vst v63  }
0xa3: {  	_ =	swait.ge [sflag:s11], $0xA00  }
0xa4: {  	[sflag:s11] =	ssyncset.done $0x0  }
0xa5: {  	[sflag:s11] =	ssyncadd.s32 $0xFFFFF600  }
0xa6: {  	s20 =	sadd.s32 $0x1, s20;
	_ =	swait.ge [sflag:s5], $0xA00  }
0xa7: {  	p1 =	sne.s32 s20, $0x5;
	[sflag:s5] =	ssyncset.done $0x0  }
.Ltmp1:
0xa8: {  	[sflag:s5] =	ssyncadd.s32 $0xFFFFF600;
	(pc) =	sbr.rel @p1 .LBB2_2-.Ltmp1, $4  }
0xa9: {  	[spmem:s1] =	stream.indirect.scatter.add.f32 [tilespmem:s25], [sflag:$0xA], $0x40, s15, s17, $0xb8;
	[tilespmem:$0xED80] =	vst v63  }
0xaa: {  	_ =	swait.ge [sflag:s12], $0xA00  }
0xab: {  	[sflag:s12] =	ssyncset.done $0x0  }
0xac: {  	[sflag:s12] =	ssyncadd.s32 $0xFFFFF600  }
0xad: {  	[bflag:$0x0] =	sbarrier.arrive $0xFFFF  }
0xae: {  	s22 =	rddreg [dreg:$0x6]  }
0xaf: {  	s14 =	rddreg [dreg:$0x7]  }
0xb0: {  	s24 =	simm.s32 $0xD;
	s13 =	rddreg [dreg:$0xa]  }
0xb1: {  	[hbm:s14], [sflag:s22] =	dma.local [spmem:s13], $0x1380  }
0xb2: {  	_ =	swait.ge [sflag:s24], $0x1380  }
0xb3: {  	[sflag:s24] =	ssyncset.done $0x0;
	s14 =	rddreg [dreg:$0x8]  }
0xb4: {  	s6 =	rddreg [dreg:$0xb];
	[sflag:s24] =	ssyncadd.s32 $0xFFFFEC80  }
0xb5: {  	[hbm:s14], [sflag:s22] =	dma.local @!p0 [spmem:s6], $0x80  }
0xb6: {  	s14 =	simm.s32 @!p0 $0xD  }
0xb7: {  	_ =	swait.ge @!p0 [sflag:s14], $0x80  }
0xb8: {  	s20 =	rddreg [dreg:$0x4]  }
0xb9: {  	s24 =	rddreg [dreg:$0x9];
	s20 =	sadd.s32 $0x1, s20  }
0xba: {  	p1 =	sne.s32 s20, s24  }
.Ltmp2:
0xbb: {  	_ = 	snop;
	(pc) =	sbr.rel @p1 .LBB2_1-.Ltmp2, $3  }
0xbc: {  	_ =	sdelay $0x1  }
0xbd: {  	[sflag:s14] =	ssyncset.done @!p0 $0x0  }
0xbe: {  	[sflag:s14] =	ssyncadd.s32 @!p0 $0xFFFFFF80;
	s24 =	smov.u32 s13;
	s13 =	simm.s32 $0xD  }
0xbf: {  	_ =	sfence.sel $0x180000  }
0xc0: {  	[bflag:$0x0] =	sbarrier.arrive $0xFFFF  }
0xc1: {  	_ =	strace $0x9000004A  }
0xc2: {  	[bflag:$0x2] =	sbarrier.arrive $0xFFFF  }
0xc3: {  	s0 =	rddreg [dreg:$0x3]  }
0xc4: {  	s0 =	sadd.s32 @!p0 $0x100000, s0  }
0xc5: {  	[sflag:s0] =	ssyncadd.tile.s32 @!p0 $0x1;
	_ =	shalt  }
.Lfunc_end2:
_tile_overlayer_lowered:
.L_overlay_start_2:
0xc6: {  	(tag) =	ssettag $0x2  }
0xc7: {  	s0 =	rddreg [dreg:$0x0];
	s2 =	stileid.u32  }
0xc8: {  	s1 =	rddreg [dreg:$0x1];
	p0 =	sne.s32 s2, $0x0  }
0xc9: {  	s3 =	rddreg [dreg:$0x2];
	[bflag:$0x3] =	sbarrier.arrive $0xFFFF;
	s2 =	simm.s32 @!p0 $0x1C0D  }
0xca: {  	[timem:s3], [sflag:s2] =	dma.local @!p0 [hbm:s0], s1  }
0xcb: {  	s0 =	simm.s32 @!p0 $0xD  }
0xcc: {  	_ =	swait.ge @!p0 [sflag:s0], s1  }
0xcd: {  	s1 =	ssub.s32 @!p0 $0x0, s1;
	[sflag:s0] =	ssyncset.done @!p0 $0x0  }
0xce: {  	[sflag:s0] =	ssyncadd.s32 @!p0 s1  }
0xcf: {  	[bflag:$0x3] =	sbarrier.arrive $0xFFFF  }
0xd0: {  	_ =	shalt  }

// kernel: kernel.7.cloned.1.call-start
scs
__scs_entry_jumppad:
0x0: {  	(pc) =	sbr.rel $0x88, $3  }
0x1: {  	(tag) =	ssettag $0x0;
	lr =	simm.s32 $0x1  }
0x2: {  	[smem:$0x3F93] =	sst lr;
	_ =	strace $0xD0000000  }
0x3: {  	_ = 	snop  }
0x4: {  	_ = 	snop  }
0x5: {  	_ = 	snop  }
0x6: {  	_ = 	snop  }
0x7: {  	_ = 	snop  }
__scs_overlays_trampoline_lowered:
0x8: {  	[smem:$0x3FA2] =	sst s0  }
0x9: {  	[smem:$0x3FA3] =	sst s1  }
0xa: {  	[smem:$0x3FA4] =	sst s2  }
0xb: {  	[smem:$0x3FA5] =	sst s3  }
0xc: {  	[smem:$0x3FA6] =	sst s4  }
0xd: {  	[smem:$0x3FA7] =	sst s5  }
0xe: {  	[smem:$0x3FA8] =	sst s6  }
0xf: {  	[smem:$0x3FA9] =	sst s7  }
0x10: {  	[smem:$0x3FAA] =	sst s8  }
0x11: {  	[smem:$0x3FAB] =	sst s9;
	s0 =	simm.s32 @!p0 $0x0  }
0x12: {  	s1 =	sld [smem:$0x3F91];
	s0 =	simm.s32 @p0 $0x1  }
0x13: {  	[smem:$0x3FAC] =	sst s0;
	s0 =	simm.s32 @!p1 $0x0  }
0x14: {  	s2 =	sld [smem:$0x3F90];
	s0 =	simm.s32 @p1 $0x1  }
0x15: {  	[smem:$0x3FAD] =	sst s0;
	s0 =	simm.s32 @!p2 $0x0  }
0x16: {  	s3 =	sld [smem:$0x3FDB];
	s0 =	simm.s32 @p2 $0x1  }
0x17: {  	s4 =	simm.s32 $0x1BF5;
	[smem:$0x3FAF] =	sst s0  }
0x18: {  	s0 =	sld [smem:$0x3F92];
	_ =	swait.ge [sflag:s4], $0x0  }
0x19: {  	s7 =	sld [smem:$0x3F93]  }
0x1a: {  	s8 =	sadd.s32 $0xFFFFE003, lr  }
0x1b: {  	s9 =	sadd.s32 $0xFFFFFEF7, lr;
	s5 =	simm.s32 $0xFFFFFFFF;
	p2 =	slt.u32 s8, $0xFFFFF086  }
0x1c: {  	p1 =	slt.u32 s9, $0xF7A;
	s5 =	simm.s32 @!p2 $0x0  }
0x1d: {  	s5 =	simm.s32 @p1 $0x1;
	p0 =	seq.s32 s7, s2  }
0x1e: {  	s7 =	smul.u32 @!p0 $0xF7A, s2;
	p2 =	seq.s32 @!p0 s5, $0x0  }
0x1f: {  	s9 =	smul.u32 $0xF7A, s1;
	s8 =	simm.s32 @!p0 $0x1BF5;
	p2 =	por !p2, p0  }
0x20: {  	[sflag:s8] =	ssyncset.s32 @!p0 $0xFFFFF086;
	s6 =	sadd.s32 @!p0 s3, s7;
	s7 =	simm.s32 @!p0 $0x108  }
0x21: {  	s3 =	sadd.s32 s3, s9;
	s6 =	sadd.s32 @!p0 $0x88, s6;
	s7 =	simm.s32 @p2 $0x1082  }
0x22: {  	[simem:s7], [sflag:s8] =	dma.local @!p0 [hbm:s6], $0xF7A  }
0x23: {  	s9 =	sor.u32 $0xD0000000, s2;
	s6 =	simm.s32 $0x108;
	_ =	swait.ge @!p0 [sflag:s8], $0x0  }
0x24: {  	s3 =	sadd.s32 $0x88, s3;
	s6 =	simm.s32 @!p1 $0x1082;
	[sflag:s4] =	ssyncset.s32 $0xFFFFF086  }
0x25: {  	[simem:s6], [sflag:s4] =	dma.local [hbm:s3], $0xF7A  }
0x26: {  	[smem:$0x3F93] =	sst s1;
	(tag) =	ssettag s2;
	_ =	strace s9  }
0x27: {  	s1 =	sld [smem:$0x3FA3]  }
0x28: {  	s2 =	sld [smem:$0x3FA4]  }
0x29: {  	s4 =	sld [smem:$0x3FA6]  }
0x2a: {  	p0 =	seq.s32 s5, $0x0;
	s5 =	sld [smem:$0x3FA7]  }
0x2b: {  	s6 =	sld [smem:$0x3FA8]  }
0x2c: {  	s7 =	sld [smem:$0x3FA9]  }
0x2d: {  	s3 =	simm.s32 $0x108;
	s8 =	sld [smem:$0x3FAA]  }
0x2e: {  	s3 =	simm.s32 @!p0 $0x1082;
	s9 =	sld [smem:$0x3FAB]  }
0x2f: {  	lr =	sadd.s32 s0, s3;
	s0 =	sld [smem:$0x3FA2]  }
0x30: {  	s3 =	sld [smem:$0x3FA5]  }
0x31: {  	[smem:$0x3FAE] =	sst s10  }
0x32: {  	s10 =	sld [smem:$0x3FAC];
	_ =	sdelay $0x3  }
0x33: {  	p0 =	seq.s32 s10, $0x1;
	s10 =	sld [smem:$0x3FAE];
	_ =	sdelay $0x3  }
0x34: {  	[smem:$0x3FAE] =	sst s10  }
0x35: {  	s10 =	sld [smem:$0x3FAD];
	_ =	sdelay $0x3  }
0x36: {  	p1 =	seq.s32 s10, $0x1;
	s10 =	sld [smem:$0x3FAE];
	_ =	sdelay $0x3  }
0x37: {  	[smem:$0x3FAE] =	sst s10  }
0x38: {  	s10 =	sld [smem:$0x3FAF]  }
0x39: {  	_ = 	snop;
	(pc) =	sbr.ind lr, $3  }
0x3a: {  	_ = 	snop  }
0x3b: {  	_ = 	snop  }
0x3c: {  	p2 =	seq.s32 s10, $0x1;
	s10 =	sld [smem:$0x3FAE]  }
0x3d: {  	_ =	shalt  }
0x3e: {  	_ =	shalt  }
0x3f: {  	_ =	shalt  }
0x40: {  	_ =	shalt  }
0x41: {  	_ =	shalt  }
0x42: {  	_ =	shalt  }
0x43: {  	_ =	shalt  }
0x44: {  	_ =	shalt  }
0x45: {  	_ =	shalt  }
0x46: {  	_ =	shalt  }
0x47: {  	_ =	shalt  }
0x48: {  	_ =	shalt  }
0x49: {  	_ =	shalt  }
0x4a: {  	_ =	shalt  }
0x4b: {  	_ =	shalt  }
0x4c: {  	_ =	shalt  }
0x4d: {  	_ =	shalt  }
0x4e: {  	_ =	shalt  }
0x4f: {  	_ =	shalt  }
0x50: {  	_ =	shalt  }
0x51: {  	_ =	shalt  }
0x52: {  	_ =	shalt  }
0x53: {  	_ =	shalt  }
0x54: {  	_ =	shalt  }
0x55: {  	_ =	shalt  }
0x56: {  	_ =	shalt  }
0x57: {  	_ =	shalt  }
0x58: {  	_ =	shalt  }
0x59: {  	_ =	shalt  }
0x5a: {  	_ =	shalt  }
0x5b: {  	_ =	shalt  }
0x5c: {  	_ =	shalt  }
0x5d: {  	_ =	shalt  }
0x5e: {  	_ =	shalt  }
0x5f: {  	_ =	shalt  }
0x60: {  	_ =	shalt  }
0x61: {  	_ =	shalt  }
0x62: {  	_ =	shalt  }
0x63: {  	_ =	shalt  }
0x64: {  	_ =	shalt  }
0x65: {  	_ =	shalt  }
0x66: {  	_ =	shalt  }
0x67: {  	_ =	shalt  }
0x68: {  	_ =	shalt  }
0x69: {  	_ =	shalt  }
0x6a: {  	_ =	shalt  }
0x6b: {  	_ =	shalt  }
0x6c: {  	_ =	shalt  }
0x6d: {  	_ =	shalt  }
0x6e: {  	_ =	shalt  }
0x6f: {  	_ =	shalt  }
0x70: {  	_ =	shalt  }
0x71: {  	_ =	shalt  }
0x72: {  	_ =	shalt  }
0x73: {  	_ =	shalt  }
0x74: {  	_ =	shalt  }
0x75: {  	_ =	shalt  }
0x76: {  	_ =	shalt  }
0x77: {  	_ =	shalt  }
0x78: {  	_ =	shalt  }
0x79: {  	_ =	shalt  }
0x7a: {  	_ =	shalt  }
0x7b: {  	_ =	shalt  }
0x7c: {  	_ =	shalt  }
0x7d: {  	_ =	shalt  }
0x7e: {  	_ =	shalt  }
0x7f: {  	_ =	shalt  }
0x80: {  	_ =	shalt  }
0x81: {  	_ =	shalt  }
0x82: {  	_ =	shalt  }
0x83: {  	_ =	shalt  }
0x84: {  	_ =	shalt  }
0x85: {  	_ =	shalt  }
0x86: {  	_ =	shalt  }
0x87: {  	_ =	shalt  }
.Lfunc_end0:
.L_simem_size_0:
called_computation_lowered:
.L_overlay_start_0:
0x88: {  	s2 =	sld [smem:$0x3FD9]  }
0x89: {  	s3 =	sld [smem:$0x3FFE];
	_ =	sdelay $0x1  }
0x8a: {  	s1 =	srdreg.scid  }
0x8b: {  	s0 =	sand.u32 $0x1, s1  }
0x8c: {  	s17 =	sshll.u32 s0, $0xA;
	s2 =	sadd.s32 s3, s2  }
0x8d: {  	s2 =	sadd.s32 s2, s17  }
0x8e: {  	[smem:$0x3FBA] =	sst s2  }
0x8f: {  	_ = 	snop  }
0x90: {  	s2 =	sld [smem:$0x3FD0];
	(tm) =	ssettm $0x1  }
0x91: {  	s18 =	sld [smem:$0x3FFB];
	_ =	sdelay $0x3  }
0x92: {  	_ =	strace s18  }
0x93: {  	s3 =	sld [smem:$0x3FFC];
	_ =	sdelay $0x3  }
0x94: {  	_ =	strace s3  }
0x95: {  	s3 =	sld [smem:$0x3FFD];
	_ =	sdelay $0x3  }
0x96: {  	_ =	strace s3  }
0x97: {  	_ =	strace $0x8FFFFFFF  }
0x98: {  	s19 =	sld [smem:$0x3FDB];
	_ =	sdelay $0x1  }
0x99: {  	s4 =	simm.s32 $_scs_section_size  }
0x9a: {  	s5 =	simm.s32 $_size__tile_overlayer_lowered;
	s6 =	simm.s32 $_tile_overlayer_lowered  }
0x9b: {  	s22 =	simm.s32 $0x1BFF;
	s21 =	sshll.u32 s6, $0x1;
	s3 =	sadd.s32 s4, s19  }
0x9c: {  	s7 =	simm.s32 $0x0;
	s20 =	sshll.u32 s5, $0x1;
	s5 =	sadd.s32 s21, s3  }
0x9d: {  	[timem:s7], [sflag:s22] =	dma.local [hbm:s5], s20  }
0x9e: {  	_ =	swait.ge [sflag:s22], s20  }
0x9f: {  	s4 =	ssub.s32 $0x0, s20;
	[sflag:s22] =	ssyncset.done $0x0  }
0xa0: {  	[sflag:s22] =	ssyncadd.s32 s4;
	_ =	sdelay $0x1  }
0xa1: {  	s23 =	simm.s32 $0x1B8B  }
0xa2: {  	_ =	swait.ge [sflag:s23], $0x1  }
0xa3: {  	[sflag:s23] =	ssyncset.done $0x0  }
0xa4: {  	s25 =	simm.s32 $0x1B8E;
	s24 =	sld [smem:$0x3FFE];
	[sflag:s23] =	ssyncadd.s32 $0xFFFFFFFF  }
0xa5: {  	s26 =	simm.s32 $execute0_lowered;
	[smem:$0x3FD2] =	sst s25  }
0xa6: {  	s5 =	sshll.u32 s26, $0x1;
	_ =	strace $0x80000046;
	[dreg:$0x1] =	wrdreg $0xFFFFFFFF  }
0xa7: {  	s28 =	simm.s32 $_size_execute0_lowered;
	s3 =	sadd.s32 s3, s5;
	[dreg:$0x0] =	wrdreg $0x0  }
0xa8: {  	s5 =	sshll.u32 s28, $0x1;
	[dreg:$0x2] =	wrdreg s3  }
0xa9: {  	[dreg:$0x3] =	wrdreg s5  }
0xaa: {  	[dreg:$0x4] =	wrdreg $0xC0  }
0xab: {  	_ =	task [dreg:s7], $0x5FFFF  }
0xac: {  	[dreg:$0x1] =	wrdreg $0xFFFFFFFF  }
0xad: {  	[dreg:$0x0] =	wrdreg $0x60  }
0xae: {  	[dreg:$0x2] =	wrdreg s2  }
0xaf: {  	[dreg:$0x3] =	wrdreg s24  }
0xb0: {  	[dreg:$0x4] =	wrdreg $0x44200  }
0xb1: {  	[dreg:$0x5] =	wrdreg $0xE0600  }
0xb2: {  	[dreg:$0x6] =	wrdreg $0x9  }
0xb3: {  	_ =	task.clear_ibuf [dreg:s7], $0x7FFFF;
	_ =	strace $0x90000046  }
0xb4: {  	s29 =	simm.s32 $0x9;
	_ =	strace $0x80000048  }
0xb5: {  	_ =	swait.ge [sflag:s29], $0x1  }
0xb6: {  	[sflag:s29] =	ssyncadd.s32 $0xFFFFFFFF  }
0xb7: {  	_ =	strace $0x90000048  }
0xb8: {  	_ =	sfence  }
0xb9: {  	s30 =	sld [smem:$0x0];
	_ =	sdelay $0x2  }
0xba: {  	s31 =	sshll.u32 s1, $0xD;
	s1 =	sshrl.u32 s1, $0x2  }
0xbb: {  	s3 =	sand.u32 $0x4000, s31;
	s1 =	sadd.s32 s1, s30  }
0xbc: {  	s0 =	sor.u32 s3, s0;
	s1 =	sshll.u32 s1, $0x11  }
0xbd: {  	s0 =	sor.u32 s1, s0  }
0xbe: {  	s0 =	sadd.s32 $0x8F2B, s0  }
0xbf: {  	[sflag:s0] =	ssyncadd.remote.s32 $0x1  }
0xc0: {  	_ =	sfence.sel $0xFFFF  }
0xc1: {  	[dreg:$0x0] =	wrdreg $0xFFFFFFFF;
	(pc) =	sbr.abs _section_cstart, $3  }
0xc2: {  	[dreg:$0x1] =	wrdreg $0xFFFFFFFF  }
0xc3: {  	_ =	task.clear_ibuf [dreg:s7], $0x2FFFF;
	_ =	strace $0x9FFFFFFF  }
0xc4: {  	(tm) =	ssettm $0x7FFFFFFF  }
0xc5: {  	_ =	shalt  }
tec
execute0_lowered:
.L_overlay_start_1:
0x0: {  	(tag) =	ssettag $0x1  }
0x1: {  	s0 =	rddreg [dreg:$0x0]  }
0x2: {  	s3 =	rddreg [dreg:$0x1]  }
0x3: {  	s1 =	rddreg [dreg:$0x2]  }
0x4: {  	s2 =	rddreg [dreg:$0x3];
	s4 =	simm.s32 $0x0;
	s16 =	srdreg.scid  }
0x5: {  	s17 =	stileid.u32;
	[smem:$0x7FF] =	sst s4  }
0x6: {  	s12 =	sadd.s32 $0xDA00, s3;
	s13 =	sadd.s32 $0x3C00, s3;
	s14 =	sadd.s32 $0x65A00, s3  }
0x7: {  	s15 =	sadd.s32 $0x66E00, s3;
	s5 =	sadd.s32 $0x67400, s3;
	s4 =	sand.u32 $0x1, s16  }
0x8: {  	s6 =	sadd.s32 $0x71400, s3;
	s8 =	smul.u32 $0x9C00, s17;
	s3 =	sadd.s32 $0x67600, s3  }
0x9: {  	s10 =	smul.u32 $0x2700, s17;
	_ =	strace $0x80000047;
	[dreg:$0x5] =	wrdreg s12  }
0xa: {  	s19 =	sshll.u32 s17, $0x6;
	s11 =	sadd.s32 $0x9C000, s1;
	[dreg:$0x6] =	wrdreg s13  }
0xb: {  	s22 =	sadd.s32 $0x27000, s2;
	p1 =	sne.s32 s17, $0x0;
	[dreg:$0x7] =	wrdreg s14  }
0xc: {  	s16 =	simm.s32 $0x8;
	[dreg:$0x8] =	wrdreg s15;
	s21 =	smul.u32 $0x9C400, s4  }
0xd: {  	[dreg:$0x9] =	wrdreg s5;
	s7 =	ssub.s32 $0x2, s4;
	s23 =	smul.u32 $0x13880, s4  }
0xe: {  	s14 =	sor.u32 $0x1C0E, s19;
	[dreg:$0xd] =	wrdreg s11;
	s12 =	smul.u32 $0x27100, s4  }
0xf: {  	[dreg:$0xe] =	wrdreg s22;
	p0 =	seq.s32 s4, $0x1;
	s13 =	smul.u32 $0x4E20, s17  }
0x10: {  	p2 =	seq.s32 s4, $0x0;
	s4 =	simm.s32 $0xE;
	s22 =	simm.s32 $0x2DA0  }
0x11: {  	s11 =	simm.s32 $0x1;
	s18 =	sadd.s32 s8, s1;
	[dreg:$0xb] =	wrdreg s14  }
0x12: {  	s17 =	simm.s32 $0x4;
	s20 =	sadd.s32 s10, s2;
	[dreg:$0xa] =	wrdreg s18  }
0x13: {  	s5 =	simm.s32 $0x0;
	s9 =	sshrl.u32 s7, $0x1;
	[dreg:$0xc] =	wrdreg s20  }
0x14: {  	s7 =	ssub.s32 s7, s9;
	s8 =	sadd.s32 s8, s21;
	[dreg:$0xf] =	wrdreg s13  }
0x15: {  	s15 =	sadd.s32 s0, s23;
	s25 =	sadd.s32 s10, s12;
	s26 =	sshrl.u32 s21, $0x3  }
0x16: {  	s28 =	sshrl.u32 s12, $0x3;
	s9 =	simm.s32 $0x19A0;
	s12 =	simm.s32 $0x6  }
0x17: {  	s13 =	simm.s32 $0x2;
	s18 =	simm.s32 $0xA;
	s24 =	sshrl.u32 s8, $0x3  }
0x18: {  	s21 =	simm.s32 $0x2DA0;
	s31 =	smax.u32 s7, $0x1;
	s0 =	sadd.s32 s6, s24  }
.Ltmp0:
0x19: {  	s6 =	sadd.s32 s6, s26;
	[dreg:$0x14] =	wrdreg s31;
	(pc) =	sbr.rel .LBB2_1-.Ltmp0, $4  }
0x1a: {  	[dreg:$0x10] =	wrdreg s0;
	s0 =	sshrl.u32 s25, $0x3;
	s29 =	sadd.s32 $0x13800, s6  }
0x1b: {  	s30 =	sadd.s32 s3, s28;
	s0 =	sadd.s32 s3, s0;
	[dreg:$0x12] =	wrdreg s29  }
0x1c: {  	s8 =	simm.s32 $0x23A0;
	[dreg:$0x11] =	wrdreg s0;
	s0 =	sadd.s32 $0x4E00, s30  }
0x1d: {  	s24 =	simm.s32 $0xFA0;
	s25 =	simm.s32 $0x28;
	[dreg:$0x13] =	wrdreg s0  }
.LBB2_10:
0x1e: {  	[bflag:$0x0] =	sbarrier.arrive $0xFFFF  }
0x1f: {  	s0 =	rddreg [dreg:$0x10]  }
0x20: {  	s4 =	simm.s32 $0xE;
	s3 =	rddreg [dreg:$0x16]  }
0x21: {  	[hbm:s0], [sflag:s14] =	dma.local [spmem:s3], $0x1380  }
0x22: {  	_ =	swait.ge [sflag:s4], $0x1380  }
0x23: {  	[sflag:s4] =	ssyncset.done $0x0;
	s28 =	rddreg [dreg:$0x11]  }
0x24: {  	s29 =	rddreg [dreg:$0x17];
	[sflag:s4] =	ssyncadd.s32 $0xFFFFEC80  }
0x25: {  	[hbm:s28], [sflag:s14] =	dma.local [spmem:s29], $0x4E0  }
0x26: {  	_ =	swait.ge [sflag:s4], $0x4E0  }
0x27: {  	[sflag:s4] =	ssyncset.done $0x0;
	s0 =	rddreg [dreg:$0x12]  }
0x28: {  	s3 =	rddreg [dreg:$0x18];
	[sflag:s4] =	ssyncadd.s32 $0xFFFFFB20  }
0x29: {  	[hbm:s0], [sflag:s14] =	dma.local @!p1 [spmem:s3], $0x80  }
0x2a: {  	s0 =	simm.s32 @!p1 $0xE  }
0x2b: {  	_ =	swait.ge @!p1 [sflag:s0], $0x80  }
0x2c: {  	[sflag:s0] =	ssyncset.done @!p1 $0x0;
	s3 =	rddreg [dreg:$0x13]  }
0x2d: {  	s5 =	rddreg [dreg:$0x19];
	[sflag:s0] =	ssyncadd.s32 @!p1 $0xFFFFFF80  }
0x2e: {  	[hbm:s3], [sflag:s14] =	dma.local @!p1 [spmem:s5], $0x20  }
0x2f: {  	_ =	swait.ge @!p1 [sflag:s0], $0x20  }
0x30: {  	s30 =	rddreg [dreg:$0x15]  }
0x31: {  	s31 =	rddreg [dreg:$0x14];
	s5 =	sadd.s32 $0x1, s30  }
0x32: {  	p3 =	sne.s32 s5, s31  }
.Ltmp1:
0x33: {  	_ = 	snop;
	(pc) =	sbr.rel @!p3 .LBB2_11-.Ltmp1, $3  }
0x34: {  	_ =	sdelay $0x1  }
0x35: {  	[sflag:s0] =	ssyncset.done @!p1 $0x0  }
0x36: {  	[sflag:s0] =	ssyncadd.s32 @!p1 $0xFFFFFFE0  }
.LBB2_1:
0x37: {  	[dreg:$0x15] =	wrdreg s5  }
0x38: {  	s0 =	rddreg [dreg:$0xa]  }
0x39: {  	s3 =	rddreg [dreg:$0x7];
	s0 =	sshrl.u32 s0, $0x3  }
0x3a: {  	[dreg:$0x16] =	wrdreg s0  }
0x3b: {  	[spmem:s0], [sflag:s14] =	dma.local [hbm:s3], $0x1380  }
0x3c: {  	_ =	swait.ge [sflag:s4], $0x1380  }
0x3d: {  	[sflag:s4] =	ssyncset.done $0x0;
	s29 =	rddreg [dreg:$0xc]  }
0x3e: {  	[sflag:s4] =	ssyncadd.s32 $0xFFFFEC80;
	s0 =	sshrl.u32 s29, $0x3;
	s4 =	rddreg [dreg:$0x8]  }
0x3f: {  	s6 =	simm.s32 $0xE;
	[dreg:$0x17] =	wrdreg s0  }
0x40: {  	[spmem:s0], [sflag:s14] =	dma.local [hbm:s4], $0x4E0  }
0x41: {  	_ =	swait.ge [sflag:s6], $0x4E0  }
0x42: {  	s30 =	simm.s32 $0x0;
	[sflag:s6] =	ssyncset.done $0x0  }
0x43: {  	s7 =	simm.s32 $0x41A0;
	s31 =	rddreg [dreg:$0x9];
	[sflag:s6] =	ssyncadd.s32 $0xFFFFFB20  }
0x44: {  	[tilespmem:s7], [sflag:$0xE] =	stream.linear.gather [hbm4b:s31+s30], $0x280, $0x38;
	[tilespmem:$0x10770] =	vst v63  }
0x45: {  	_ =	swait.ge [sflag:s6], $0x280  }
0x46: {  	s0 =	rddreg [dreg:$0xd]  }
0x47: {  	[sflag:s6] =	ssyncset.done $0x0;
	s0 =	sshrl.u32 @!p1 s0, $0x3  }
0x48: {  	[sflag:s6] =	ssyncadd.s32 $0xFFFFFD80;
	[dreg:$0x18] =	wrdreg s0  }
0x49: {  	[spmem:s0], [sflag:s14] =	dma.local @!p1 [hbm:s3], $0x80  }
0x4a: {  	s0 =	simm.s32 @!p1 $0xE  }
0x4b: {  	_ =	swait.ge @!p1 [sflag:s0], $0x80  }
0x4c: {  	s3 =	rddreg [dreg:$0xe]  }
0x4d: {  	[sflag:s0] =	ssyncset.done @!p1 $0x0;
	s3 =	sshrl.u32 @!p1 s3, $0x3  }
0x4e: {  	[sflag:s0] =	ssyncadd.s32 @!p1 $0xFFFFFF80;
	[dreg:$0x19] =	wrdreg s3  }
0x4f: {  	[spmem:s3], [sflag:s14] =	dma.local @!p1 [hbm:s4], $0x20  }
.Ltmp2:
0x50: {  	_ =	swait.ge @!p1 [sflag:s0], $0x20;
	(pc) =	sbr.rel .LBB2_2-.Ltmp2, $4  }
0x51: {  	[sflag:s0] =	ssyncset.done @!p1 $0x0  }
0x52: {  	[sflag:s0] =	ssyncadd.s32 @!p1 $0xFFFFFFE0  }
0x53: {  	[bflag:$0x0] =	sbarrier.arrive $0xFFFF  }
0x54: {  	s5 =	simm.s32 $0x0;
	s7 =	simm.s32 $0x37A0  }
.LBB2_8:
0x55: {  	_ =	swait.ge [sflag:s18], $0xA00  }
0x56: {  	[sflag:s18] =	ssyncset.done $0x0;
	s14 =	rddreg [dreg:$0xb]  }
0x57: {  	s22 =	simm.s32 $0x2DA0;
	s5 =	rddreg [dreg:$0x1a];
	[sflag:s18] =	ssyncadd.s32 $0xFFFFF600  }
.LBB2_9:
0x58: {  	s5 =	sadd.s32 $0x1, s5  }
0x59: {  	p3 =	sne.s32 s5, $0xA  }
.Ltmp3:
0x5a: {  	_ = 	snop;
	(pc) =	sbr.rel @!p3 .LBB2_10-.Ltmp3, $1  }
0x5b: {  	_ =	sdelay $0x3  }
.LBB2_2:
0x5c: {  	s0 =	smul.u32 $0x7D0, s5  }
0x5d: {  	s3 =	rddreg [dreg:$0xf]  }
0x5e: {  	s0 =	sadd.s32 s3, s0  }
0x5f: {  	s20 =	rddreg [dreg:$0x5];
	s0 =	sshrl.u32 s0, $0x3  }
0x60: {  	s4 =	simm.s32 $0x0;
	s23 =	rddreg [dreg:$0x6];
	s3 =	sadd.s32 s20, s0  }
0x61: {  	[tilespmem:s4], [sflag:$0xB] =	stream.linear.gather [hbm4b:s3+s4], $0x7D0, $0x38;
	[tilespmem:$0x10770] =	vst v63  }
0x62: {  	s26 =	simm.s32 $0x7D0;
	s6 =	simm.s32 $0xB;
	s0 =	sadd.s32 s23, s0  }
0x63: {  	[tilespmem:s26], [sflag:$0xC] =	stream.linear.gather [hbm4b:s0+s4], $0x7D0, $0x38;
	[tilespmem:$0x10770] =	vst v63  }
0x64: {  	_ =	swait.ge [sflag:s6], $0x7D0  }
0x65: {  	[sflag:s6] =	ssyncset.done $0x0  }
0x66: {  	[sflag:s6] =	ssyncadd.s32 $0xFFFFF830  }
0x67: {  	[tilespmem:s24], [sflag:$0x1] =	stream.indirect.gather [hbm4b:s15+s25], $0x40, s4, s25, $0xb8;
	[tilespmem:$0x10770] =	vst v63  }
0x68: {  	_ = 	snop  }
0x69: {  	[tilespmem:s9], [sflag:$0x2] =	stream.indirect.gather [hbm4b:s15+s25], $0x40, s25, s25, $0xb8;
	[tilespmem:$0x10770] =	vst v63  }
0x6a: {  	s10 =	simm.s32 $0x50  }
0x6b: {  	[tilespmem:s8], [sflag:$0x3] =	stream.indirect.gather [hbm4b:s15+s25], $0x40, s10, s25, $0xb8;
	[tilespmem:$0x10770] =	vst v63  }
0x6c: {  	s14 =	simm.s32 $0x78  }
0x6d: {  	[tilespmem:s22], [sflag:$0x4] =	stream.indirect.gather [hbm4b:s15+s25], $0x40, s14, s25, $0xb8;
	[tilespmem:$0x10770] =	vst v63  }
0x6e: {  	s19 =	simm.s32 $0xA0;
	s20 =	simm.s32 $0xC  }
0x6f: {  	[tilespmem:s7], [sflag:$0x5] =	stream.indirect.gather [hbm4b:s15+s25], $0x40, s19, s25, $0xb8;
	[tilespmem:$0x10770] =	vst v63  }
0x70: {  	_ =	swait.ge [sflag:s20], $0x7D0  }
0x71: {  	p3 =	slt.u32 s5, $0x5;
	[sflag:s20] =	ssyncset.done $0x0  }
0x72: {  	p4 =	sgt.u32 s5, $0x4;
	[dreg:$0x1a] =	wrdreg s5;
	[sflag:s20] =	ssyncadd.s32 $0xFFFFF830  }
0x73: {  	p3 =	por !p2, !p3;
	p4 =	por !p4, !p0;
	_ =	swait.ge [sflag:s11], $0xA00  }
0x74: {  	p3 =	por !p3, !p3;
	p4 =	por !p4, !p4;
	[sflag:s11] =	ssyncset.done $0x0  }
0x75: {  	p3 =	por p3, p4;
	s0 =	simm.s32 $0x7D0;
	[sflag:s11] =	ssyncadd.s32 $0xFFFFF600  }
0x76: {  	[spmem:s1] =	stream.indirect.scatter.add.f32 [tilespmem:s24], [sflag:$0x6], $0x40, s0, s25, $0xb8;
	[tilespmem:$0x10770] =	vst v63  }
0x77: {  	s31 =	simm.s32 @p3 $0x28;
	s3 =	simm.s32 @p3 $0x41A0  }
0x78: {  	[spmem:s2] =	stream.indirect.scatter.add.f32 @p3 [tilespmem:s3], [sflag:$0xD], $0x10, s0, s31, $0xb8;
	[tilespmem:$0x10770] =	vst v63  }
0x79: {  	_ =	swait.ge [sflag:s12], $0xA00  }
0x7a: {  	[sflag:s12] =	ssyncset.done $0x0  }
0x7b: {  	s23 =	simm.s32 $0xC8;
	[sflag:s12] =	ssyncadd.s32 $0xFFFFF600  }
0x7c: {  	[tilespmem:s24], [sflag:$0x1] =	stream.indirect.gather [hbm4b:s15+s25], $0x40, s23, s25, $0xb8;
	[tilespmem:$0x10770] =	vst v63  }
0x7d: {  	_ =	swait.ge [sflag:s13], $0xA00  }
0x7e: {  	[sflag:s13] =	ssyncset.done $0x0  }
0x7f: {  	s4 =	simm.s32 @!p3 $0x7;
	s0 =	simm.s32 $0x7F8;
	[sflag:s13] =	ssyncadd.s32 $0xFFFFF600  }
0x80: {  	[spmem:s1] =	stream.indirect.scatter.add.f32 [tilespmem:s9], [sflag:$0x7], $0x40, s0, s25, $0xb8;
	[tilespmem:$0x10770] =	vst v63  }
0x81: {  	_ =	swait.ge @!p3 [sflag:s4], $0xA00  }
0x82: {  	s6 =	simm.s32 @!p3 $0x19A0;
	s14 =	simm.s32 @!p3 $0x3;
	[sflag:s4] =	ssyncset.done @!p3 $0x0  }
0x83: {  	s19 =	simm.s32 @!p3 $0x28;
	s5 =	simm.s32 @!p3 $0xF0;
	[sflag:s4] =	ssyncadd.s32 @!p3 $0xFFFFF600  }
0x84: {  	[tilespmem:s6], [sflag:$0x2] =	stream.indirect.gather @!p3 [hbm4b:s15+s19], $0x40, s5, s19, $0xb8;
	[tilespmem:$0x10770] =	vst v63  }
0x85: {  	_ =	swait.ge @!p3 [sflag:s14], $0xA00  }
0x86: {  	[sflag:s14] =	ssyncset.done @!p3 $0x0  }
0x87: {  	s5 =	simm.s32 @!p3 $0x820;
	s6 =	simm.s32 @!p3 $0x23A0;
	[sflag:s14] =	ssyncadd.s32 @!p3 $0xFFFFF600  }
0x88: {  	[spmem:s1] =	stream.indirect.scatter.add.f32 @!p3 [tilespmem:s6], [sflag:$0x8], $0x40, s5, s19, $0xb8;
	[tilespmem:$0x10770] =	vst v63  }
0x89: {  	s20 =	simm.s32 @p3 $0x7  }
0x8a: {  	[spmem:s2] =	stream.indirect.scatter.add.f32 @p3 [tilespmem:s3], [sflag:$0xD], $0x10, s0, s31, $0xb8;
	[tilespmem:$0x10770] =	vst v63  }
0x8b: {  	_ =	swait.ge @p3 [sflag:s20], $0xA00  }
0x8c: {  	s6 =	simm.s32 @p3 $0x3;
	[sflag:s20] =	ssyncset.done @p3 $0x0  }
0x8d: {  	s5 =	simm.s32 @p3 $0x19A0;
	s0 =	simm.s32 @p3 $0xF0;
	[sflag:s20] =	ssyncadd.s32 @p3 $0xFFFFF600  }
0x8e: {  	[tilespmem:s5], [sflag:$0x2] =	stream.indirect.gather @p3 [hbm4b:s15+s31], $0x40, s0, s31, $0xb8;
	[tilespmem:$0x10770] =	vst v63  }
0x8f: {  	_ =	swait.ge @p3 [sflag:s6], $0xA00  }
0x90: {  	[sflag:s6] =	ssyncset.done @p3 $0x0  }
0x91: {  	s0 =	simm.s32 @p3 $0x820;
	s5 =	simm.s32 @p3 $0x23A0;
	[sflag:s6] =	ssyncadd.s32 @p3 $0xFFFFF600  }
0x92: {  	[spmem:s1] =	stream.indirect.scatter.add.f32 @p3 [tilespmem:s5], [sflag:$0x8], $0x40, s0, s31, $0xb8;
	[tilespmem:$0x10770] =	vst v63  }
0x93: {  	_ = 	snop  }
0x94: {  	[spmem:s2] =	stream.indirect.scatter.add.f32 @p3 [tilespmem:s3], [sflag:$0xD], $0x10, s0, s31, $0xb8;
	[tilespmem:$0x10770] =	vst v63  }
0x95: {  	_ =	swait.ge [sflag:s16], $0xA00  }
0x96: {  	[sflag:s16] =	ssyncset.done $0x0  }
0x97: {  	s26 =	simm.s32 $0x118;
	[sflag:s16] =	ssyncadd.s32 $0xFFFFF600  }
0x98: {  	[tilespmem:s8], [sflag:$0x3] =	stream.indirect.gather [hbm4b:s15+s25], $0x40, s26, s25, $0xb8;
	[tilespmem:$0x10770] =	vst v63  }
0x99: {  	_ =	swait.ge [sflag:s17], $0xA00  }
0x9a: {  	[sflag:s17] =	ssyncset.done $0x0  }
0x9b: {  	s10 =	simm.s32 @!p3 $0x9;
	s0 =	simm.s32 $0x848;
	[sflag:s17] =	ssyncadd.s32 $0xFFFFF600  }
0x9c: {  	[spmem:s1] =	stream.indirect.scatter.add.f32 [tilespmem:s22], [sflag:$0x9], $0x40, s0, s25, $0xb8;
	[tilespmem:$0x10770] =	vst v63  }
0x9d: {  	_ =	swait.ge @!p3 [sflag:s10], $0xA00  }
0x9e: {  	s29 =	simm.s32 @!p3 $0x5;
	[sflag:s10] =	ssyncset.done @!p3 $0x0  }
0x9f: {  	s5 =	simm.s32 @!p3 $0x140;
	s8 =	simm.s32 @!p3 $0x2DA0;
	[sflag:s10] =	ssyncadd.s32 @!p3 $0xFFFFF600  }
0xa0: {  	[tilespmem:s8], [sflag:$0x4] =	stream.indirect.gather @!p3 [hbm4b:s15+s19], $0x40, s5, s19, $0xb8;
	[tilespmem:$0x10770] =	vst v63  }
0xa1: {  	_ =	swait.ge @!p3 [sflag:s29], $0xA00  }
0xa2: {  	[sflag:s29] =	ssyncset.done @!p3 $0x0  }
0xa3: {  	s28 =	simm.s32 @!p3 $0x37A0;
	s5 =	simm.s32 @!p3 $0x870;
	[sflag:s29] =	ssyncadd.s32 @!p3 $0xFFFFF600  }
0xa4: {  	[spmem:s1] =	stream.indirect.scatter.add.f32 @!p3 [tilespmem:s28], [sflag:$0xA], $0x40, s5, s19, $0xb8;
	[tilespmem:$0x10770] =	vst v63  }
0xa5: {  	s30 =	simm.s32 @p3 $0x9  }
0xa6: {  	[spmem:s2] =	stream.indirect.scatter.add.f32 @p3 [tilespmem:s3], [sflag:$0xD], $0x10, s0, s31, $0xb8;
	[tilespmem:$0x10770] =	vst v63  }
0xa7: {  	_ =	swait.ge @p3 [sflag:s30], $0xA00  }
0xa8: {  	s8 =	simm.s32 @p3 $0x2DA0;
	[sflag:s30] =	ssyncset.done @p3 $0x0  }
0xa9: {  	s5 =	simm.s32 @p3 $0x140;
	s0 =	simm.s32 @p3 $0x5;
	[sflag:s30] =	ssyncadd.s32 @p3 $0xFFFFF600  }
0xaa: {  	[tilespmem:s8], [sflag:$0x4] =	stream.indirect.gather @p3 [hbm4b:s15+s31], $0x40, s5, s31, $0xb8;
	[tilespmem:$0x10770] =	vst v63  }
0xab: {  	_ =	swait.ge @p3 [sflag:s0], $0xA00  }
0xac: {  	[sflag:s0] =	ssyncset.done @p3 $0x0  }
0xad: {  	s5 =	simm.s32 @p3 $0x870;
	s8 =	simm.s32 @p3 $0x37A0;
	[sflag:s0] =	ssyncadd.s32 @p3 $0xFFFFF600  }
0xae: {  	[spmem:s1] =	stream.indirect.scatter.add.f32 @p3 [tilespmem:s8], [sflag:$0xA], $0x40, s5, s31, $0xb8;
	[tilespmem:$0x10770] =	vst v63  }
0xaf: {  	_ = 	snop  }
0xb0: {  	[spmem:s2] =	stream.indirect.scatter.add.f32 @p3 [tilespmem:s3], [sflag:$0xD], $0x10, s5, s31, $0xb8;
	[tilespmem:$0x10770] =	vst v63  }
0xb1: {  	_ =	swait.ge [sflag:s18], $0xA00  }
0xb2: {  	[sflag:s18] =	ssyncset.done $0x0  }
0xb3: {  	s23 =	simm.s32 $0x320;
	s5 =	simm.s32 $0x168;
	[sflag:s18] =	ssyncadd.s32 $0xFFFFF600  }
.LBB2_3:
0xb4: {  	[tilespmem:s7], [sflag:$0x5] =	stream.indirect.gather [hbm4b:s15+s25], $0x40, s5, s25, $0xb8;
	[tilespmem:$0x10770] =	vst v63  }
0xb5: {  	s5 =	smov.u32 s23;
	s23 =	sadd.s32 $0x320, s23;
	_ =	swait.ge [sflag:s11], $0xA00  }
0xb6: {  	s7 =	sshra.s32 s5, $0x2;
	p4 =	sne.s32 s23, $0x1C20;
	[sflag:s11] =	ssyncset.done $0x0  }
0xb7: {  	s22 =	sadd.s32 $0x7D0, s7;
	[sflag:s11] =	ssyncadd.s32 $0xFFFFF600  }
0xb8: {  	[spmem:s1] =	stream.indirect.scatter.add.f32 [tilespmem:s24], [sflag:$0x6], $0x40, s22, s25, $0xb8;
	[tilespmem:$0x10770] =	vst v63  }
0xb9: {  	_ = 	snop  }
0xba: {  	[spmem:s2] =	stream.indirect.scatter.add.f32 @p3 [tilespmem:s3], [sflag:$0xD], $0x10, s22, s31, $0xb8;
	[tilespmem:$0x10770] =	vst v63  }
0xbb: {  	_ =	swait.ge [sflag:s12], $0xA00  }
0xbc: {  	[sflag:s12] =	ssyncset.done $0x0  }
0xbd: {  	s22 =	sadd.s32 $0xC8, s7;
	[sflag:s12] =	ssyncadd.s32 $0xFFFFF600  }
0xbe: {  	[tilespmem:s24], [sflag:$0x1] =	stream.indirect.gather [hbm4b:s15+s25], $0x40, s22, s25, $0xb8;
	[tilespmem:$0x10770] =	vst v63  }
0xbf: {  	_ =	swait.ge [sflag:s13], $0xA00  }
0xc0: {  	[sflag:s13] =	ssyncset.done $0x0  }
0xc1: {  	s24 =	sadd.s32 $0x7F8, s7;
	[sflag:s13] =	ssyncadd.s32 $0xFFFFF600  }
0xc2: {  	[spmem:s1] =	stream.indirect.scatter.add.f32 [tilespmem:s9], [sflag:$0x7], $0x40, s24, s25, $0xb8;
	[tilespmem:$0x10770] =	vst v63  }
0xc3: {  	_ =	swait.ge @!p3 [sflag:s4], $0xA00  }
0xc4: {  	s22 =	sshra.s32 @!p3 s5, $0x2;
	[sflag:s4] =	ssyncset.done @!p3 $0x0  }
0xc5: {  	s26 =	simm.s32 @!p3 $0x19A0;
	s9 =	sadd.s32 @!p3 $0xF0, s22;
	[sflag:s4] =	ssyncadd.s32 @!p3 $0xFFFFF600  }
0xc6: {  	[tilespmem:s26], [sflag:$0x2] =	stream.indirect.gather @!p3 [hbm4b:s15+s19], $0x40, s9, s19, $0xb8;
	[tilespmem:$0x10770] =	vst v63  }
0xc7: {  	_ =	swait.ge @!p3 [sflag:s14], $0xA00  }
0xc8: {  	[sflag:s14] =	ssyncset.done @!p3 $0x0  }
0xc9: {  	s9 =	sadd.s32 @!p3 $0x820, s22;
	s26 =	simm.s32 @!p3 $0x23A0;
	[sflag:s14] =	ssyncadd.s32 @!p3 $0xFFFFF600  }
0xca: {  	[spmem:s1] =	stream.indirect.scatter.add.f32 @!p3 [tilespmem:s26], [sflag:$0x8], $0x40, s9, s19, $0xb8;
	[tilespmem:$0x10770] =	vst v63  }
0xcb: {  	_ = 	snop  }
0xcc: {  	[spmem:s2] =	stream.indirect.scatter.add.f32 @p3 [tilespmem:s3], [sflag:$0xD], $0x10, s24, s31, $0xb8;
	[tilespmem:$0x10770] =	vst v63  }
0xcd: {  	_ =	swait.ge @p3 [sflag:s20], $0xA00  }
0xce: {  	s5 =	sshra.s32 @p3 s5, $0x2;
	[sflag:s20] =	ssyncset.done @p3 $0x0  }
0xcf: {  	s9 =	sadd.s32 @p3 $0xF0, s5;
	s24 =	simm.s32 @p3 $0x19A0;
	[sflag:s20] =	ssyncadd.s32 @p3 $0xFFFFF600  }
0xd0: {  	[tilespmem:s24], [sflag:$0x2] =	stream.indirect.gather @p3 [hbm4b:s15+s31], $0x40, s9, s31, $0xb8;
	[tilespmem:$0x10770] =	vst v63  }
0xd1: {  	_ =	swait.ge @p3 [sflag:s6], $0xA00  }
0xd2: {  	[sflag:s6] =	ssyncset.done @p3 $0x0  }
0xd3: {  	s9 =	sadd.s32 @p3 $0x820, s5;
	s24 =	simm.s32 @p3 $0x23A0;
	[sflag:s6] =	ssyncadd.s32 @p3 $0xFFFFF600  }
0xd4: {  	[spmem:s1] =	stream.indirect.scatter.add.f32 @p3 [tilespmem:s24], [sflag:$0x8], $0x40, s9, s31, $0xb8;
	[tilespmem:$0x10770] =	vst v63  }
0xd5: {  	_ = 	snop  }
0xd6: {  	[spmem:s2] =	stream.indirect.scatter.add.f32 @p3 [tilespmem:s3], [sflag:$0xD], $0x10, s9, s31, $0xb8;
	[tilespmem:$0x10770] =	vst v63  }
0xd7: {  	_ =	swait.ge [sflag:s16], $0xA00  }
0xd8: {  	[sflag:s16] =	ssyncset.done $0x0  }
0xd9: {  	s24 =	simm.s32 $0x23A0;
	s9 =	sadd.s32 $0x118, s7;
	[sflag:s16] =	ssyncadd.s32 $0xFFFFF600  }
0xda: {  	[tilespmem:s24], [sflag:$0x3] =	stream.indirect.gather [hbm4b:s15+s25], $0x40, s9, s25, $0xb8;
	[tilespmem:$0x10770] =	vst v63  }
0xdb: {  	_ =	swait.ge [sflag:s17], $0xA00  }
0xdc: {  	[sflag:s17] =	ssyncset.done $0x0  }
0xdd: {  	s9 =	sadd.s32 $0x848, s7;
	[sflag:s17] =	ssyncadd.s32 $0xFFFFF600  }
0xde: {  	[spmem:s1] =	stream.indirect.scatter.add.f32 [tilespmem:s21], [sflag:$0x9], $0x40, s9, s25, $0xb8;
	[tilespmem:$0x10770] =	vst v63  }
0xdf: {  	_ =	swait.ge @!p3 [sflag:s10], $0xA00  }
0xe0: {  	[sflag:s10] =	ssyncset.done @!p3 $0x0  }
0xe1: {  	s26 =	simm.s32 @!p3 $0x2DA0;
	s24 =	sadd.s32 @!p3 $0x140, s22;
	[sflag:s10] =	ssyncadd.s32 @!p3 $0xFFFFF600  }
0xe2: {  	[tilespmem:s26], [sflag:$0x4] =	stream.indirect.gather @!p3 [hbm4b:s15+s19], $0x40, s24, s19, $0xb8;
	[tilespmem:$0x10770] =	vst v63  }
0xe3: {  	s24 =	simm.s32 $0xFA0  }
0xe4: {  	_ =	swait.ge @!p3 [sflag:s29], $0xA00  }
0xe5: {  	[sflag:s29] =	ssyncset.done @!p3 $0x0  }
0xe6: {  	s22 =	sadd.s32 @!p3 $0x870, s22;
	[sflag:s29] =	ssyncadd.s32 @!p3 $0xFFFFF600  }
0xe7: {  	[spmem:s1] =	stream.indirect.scatter.add.f32 @!p3 [tilespmem:s28], [sflag:$0xA], $0x40, s22, s19, $0xb8;
	[tilespmem:$0x10770] =	vst v63  }
0xe8: {  	_ = 	snop  }
0xe9: {  	[spmem:s2] =	stream.indirect.scatter.add.f32 @p3 [tilespmem:s3], [sflag:$0xD], $0x10, s9, s31, $0xb8;
	[tilespmem:$0x10770] =	vst v63  }
0xea: {  	_ =	swait.ge @p3 [sflag:s30], $0xA00  }
0xeb: {  	[sflag:s30] =	ssyncset.done @p3 $0x0  }
0xec: {  	s22 =	simm.s32 @p3 $0x2DA0;
	s9 =	sadd.s32 @p3 $0x140, s5;
	[sflag:s30] =	ssyncadd.s32 @p3 $0xFFFFF600  }
0xed: {  	[tilespmem:s22], [sflag:$0x4] =	stream.indirect.gather @p3 [hbm4b:s15+s31], $0x40, s9, s31, $0xb8;
	[tilespmem:$0x10770] =	vst v63  }
0xee: {  	s9 =	simm.s32 $0x19A0  }
0xef: {  	_ =	swait.ge @p3 [sflag:s0], $0xA00  }
0xf0: {  	[sflag:s0] =	ssyncset.done @p3 $0x0  }
0xf1: {  	s5 =	sadd.s32 @p3 $0x870, s5;
	[sflag:s0] =	ssyncadd.s32 @p3 $0xFFFFF600  }
0xf2: {  	[spmem:s1] =	stream.indirect.scatter.add.f32 @p3 [tilespmem:s8], [sflag:$0xA], $0x40, s5, s31, $0xb8;
	[tilespmem:$0x10770] =	vst v63  }
.Ltmp4:
0xf3: {  	(pc) =	sbr.rel @p4 .LBB2_3-.Ltmp4, $4  }
0xf4: {  	[spmem:s2] =	stream.indirect.scatter.add.f32 @p3 [tilespmem:s3], [sflag:$0xD], $0x10, s5, s31, $0xb8;
	[tilespmem:$0x10770] =	vst v63  }
0xf5: {  	_ =	swait.ge [sflag:s18], $0xA00  }
0xf6: {  	[sflag:s18] =	ssyncset.done $0x0  }
0xf7: {  	s5 =	sadd.s32 $0x168, s7;
	s7 =	simm.s32 $0x37A0;
	[sflag:s18] =	ssyncadd.s32 $0xFFFFF600  }
0xf8: {  	[tilespmem:s7], [sflag:$0x5] =	stream.indirect.gather [hbm4b:s15+s25], $0x40, s5, s25, $0xb8;
	[tilespmem:$0x10770] =	vst v63  }
0xf9: {  	_ =	swait.ge [sflag:s11], $0xA00  }
0xfa: {  	[sflag:s11] =	ssyncset.done $0x0  }
0xfb: {  	s0 =	simm.s32 $0xED8;
	[sflag:s11] =	ssyncadd.s32 $0xFFFFF600  }
0xfc: {  	[spmem:s1] =	stream.indirect.scatter.add.f32 [tilespmem:s24], [sflag:$0x6], $0x40, s0, s25, $0xb8;
	[tilespmem:$0x10770] =	vst v63  }
0xfd: {  	s0 =	simm.s32 @!p3 $0x6  }
0xfe: {  	_ =	swait.ge @!p3 [sflag:s0], $0xA00  }
0xff: {  	[sflag:s0] =	ssyncset.done @!p3 $0x0  }
0x100: {  	[sflag:s0] =	ssyncadd.s32 @!p3 $0xFFFFF600;
	s0 =	simm.s32 @!p3 $0x2  }
0x101: {  	_ =	swait.ge @!p3 [sflag:s0], $0xA00  }
0x102: {  	[sflag:s0] =	ssyncset.done @!p3 $0x0  }
0x103: {  	s4 =	simm.s32 @!p3 $0x19A0;
	[sflag:s0] =	ssyncadd.s32 @!p3 $0xFFFFF600;
	s0 =	simm.s32 @!p3 $0xF00  }
0x104: {  	[spmem:s1] =	stream.indirect.scatter.add.f32 @!p3 [tilespmem:s4], [sflag:$0x7], $0x40, s0, s19, $0xb8;
	[tilespmem:$0x10770] =	vst v63  }
0x105: {  	s0 =	simm.s32 @p3 $0xED8  }
0x106: {  	[spmem:s2] =	stream.indirect.scatter.add.f32 @p3 [tilespmem:s3], [sflag:$0xD], $0x10, s0, s31, $0xb8;
	[tilespmem:$0x10770] =	vst v63  }
0x107: {  	s0 =	simm.s32 @p3 $0x6  }
0x108: {  	_ =	swait.ge @p3 [sflag:s0], $0xA00  }
0x109: {  	[sflag:s0] =	ssyncset.done @p3 $0x0  }
0x10a: {  	[sflag:s0] =	ssyncadd.s32 @p3 $0xFFFFF600;
	s0 =	simm.s32 @p3 $0x2  }
0x10b: {  	_ =	swait.ge @p3 [sflag:s0], $0xA00  }
0x10c: {  	[sflag:s0] =	ssyncset.done @p3 $0x0  }
0x10d: {  	s4 =	simm.s32 @p3 $0x19A0;
	[sflag:s0] =	ssyncadd.s32 @p3 $0xFFFFF600;
	s0 =	simm.s32 @p3 $0xF00  }
0x10e: {  	[spmem:s1] =	stream.indirect.scatter.add.f32 @p3 [tilespmem:s4], [sflag:$0x7], $0x40, s0, s31, $0xb8;
	[tilespmem:$0x10770] =	vst v63  }
0x10f: {  	s23 =	simm.s32 $0x7  }
0x110: {  	[spmem:s2] =	stream.indirect.scatter.add.f32 @p3 [tilespmem:s3], [sflag:$0xD], $0x10, s0, s31, $0xb8;
	[tilespmem:$0x10770] =	vst v63  }
0x111: {  	_ =	swait.ge [sflag:s23], $0xA00  }
0x112: {  	[sflag:s23] =	ssyncset.done $0x0  }
0x113: {  	s26 =	simm.s32 $0x3;
	[sflag:s23] =	ssyncadd.s32 $0xFFFFF600  }
0x114: {  	_ =	swait.ge [sflag:s26], $0xA00  }
0x115: {  	s28 =	simm.s32 $0xF28;
	[sflag:s26] =	ssyncset.done $0x0  }
0x116: {  	s29 =	simm.s32 $0x23A0;
	s0 =	simm.s32 @!p3 $0x8;
	[sflag:s26] =	ssyncadd.s32 $0xFFFFF600  }
0x117: {  	[spmem:s1] =	stream.indirect.scatter.add.f32 [tilespmem:s29], [sflag:$0x8], $0x40, s28, s25, $0xb8;
	[tilespmem:$0x10770] =	vst v63  }
0x118: {  	_ =	swait.ge @!p3 [sflag:s0], $0xA00  }
0x119: {  	[sflag:s0] =	ssyncset.done @!p3 $0x0  }
0x11a: {  	[sflag:s0] =	ssyncadd.s32 @!p3 $0xFFFFF600;
	s0 =	simm.s32 @!p3 $0x4  }
0x11b: {  	_ =	swait.ge @!p3 [sflag:s0], $0xA00  }
0x11c: {  	[sflag:s0] =	ssyncset.done @!p3 $0x0  }
0x11d: {  	s4 =	simm.s32 @!p3 $0x2DA0;
	[sflag:s0] =	ssyncadd.s32 @!p3 $0xFFFFF600;
	s0 =	simm.s32 @!p3 $0xF50  }
0x11e: {  	[spmem:s1] =	stream.indirect.scatter.add.f32 @!p3 [tilespmem:s4], [sflag:$0x9], $0x40, s0, s19, $0xb8;
	[tilespmem:$0x10770] =	vst v63  }
0x11f: {  	s0 =	simm.s32 @p3 $0xF28  }
0x120: {  	[spmem:s2] =	stream.indirect.scatter.add.f32 @p3 [tilespmem:s3], [sflag:$0xD], $0x10, s0, s31, $0xb8;
	[tilespmem:$0x10770] =	vst v63  }
0x121: {  	s0 =	simm.s32 @p3 $0x8  }
0x122: {  	_ =	swait.ge @p3 [sflag:s0], $0xA00  }
0x123: {  	[sflag:s0] =	ssyncset.done @p3 $0x0  }
0x124: {  	[sflag:s0] =	ssyncadd.s32 @p3 $0xFFFFF600;
	s0 =	simm.s32 @p3 $0x4  }
0x125: {  	_ =	swait.ge @p3 [sflag:s0], $0xA00  }
0x126: {  	[sflag:s0] =	ssyncset.done @p3 $0x0  }
0x127: {  	s4 =	simm.s32 @p3 $0x2DA0;
	[sflag:s0] =	ssyncadd.s32 @p3 $0xFFFFF600;
	s0 =	simm.s32 @p3 $0xF50  }
0x128: {  	[spmem:s1] =	stream.indirect.scatter.add.f32 @p3 [tilespmem:s4], [sflag:$0x9], $0x40, s0, s31, $0xb8;
	[tilespmem:$0x10770] =	vst v63  }
0x129: {  	s30 =	simm.s32 $0x9  }
0x12a: {  	[spmem:s2] =	stream.indirect.scatter.add.f32 @p3 [tilespmem:s3], [sflag:$0xD], $0x10, s0, s31, $0xb8;
	[tilespmem:$0x10770] =	vst v63  }
0x12b: {  	_ =	swait.ge [sflag:s30], $0xA00  }
0x12c: {  	[sflag:s30] =	ssyncset.done $0x0  }
.Ltmp5:
0x12d: {  	s31 =	simm.s32 $0x5;
	[sflag:s30] =	ssyncadd.s32 $0xFFFFF600;
	(pc) =	sbr.rel @!p3 .LBB2_8-.Ltmp5, $4  }
0x12e: {  	_ =	swait.ge [sflag:s31], $0xA00  }
0x12f: {  	[sflag:s31] =	ssyncset.done $0x0  }
0x130: {  	s8 =	simm.s32 $0x23A0;
	s3 =	simm.s32 $0xF78;
	[sflag:s31] =	ssyncadd.s32 $0xFFFFF600  }
0x131: {  	[spmem:s1] =	stream.indirect.scatter.add.f32 [tilespmem:s7], [sflag:$0xA], $0x40, s3, s25, $0xb8;
	[tilespmem:$0x10770] =	vst v63  }
0x132: {  	s0 =	simm.s32 $0x41A0  }
0x133: {  	[spmem:s2] =	stream.indirect.scatter.add.f32 [tilespmem:s0], [sflag:$0xD], $0x10, s3, s25, $0xb8;
	[tilespmem:$0x10770] =	vst v63  }
0x134: {  	_ =	swait.ge [sflag:s18], $0xA00  }
0x135: {  	[sflag:s18] =	ssyncset.done $0x0  }
0x136: {  	s3 =	simm.s32 $0xD;
	[sflag:s18] =	ssyncadd.s32 $0xFFFFF600  }
0x137: {  	_ =	swait.ge [sflag:s3], $0x280  }
0x138: {  	s22 =	simm.s32 $0x2DA0;
	s14 =	rddreg [dreg:$0xb]  }
0x139: {  	s0 =	simm.s32 $0x31;
	[sflag:s3] =	ssyncset.done $0x0;
	s5 =	rddreg [dreg:$0x1a]  }
.LBB2_6:
0x13a: {  	p3 =	seq.s32 s0, $0x1;
	s0 =	sadd.s32 $0xFFFFFFFF, s0;
	[sflag:s3] =	ssyncadd.s32 $0xFFFFFD80  }
.Ltmp6:
0x13b: {  	(pc) =	sbr.rel @!p3 .LBB2_6-.Ltmp6, $3  }
0x13c: {  	_ =	sdelay $0x1  }
0x13d: {  	_ =	swait.ge [sflag:s3], $0x280  }
0x13e: {  	[sflag:s3] =	ssyncset.done $0x0  }
.Ltmp7:
0x13f: {  	(pc) =	sbr.rel .LBB2_9-.Ltmp7, $2  }
0x140: {  	_ =	sdelay $0x2  }
0x141: {  	[sflag:s3] =	ssyncadd.s32 $0xFFFFFD80  }
.LBB2_11:
0x142: {  	_ =	sfence.sel $0x180000  }
0x143: {  	[bflag:$0x0] =	sbarrier.arrive $0xFFFF  }
0x144: {  	_ =	strace $0x90000047  }
0x145: {  	[bflag:$0x2] =	sbarrier.arrive $0xFFFF  }
0x146: {  	s0 =	rddreg [dreg:$0x4]  }
0x147: {  	s0 =	sadd.s32 @!p1 $0x100000, s0  }
0x148: {  	[sflag:s0] =	ssyncadd.tile.s32 @!p1 $0x1;
	_ =	shalt  }
.Lfunc_end2:
_tile_overlayer_lowered:
.L_overlay_start_2:
0x149: {  	(tag) =	ssettag $0x2  }
0x14a: {  	s0 =	rddreg [dreg:$0x0];
	s2 =	stileid.u32  }
0x14b: {  	s1 =	rddreg [dreg:$0x1];
	p0 =	sne.s32 s2, $0x0  }
0x14c: {  	s3 =	rddreg [dreg:$0x2];
	[bflag:$0x3] =	sbarrier.arrive $0xFFFF;
	s2 =	simm.s32 @!p0 $0x1C0E  }
0x14d: {  	[timem:s3], [sflag:s2] =	dma.local @!p0 [hbm:s0], s1  }
0x14e: {  	s0 =	simm.s32 @!p0 $0xE  }
0x14f: {  	_ =	swait.ge @!p0 [sflag:s0], s1  }
0x150: {  	s1 =	ssub.s32 @!p0 $0x0, s1;
	[sflag:s0] =	ssyncset.done @!p0 $0x0  }
0x151: {  	[sflag:s0] =	ssyncadd.s32 @!p0 s1  }
0x152: {  	[bflag:$0x3] =	sbarrier.arrive $0xFFFF  }
0x153: {  	_ =	shalt  }

</sc_bundles>
